<compile_context>
chip_gen: v7x
topology: tpu7x:2x2x1
jax: 0.10.2.dev20260603
libtpu: 0.0.44.dev20260713+nightly
codegen_flags: <defaults>
</compile_context>

<pallas_src>
import functools

import jax
import jax.numpy as jnp
from jax import lax
from jax.experimental import pallas as pl
from jax.experimental.pallas import tpu as pltpu
from jax.experimental.pallas import tpu_sc as plsc

NC = 2
NS = 16
LANES = 16
CHUNK = 2000
TBLK = 1000


def _sc_angle_kernel(E: int, A: int):
    n_workers = NC * NS
    per_w = A // n_workers
    n_chunks = per_w // CHUNK
    n_tb = E // (NS * TBLK)
    assert per_w * n_workers == A and n_chunks * CHUNK == per_w
    assert n_tb * NS * TBLK == E and n_chunks % 2 == 0

    mesh = plsc.VectorSubcoreMesh(
        core_axis_name="c", subcore_axis_name="s",
        num_cores=NC, num_subcores=NS)

    @functools.partial(
        pl.kernel,
        out_type=jax.ShapeDtypeStruct((A,), jnp.float32),
        mesh=mesh,
        scratch_types=[
            pltpu.VMEM_SHARED((E, 3), jnp.float32),
            pltpu.VMEM((TBLK,), jnp.float32),
            pltpu.VMEM((TBLK,), jnp.float32),
            pltpu.VMEM((TBLK,), jnp.float32),
            pltpu.VMEM((TBLK,), jnp.float32),
            pltpu.VMEM((TBLK, 3), jnp.float32),
            pltpu.VMEM((2, CHUNK), jnp.int32),
            pltpu.VMEM((2, CHUNK), jnp.int32),
            pltpu.VMEM((2, CHUNK, 3), jnp.float32),
            pltpu.VMEM((2, CHUNK, 3), jnp.float32),
            pltpu.VMEM((2, CHUNK), jnp.float32),
            pltpu.SemaphoreType.DMA,
            pltpu.SemaphoreType.DMA,
            pltpu.SemaphoreType.DMA,
            pltpu.SemaphoreType.DMA,
        ],
        compiler_params=pltpu.CompilerParams(
            needs_layout_passes=False, use_tc_tiling_on_sc=False),
    )
    def sc_angles(d_hbm, vx_hbm, vy_hbm, vz_hbm, src_hbm, dst_hbm, out_hbm,
                  table, bx, by, bz, bd, btile,
                  sidx, didx, srow, drow, outv, g0, g1, o0, o1):
        cid = lax.axis_index("c")
        sid = lax.axis_index("s")
        wid = sid * NC + cid
        base_w = wid * per_w
        gsem = (g0, g1)
        osem = (o0, o1)

        c0 = jnp.zeros((LANES,), jnp.int32)
        c1 = jnp.full((LANES,), 1, jnp.int32)
        c2 = jnp.full((LANES,), 2, jnp.int32)

        def build_step(tb, carry):
            base = (sid * n_tb + tb) * TBLK
            sl = pl.ds(base, TBLK)
            pltpu.async_copy(vx_hbm.at[sl], bx, g0)
            pltpu.async_copy(vy_hbm.at[sl], by, g0)
            pltpu.async_copy(vz_hbm.at[sl], bz, g0)
            pltpu.async_copy(d_hbm.at[sl], bd, g0)
            pltpu.make_async_copy(vx_hbm.at[sl], bx, g0).wait()
            pltpu.make_async_copy(vy_hbm.at[sl], by, g0).wait()
            pltpu.make_async_copy(vz_hbm.at[sl], bz, g0).wait()
            pltpu.make_async_copy(d_hbm.at[sl], bd, g0).wait()

            def inter_body(i, c):
                r = lax.iota(jnp.int32, LANES) + i * LANES
                sl = pl.ds(i * LANES, LANES)
                inv = jnp.float32(1.0) / bd[sl]
                plsc.store_scatter(btile, [r, c0], bx[sl] * inv)
                plsc.store_scatter(btile, [r, c1], by[sl] * inv)
                plsc.store_scatter(btile, [r, c2], bz[sl] * inv)
                return c

            lax.fori_loop(0, TBLK // LANES, inter_body, 0, unroll=4)
            pltpu.sync_copy(btile, table.at[pl.ds(base, TBLK)])
            return carry

        with jax.named_scope("table_build"):
            lax.fori_loop(0, n_tb, build_step, 0)
            plsc.subcore_barrier()

        def gather_start(k, b):
            base = base_w + k * CHUNK
            pltpu.async_copy(src_hbm.at[pl.ds(base, CHUNK)], sidx.at[b], gsem[b])
            pltpu.async_copy(dst_hbm.at[pl.ds(base, CHUNK)], didx.at[b], gsem[b])
            pltpu.make_async_copy(
                src_hbm.at[pl.ds(base, CHUNK)], sidx.at[b], gsem[b]).wait()
            pltpu.make_async_copy(
                dst_hbm.at[pl.ds(base, CHUNK)], didx.at[b], gsem[b]).wait()
            pltpu.async_copy(table.at[sidx.at[b]], srow.at[b], gsem[b])
            pltpu.async_copy(table.at[didx.at[b]], drow.at[b], gsem[b])

        def gather_wait(b):
            pltpu.make_async_copy(
                table.at[sidx.at[b]], srow.at[b], gsem[b]).wait()
            pltpu.make_async_copy(
                table.at[didx.at[b]], drow.at[b], gsem[b]).wait()

        def compute(k, b):
            sr = srow.at[b]
            dr = drow.at[b]
            ov = outv.at[b]

            def vec_body(i, carry2):
                r = lax.iota(jnp.int32, LANES) + i * LANES
                sx = plsc.load_gather(sr, [r, c0])
                sy = plsc.load_gather(sr, [r, c1])
                sz = plsc.load_gather(sr, [r, c2])
                dx = plsc.load_gather(dr, [r, c0])
                dy = plsc.load_gather(dr, [r, c1])
                dz = plsc.load_gather(dr, [r, c2])
                u = jnp.float32(0.95) * (sx * dx + sy * dy + sz * dz)
                au = jnp.abs(u)
                t = jnp.float32(1.0) - au
                yi = lax.bitcast_convert_type(t, jnp.int32)
                yi = jnp.int32(0x5F3759DF) - lax.shift_right_arithmetic(
                    yi, jnp.int32(1))
                y = lax.bitcast_convert_type(yi, jnp.float32)
                half_t = jnp.float32(0.5) * t
                for _ in range(2):
                    y = y * (jnp.float32(1.5) - half_t * y * y)
                s = t * y
                p = jnp.float32(-0.0187293)
                for coef in (0.0742610, -0.2121144, 1.5707288):
                    p = p * au + jnp.float32(coef)
                pos = s * p
                ov[pl.ds(i * LANES, LANES)] = jnp.where(
                    u >= 0, pos, jnp.float32(3.14159265359) - pos)
                return carry2

            lax.fori_loop(0, CHUNK // LANES, vec_body, 0, unroll=4)
            pltpu.async_copy(
                ov, out_hbm.at[pl.ds(base_w + k * CHUNK, CHUNK)], osem[b])

        def out_wait(k, b):
            pltpu.make_async_copy(
                outv.at[b], out_hbm.at[pl.ds(base_w + k * CHUNK, CHUNK)],
                osem[b]).wait()

        with jax.named_scope("prologue"):
            gather_start(0, 0)
            gather_start(1, 1)

        def pair_body(t, carry):
            k0 = 2 * t
            for b in (0, 1):
                k = k0 + b
                gather_wait(b)

                @pl.when(t > 0)
                def _():
                    out_wait(k, b)

                compute(k, b)

                @pl.when(k + 2 < n_chunks)
                def _():
                    gather_start(k + 2, b)
            return carry

        lax.fori_loop(0, n_chunks // 2, pair_body, 0)
        out_wait(n_chunks - 2, 0)
        out_wait(n_chunks - 1, 1)

    return sc_angles


def kernel(distances, vec, angle_src, angle_dst):
    A = angle_src.shape[0]
    E = distances.shape[0]
    vx = vec[:, 0]
    vy = vec[:, 1]
    vz = vec[:, 2]
    return _sc_angle_kernel(E, A)(
        distances, vx, vy, vz, angle_src, angle_dst)

# --- scband reference (transcript-rebuilt; emitter-appended) ---
"""Pipeline reference for scband-graph-angle-processor-21225728377455 (READ-ONLY COPY).

The authoritative reference and input builder live on the scoring server;
editing this copy changes nothing except your own understanding.
"""

import jax, jax.numpy as jnp
import numpy as np

E = 160000
A = 2560000

def setup_inputs(seed: int = 0) -> dict:
    key = jax.random.key(seed)
    k1, k2, k3 = jax.random.split(key, 3)
    # Cartesian displacement vectors for each edge; distances are their norms
    # (physically consistent so that cos_angles stays in [-1, 1]).
    vec = jax.random.normal(k1, (E, 3), dtype=jnp.float32) * 2.0
    distances = jnp.linalg.norm(vec, axis=-1).astype(jnp.float32)
    angle_src = jax.random.randint(k2, (A,), 0, E, dtype=jnp.int32)
    angle_dst = jax.random.randint(k3, (A,), 0, E, dtype=jnp.int32)
    return {
        'distances': distances,
        'vec': vec,
        'angle_src': angle_src,
        'angle_dst': angle_dst,
    }

def reference(distances, vec, angle_src, angle_dst):
    # Faithful translation of GraphAngleProcessor.__call__ on graph tensors.
    d1 = distances.at[angle_src].get(mode='fill', fill_value=1.0)
    d2 = distances.at[angle_dst].get(mode='fill', fill_value=1.0)
    vec1 = vec.at[angle_src].get(mode='fill', fill_value=1.0)
    vec2 = vec.at[angle_dst].get(mode='fill', fill_value=0.0)
    cos_angles = (vec1 * vec2).sum(axis=-1) / jnp.maximum(d1 * d2, 1e-10)
    angles = jnp.arccos(0.95 * cos_angles)
    return angles

if __name__ == "__main__":
    import jax
    _d = setup_inputs()
    print(jax.jit(kernel)(*tuple(_d.values())))

</pallas_src>

<mosaic_0001>
#map = affine_map<(d0, d1) -> (0)>
module attributes {stable_mosaic.version = 14 : i64} {
  func.func @sc_angles(%arg0: i32, %arg1: i32, %arg2: memref<160000xf32, #tpu.memory_space<hbm>>, %arg3: memref<160000xf32, #tpu.memory_space<hbm>>, %arg4: memref<160000xf32, #tpu.memory_space<hbm>>, %arg5: memref<160000xf32, #tpu.memory_space<hbm>>, %arg6: memref<2560000xi32, #tpu.memory_space<hbm>>, %arg7: memref<2560000xi32, #tpu.memory_space<hbm>>, %arg8: memref<2560000xf32, #tpu.memory_space<hbm>>, %arg9: memref<160000x3xf32, #tpu.memory_space<vmem_shared>>, %arg10: memref<1000xf32, #tpu.memory_space<vmem>>, %arg11: memref<1000xf32, #tpu.memory_space<vmem>>, %arg12: memref<1000xf32, #tpu.memory_space<vmem>>, %arg13: memref<1000xf32, #tpu.memory_space<vmem>>, %arg14: memref<1000x3xf32, #tpu.memory_space<vmem>>, %arg15: memref<2x2000xi32, #tpu.memory_space<vmem>>, %arg16: memref<2x2000xi32, #tpu.memory_space<vmem>>, %arg17: memref<2x2000x3xf32, #tpu.memory_space<vmem>>, %arg18: memref<2x2000x3xf32, #tpu.memory_space<vmem>>, %arg19: memref<2x2000xf32, #tpu.memory_space<vmem>>, %arg20: memref<!tpu.dma_semaphore, #tpu.memory_space<semaphore_mem>>, %arg21: memref<!tpu.dma_semaphore, #tpu.memory_space<semaphore_mem>>, %arg22: memref<!tpu.dma_semaphore, #tpu.memory_space<semaphore_mem>>, %arg23: memref<!tpu.dma_semaphore, #tpu.memory_space<semaphore_mem>>) attributes {dimension_semantics = [#tpu.dimension_semantics<core_parallel>, #tpu.dimension_semantics<subcore_parallel>], iteration_bounds = array<i64: 2, 16>, scalar_prefetch = 0 : i64, scratch_operands = 15 : i64, tpu.core_type = #tpu.core_type<sc_vector_subcore>, window_params = [{transform_indices = #map}, {transform_indices = #map}, {transform_indices = #map}, {transform_indices = #map}, {transform_indices = #map}, {transform_indices = #map}, {transform_indices = #map}]} {
    %mul3A = arith.constant 2 : i32
    %mul3A_0 = arith.muli %arg1, %mul3A : i32
    %add3A = arith.addi %mul3A_0, %arg0 : i32
    %mul3A_1 = arith.constant 80000 : i32
    %mul3A_2 = arith.muli %add3A, %mul3A_1 : i32
    %broadcast_in_dim3A = arith.constant 0 : i32
    %broadcast_in_dim3A_3 = vector.broadcast %broadcast_in_dim3A : i32 to vector<16xi32>
    %broadcast_in_dim3A_4 = arith.constant 1 : i32
    %broadcast_in_dim3A_5 = vector.broadcast %broadcast_in_dim3A_4 : i32 to vector<16xi32>
    %broadcast_in_dim3A_6 = arith.constant 2 : i32
    %broadcast_in_dim3A_7 = vector.broadcast %broadcast_in_dim3A_6 : i32 to vector<16xi32>
    "tpu.trace_start"() <{level = 10 : i32, message = "table_build"}> : () -> ()
    %scan3A = arith.constant 0 : i32
    %scan3A_8 = arith.constant 0 : i32
    %scan3A_9 = arith.constant 10 : i32
    %scan3A_10 = arith.addi %scan3A_8, %scan3A_9 : i32
    %scan3A_11 = arith.constant 1 : i32
    scf.for %scan3A_163 = %scan3A_8 to %scan3A_10 step %scan3A_11  : i32 {
      %mul3A_164 = arith.constant 10 : i32
      %mul3A_165 = arith.muli %arg1, %mul3A_164 : i32
      %add3A_166 = arith.addi %mul3A_165, %scan3A_163 : i32
      %mul3A_167 = arith.constant 1000 : i32
      %mul3A_168 = arith.muli %add3A_166, %mul3A_167 : i32
      %dma_start3A_169 = tpu.memref_slice %arg3[%mul3A_168] : memref<160000xf32, #tpu.memory_space<hbm>> -> memref<1000xf32, #tpu.memory_space<hbm>>
      %dma_start3A_170 = tpu.memref_slice %arg3[%mul3A_168] : memref<160000xf32, #tpu.memory_space<hbm>> -> memref<1000xf32, #tpu.memory_space<hbm>>
      tpu.enqueue_dma source(%dma_start3A_170 : memref<1000xf32, #tpu.memory_space<hbm>>) target(%arg10 : memref<1000xf32, #tpu.memory_space<vmem>>) target_semaphore(%arg20 : memref<!tpu.dma_semaphore, #tpu.memory_space<semaphore_mem>>)
      %dma_start3A_171 = tpu.memref_slice %arg4[%mul3A_168] : memref<160000xf32, #tpu.memory_space<hbm>> -> memref<1000xf32, #tpu.memory_space<hbm>>
      %dma_start3A_172 = tpu.memref_slice %arg4[%mul3A_168] : memref<160000xf32, #tpu.memory_space<hbm>> -> memref<1000xf32, #tpu.memory_space<hbm>>
      tpu.enqueue_dma source(%dma_start3A_172 : memref<1000xf32, #tpu.memory_space<hbm>>) target(%arg11 : memref<1000xf32, #tpu.memory_space<vmem>>) target_semaphore(%arg20 : memref<!tpu.dma_semaphore, #tpu.memory_space<semaphore_mem>>)
      %dma_start3A_173 = tpu.memref_slice %arg5[%mul3A_168] : memref<160000xf32, #tpu.memory_space<hbm>> -> memref<1000xf32, #tpu.memory_space<hbm>>
      %dma_start3A_174 = tpu.memref_slice %arg5[%mul3A_168] : memref<160000xf32, #tpu.memory_space<hbm>> -> memref<1000xf32, #tpu.memory_space<hbm>>
      tpu.enqueue_dma source(%dma_start3A_174 : memref<1000xf32, #tpu.memory_space<hbm>>) target(%arg12 : memref<1000xf32, #tpu.memory_space<vmem>>) target_semaphore(%arg20 : memref<!tpu.dma_semaphore, #tpu.memory_space<semaphore_mem>>)
      %dma_start3A_175 = tpu.memref_slice %arg2[%mul3A_168] : memref<160000xf32, #tpu.memory_space<hbm>> -> memref<1000xf32, #tpu.memory_space<hbm>>
      %dma_start3A_176 = tpu.memref_slice %arg2[%mul3A_168] : memref<160000xf32, #tpu.memory_space<hbm>> -> memref<1000xf32, #tpu.memory_space<hbm>>
      tpu.enqueue_dma source(%dma_start3A_176 : memref<1000xf32, #tpu.memory_space<hbm>>) target(%arg13 : memref<1000xf32, #tpu.memory_space<vmem>>) target_semaphore(%arg20 : memref<!tpu.dma_semaphore, #tpu.memory_space<semaphore_mem>>)
      %dma_wait3A_177 = tpu.memref_slice %arg3[%mul3A_168] : memref<160000xf32, #tpu.memory_space<hbm>> -> memref<1000xf32, #tpu.memory_space<hbm>>
      %dma_wait3A_178 = tpu.memref_slice %arg3[%mul3A_168] : memref<160000xf32, #tpu.memory_space<hbm>> -> memref<1000xf32, #tpu.memory_space<hbm>>
      tpu.wait_dma2 semaphore(%arg20 : memref<!tpu.dma_semaphore, #tpu.memory_space<semaphore_mem>>) src(%dma_wait3A_178 : memref<1000xf32, #tpu.memory_space<hbm>>) dst(%arg10 : memref<1000xf32, #tpu.memory_space<vmem>>)
      %dma_wait3A_179 = tpu.memref_slice %arg4[%mul3A_168] : memref<160000xf32, #tpu.memory_space<hbm>> -> memref<1000xf32, #tpu.memory_space<hbm>>
      %dma_wait3A_180 = tpu.memref_slice %arg4[%mul3A_168] : memref<160000xf32, #tpu.memory_space<hbm>> -> memref<1000xf32, #tpu.memory_space<hbm>>
      tpu.wait_dma2 semaphore(%arg20 : memref<!tpu.dma_semaphore, #tpu.memory_space<semaphore_mem>>) src(%dma_wait3A_180 : memref<1000xf32, #tpu.memory_space<hbm>>) dst(%arg11 : memref<1000xf32, #tpu.memory_space<vmem>>)
      %dma_wait3A_181 = tpu.memref_slice %arg5[%mul3A_168] : memref<160000xf32, #tpu.memory_space<hbm>> -> memref<1000xf32, #tpu.memory_space<hbm>>
      %dma_wait3A_182 = tpu.memref_slice %arg5[%mul3A_168] : memref<160000xf32, #tpu.memory_space<hbm>> -> memref<1000xf32, #tpu.memory_space<hbm>>
      tpu.wait_dma2 semaphore(%arg20 : memref<!tpu.dma_semaphore, #tpu.memory_space<semaphore_mem>>) src(%dma_wait3A_182 : memref<1000xf32, #tpu.memory_space<hbm>>) dst(%arg12 : memref<1000xf32, #tpu.memory_space<vmem>>)
      %dma_wait3A_183 = tpu.memref_slice %arg2[%mul3A_168] : memref<160000xf32, #tpu.memory_space<hbm>> -> memref<1000xf32, #tpu.memory_space<hbm>>
      %dma_wait3A_184 = tpu.memref_slice %arg2[%mul3A_168] : memref<160000xf32, #tpu.memory_space<hbm>> -> memref<1000xf32, #tpu.memory_space<hbm>>
      tpu.wait_dma2 semaphore(%arg20 : memref<!tpu.dma_semaphore, #tpu.memory_space<semaphore_mem>>) src(%dma_wait3A_184 : memref<1000xf32, #tpu.memory_space<hbm>>) dst(%arg13 : memref<1000xf32, #tpu.memory_space<vmem>>)
      %scan3A_185 = arith.constant 0 : i32
      %scan3A_186 = arith.constant 0 : i32
      %scan3A_187 = arith.constant 60 : i32
      %scan3A_188 = arith.addi %scan3A_186, %scan3A_187 : i32
      %scan3A_189 = arith.constant 4 : i32
      scf.for %scan3A_234 = %scan3A_186 to %scan3A_188 step %scan3A_189  : i32 {
        %iota3A_235 = tpu.iota {dimensions = array<i32: 0>} : vector<16xi32>
        %mul3A_236 = arith.constant 16 : i32
        %mul3A_237 = arith.muli %scan3A_234, %mul3A_236 : i32
        %add3A_238 = vector.broadcast %mul3A_237 : i32 to vector<16xi32>
        %add3A_239 = arith.addi %iota3A_235, %add3A_238 : vector<16xi32>
        %mul3A_240 = arith.constant 16 : i32
        %mul3A_241 = arith.muli %scan3A_234, %mul3A_240 : i32
        %get3A_242 = arith.index_cast %mul3A_241 : i32 to index
        %get3A_243 = tpu.vector_load %arg13[%get3A_242] {strides = array<i32>} : memref<1000xf32, #tpu.memory_space<vmem>>, vector<16xf32>,
        %div3A_244 = arith.constant 1.000000e+00 : f32
        %div3A_245 = vector.broadcast %div3A_244 : f32 to vector<16xf32>
        %div3A_246 = arith.divf %div3A_245, %get3A_243 : vector<16xf32>
        %get3A_247 = arith.index_cast %mul3A_241 : i32 to index
        %get3A_248 = tpu.vector_load %arg10[%get3A_247] {strides = array<i32>} : memref<1000xf32, #tpu.memory_space<vmem>>, vector<16xf32>,
        %mul3A_249 = arith.mulf %get3A_248, %div3A_246 : vector<16xf32>
        tpu.vector_store_idx %arg14[%add3A_239, %broadcast_in_dim3A_3], %mul3A_249 : memref<1000x3xf32, #tpu.memory_space<vmem>>[vector<16xi32>, vector<16xi32>], vector<16xf32>,
        %get3A_250 = arith.index_cast %mul3A_241 : i32 to index
        %get3A_251 = tpu.vector_load %arg11[%get3A_250] {strides = array<i32>} : memref<1000xf32, #tpu.memory_space<vmem>>, vector<16xf32>,
        %mul3A_252 = arith.mulf %get3A_251, %div3A_246 : vector<16xf32>
        tpu.vector_store_idx %arg14[%add3A_239, %broadcast_in_dim3A_5], %mul3A_252 : memref<1000x3xf32, #tpu.memory_space<vmem>>[vector<16xi32>, vector<16xi32>], vector<16xf32>,
        %get3A_253 = arith.index_cast %mul3A_241 : i32 to index
        %get3A_254 = tpu.vector_load %arg12[%get3A_253] {strides = array<i32>} : memref<1000xf32, #tpu.memory_space<vmem>>, vector<16xf32>,
        %mul3A_255 = arith.mulf %get3A_254, %div3A_246 : vector<16xf32>
        tpu.vector_store_idx %arg14[%add3A_239, %broadcast_in_dim3A_7], %mul3A_255 : memref<1000x3xf32, #tpu.memory_space<vmem>>[vector<16xi32>, vector<16xi32>], vector<16xf32>,
        %scan3A_256 = arith.constant 1 : i32
        %scan3A_257 = arith.addi %scan3A_234, %scan3A_256 : i32
        %iota3A_258 = tpu.iota {dimensions = array<i32: 0>} : vector<16xi32>
        %mul3A_259 = arith.constant 16 : i32
        %mul3A_260 = arith.muli %scan3A_257, %mul3A_259 : i32
        %add3A_261 = vector.broadcast %mul3A_260 : i32 to vector<16xi32>
        %add3A_262 = arith.addi %iota3A_258, %add3A_261 : vector<16xi32>
        %mul3A_263 = arith.constant 16 : i32
        %mul3A_264 = arith.muli %scan3A_257, %mul3A_263 : i32
        %get3A_265 = arith.index_cast %mul3A_264 : i32 to index
        %get3A_266 = tpu.vector_load %arg13[%get3A_265] {strides = array<i32>} : memref<1000xf32, #tpu.memory_space<vmem>>, vector<16xf32>,
        %div3A_267 = arith.constant 1.000000e+00 : f32
        %div3A_268 = vector.broadcast %div3A_267 : f32 to vector<16xf32>
        %div3A_269 = arith.divf %div3A_268, %get3A_266 : vector<16xf32>
        %get3A_270 = arith.index_cast %mul3A_264 : i32 to index
        %get3A_271 = tpu.vector_load %arg10[%get3A_270] {strides = array<i32>} : memref<1000xf32, #tpu.memory_space<vmem>>, vector<16xf32>,
        %mul3A_272 = arith.mulf %get3A_271, %div3A_269 : vector<16xf32>
        tpu.vector_store_idx %arg14[%add3A_262, %broadcast_in_dim3A_3], %mul3A_272 : memref<1000x3xf32, #tpu.memory_space<vmem>>[vector<16xi32>, vector<16xi32>], vector<16xf32>,
        %get3A_273 = arith.index_cast %mul3A_264 : i32 to index
        %get3A_274 = tpu.vector_load %arg11[%get3A_273] {strides = array<i32>} : memref<1000xf32, #tpu.memory_space<vmem>>, vector<16xf32>,
        %mul3A_275 = arith.mulf %get3A_274, %div3A_269 : vector<16xf32>
        tpu.vector_store_idx %arg14[%add3A_262, %broadcast_in_dim3A_5], %mul3A_275 : memref<1000x3xf32, #tpu.memory_space<vmem>>[vector<16xi32>, vector<16xi32>], vector<16xf32>,
        %get3A_276 = arith.index_cast %mul3A_264 : i32 to index
        %get3A_277 = tpu.vector_load %arg12[%get3A_276] {strides = array<i32>} : memref<1000xf32, #tpu.memory_space<vmem>>, vector<16xf32>,
        %mul3A_278 = arith.mulf %get3A_277, %div3A_269 : vector<16xf32>
        tpu.vector_store_idx %arg14[%add3A_262, %broadcast_in_dim3A_7], %mul3A_278 : memref<1000x3xf32, #tpu.memory_space<vmem>>[vector<16xi32>, vector<16xi32>], vector<16xf32>,
        %scan3A_279 = arith.constant 2 : i32
        %scan3A_280 = arith.addi %scan3A_234, %scan3A_279 : i32
        %iota3A_281 = tpu.iota {dimensions = array<i32: 0>} : vector<16xi32>
        %mul3A_282 = arith.constant 16 : i32
        %mul3A_283 = arith.muli %scan3A_280, %mul3A_282 : i32
        %add3A_284 = vector.broadcast %mul3A_283 : i32 to vector<16xi32>
        %add3A_285 = arith.addi %iota3A_281, %add3A_284 : vector<16xi32>
        %mul3A_286 = arith.constant 16 : i32
        %mul3A_287 = arith.muli %scan3A_280, %mul3A_286 : i32
        %get3A_288 = arith.index_cast %mul3A_287 : i32 to index
        %get3A_289 = tpu.vector_load %arg13[%get3A_288] {strides = array<i32>} : memref<1000xf32, #tpu.memory_space<vmem>>, vector<16xf32>,
        %div3A_290 = arith.constant 1.000000e+00 : f32
        %div3A_291 = vector.broadcast %div3A_290 : f32 to vector<16xf32>
        %div3A_292 = arith.divf %div3A_291, %get3A_289 : vector<16xf32>
        %get3A_293 = arith.index_cast %mul3A_287 : i32 to index
        %get3A_294 = tpu.vector_load %arg10[%get3A_293] {strides = array<i32>} : memref<1000xf32, #tpu.memory_space<vmem>>, vector<16xf32>,
        %mul3A_295 = arith.mulf %get3A_294, %div3A_292 : vector<16xf32>
        tpu.vector_store_idx %arg14[%add3A_285, %broadcast_in_dim3A_3], %mul3A_295 : memref<1000x3xf32, #tpu.memory_space<vmem>>[vector<16xi32>, vector<16xi32>], vector<16xf32>,
        %get3A_296 = arith.index_cast %mul3A_287 : i32 to index
        %get3A_297 = tpu.vector_load %arg11[%get3A_296] {strides = array<i32>} : memref<1000xf32, #tpu.memory_space<vmem>>, vector<16xf32>,
        %mul3A_298 = arith.mulf %get3A_297, %div3A_292 : vector<16xf32>
        tpu.vector_store_idx %arg14[%add3A_285, %broadcast_in_dim3A_5], %mul3A_298 : memref<1000x3xf32, #tpu.memory_space<vmem>>[vector<16xi32>, vector<16xi32>], vector<16xf32>,
        %get3A_299 = arith.index_cast %mul3A_287 : i32 to index
        %get3A_300 = tpu.vector_load %arg12[%get3A_299] {strides = array<i32>} : memref<1000xf32, #tpu.memory_space<vmem>>, vector<16xf32>,
        %mul3A_301 = arith.mulf %get3A_300, %div3A_292 : vector<16xf32>
        tpu.vector_store_idx %arg14[%add3A_285, %broadcast_in_dim3A_7], %mul3A_301 : memref<1000x3xf32, #tpu.memory_space<vmem>>[vector<16xi32>, vector<16xi32>], vector<16xf32>,
        %scan3A_302 = arith.constant 3 : i32
        %scan3A_303 = arith.addi %scan3A_234, %scan3A_302 : i32
        %iota3A_304 = tpu.iota {dimensions = array<i32: 0>} : vector<16xi32>
        %mul3A_305 = arith.constant 16 : i32
        %mul3A_306 = arith.muli %scan3A_303, %mul3A_305 : i32
        %add3A_307 = vector.broadcast %mul3A_306 : i32 to vector<16xi32>
        %add3A_308 = arith.addi %iota3A_304, %add3A_307 : vector<16xi32>
        %mul3A_309 = arith.constant 16 : i32
        %mul3A_310 = arith.muli %scan3A_303, %mul3A_309 : i32
        %get3A_311 = arith.index_cast %mul3A_310 : i32 to index
        %get3A_312 = tpu.vector_load %arg13[%get3A_311] {strides = array<i32>} : memref<1000xf32, #tpu.memory_space<vmem>>, vector<16xf32>,
        %div3A_313 = arith.constant 1.000000e+00 : f32
        %div3A_314 = vector.broadcast %div3A_313 : f32 to vector<16xf32>
        %div3A_315 = arith.divf %div3A_314, %get3A_312 : vector<16xf32>
        %get3A_316 = arith.index_cast %mul3A_310 : i32 to index
        %get3A_317 = tpu.vector_load %arg10[%get3A_316] {strides = array<i32>} : memref<1000xf32, #tpu.memory_space<vmem>>, vector<16xf32>,
        %mul3A_318 = arith.mulf %get3A_317, %div3A_315 : vector<16xf32>
        tpu.vector_store_idx %arg14[%add3A_308, %broadcast_in_dim3A_3], %mul3A_318 : memref<1000x3xf32, #tpu.memory_space<vmem>>[vector<16xi32>, vector<16xi32>], vector<16xf32>,
        %get3A_319 = arith.index_cast %mul3A_310 : i32 to index
        %get3A_320 = tpu.vector_load %arg11[%get3A_319] {strides = array<i32>} : memref<1000xf32, #tpu.memory_space<vmem>>, vector<16xf32>,
        %mul3A_321 = arith.mulf %get3A_320, %div3A_315 : vector<16xf32>
        tpu.vector_store_idx %arg14[%add3A_308, %broadcast_in_dim3A_5], %mul3A_321 : memref<1000x3xf32, #tpu.memory_space<vmem>>[vector<16xi32>, vector<16xi32>], vector<16xf32>,
        %get3A_322 = arith.index_cast %mul3A_310 : i32 to index
        %get3A_323 = tpu.vector_load %arg12[%get3A_322] {strides = array<i32>} : memref<1000xf32, #tpu.memory_space<vmem>>, vector<16xf32>,
        %mul3A_324 = arith.mulf %get3A_323, %div3A_315 : vector<16xf32>
        tpu.vector_store_idx %arg14[%add3A_308, %broadcast_in_dim3A_7], %mul3A_324 : memref<1000x3xf32, #tpu.memory_space<vmem>>[vector<16xi32>, vector<16xi32>], vector<16xf32>,
      }
      %scan3A_190 = arith.constant 60 : i32
      %scan3A_191 = arith.addi %scan3A_186, %scan3A_190 : i32
      %iota3A = tpu.iota {dimensions = array<i32: 0>} : vector<16xi32>
      %mul3A_192 = arith.constant 16 : i32
      %mul3A_193 = arith.muli %scan3A_191, %mul3A_192 : i32
      %add3A_194 = vector.broadcast %mul3A_193 : i32 to vector<16xi32>
      %add3A_195 = arith.addi %iota3A, %add3A_194 : vector<16xi32>
      %mul3A_196 = arith.constant 16 : i32
      %mul3A_197 = arith.muli %scan3A_191, %mul3A_196 : i32
      %get3A = arith.index_cast %mul3A_197 : i32 to index
      %get3A_198 = tpu.vector_load %arg13[%get3A] {strides = array<i32>} : memref<1000xf32, #tpu.memory_space<vmem>>, vector<16xf32>,
      %div3A = arith.constant 1.000000e+00 : f32
      %div3A_199 = vector.broadcast %div3A : f32 to vector<16xf32>
      %div3A_200 = arith.divf %div3A_199, %get3A_198 : vector<16xf32>
      %get3A_201 = arith.index_cast %mul3A_197 : i32 to index
      %get3A_202 = tpu.vector_load %arg10[%get3A_201] {strides = array<i32>} : memref<1000xf32, #tpu.memory_space<vmem>>, vector<16xf32>,
      %mul3A_203 = arith.mulf %get3A_202, %div3A_200 : vector<16xf32>
      tpu.vector_store_idx %arg14[%add3A_195, %broadcast_in_dim3A_3], %mul3A_203 : memref<1000x3xf32, #tpu.memory_space<vmem>>[vector<16xi32>, vector<16xi32>], vector<16xf32>,
      %get3A_204 = arith.index_cast %mul3A_197 : i32 to index
      %get3A_205 = tpu.vector_load %arg11[%get3A_204] {strides = array<i32>} : memref<1000xf32, #tpu.memory_space<vmem>>, vector<16xf32>,
      %mul3A_206 = arith.mulf %get3A_205, %div3A_200 : vector<16xf32>
      tpu.vector_store_idx %arg14[%add3A_195, %broadcast_in_dim3A_5], %mul3A_206 : memref<1000x3xf32, #tpu.memory_space<vmem>>[vector<16xi32>, vector<16xi32>], vector<16xf32>,
      %get3A_207 = arith.index_cast %mul3A_197 : i32 to index
      %get3A_208 = tpu.vector_load %arg12[%get3A_207] {strides = array<i32>} : memref<1000xf32, #tpu.memory_space<vmem>>, vector<16xf32>,
      %mul3A_209 = arith.mulf %get3A_208, %div3A_200 : vector<16xf32>
      tpu.vector_store_idx %arg14[%add3A_195, %broadcast_in_dim3A_7], %mul3A_209 : memref<1000x3xf32, #tpu.memory_space<vmem>>[vector<16xi32>, vector<16xi32>], vector<16xf32>,
      %scan3A_210 = arith.constant 61 : i32
      %scan3A_211 = arith.addi %scan3A_186, %scan3A_210 : i32
      %iota3A_212 = tpu.iota {dimensions = array<i32: 0>} : vector<16xi32>
      %mul3A_213 = arith.constant 16 : i32
      %mul3A_214 = arith.muli %scan3A_211, %mul3A_213 : i32
      %add3A_215 = vector.broadcast %mul3A_214 : i32 to vector<16xi32>
      %add3A_216 = arith.addi %iota3A_212, %add3A_215 : vector<16xi32>
      %mul3A_217 = arith.constant 16 : i32
      %mul3A_218 = arith.muli %scan3A_211, %mul3A_217 : i32
      %get3A_219 = arith.index_cast %mul3A_218 : i32 to index
      %get3A_220 = tpu.vector_load %arg13[%get3A_219] {strides = array<i32>} : memref<1000xf32, #tpu.memory_space<vmem>>, vector<16xf32>,
      %div3A_221 = arith.constant 1.000000e+00 : f32
      %div3A_222 = vector.broadcast %div3A_221 : f32 to vector<16xf32>
      %div3A_223 = arith.divf %div3A_222, %get3A_220 : vector<16xf32>
      %get3A_224 = arith.index_cast %mul3A_218 : i32 to index
      %get3A_225 = tpu.vector_load %arg10[%get3A_224] {strides = array<i32>} : memref<1000xf32, #tpu.memory_space<vmem>>, vector<16xf32>,
      %mul3A_226 = arith.mulf %get3A_225, %div3A_223 : vector<16xf32>
      tpu.vector_store_idx %arg14[%add3A_216, %broadcast_in_dim3A_3], %mul3A_226 : memref<1000x3xf32, #tpu.memory_space<vmem>>[vector<16xi32>, vector<16xi32>], vector<16xf32>,
      %get3A_227 = arith.index_cast %mul3A_218 : i32 to index
      %get3A_228 = tpu.vector_load %arg11[%get3A_227] {strides = array<i32>} : memref<1000xf32, #tpu.memory_space<vmem>>, vector<16xf32>,
      %mul3A_229 = arith.mulf %get3A_228, %div3A_223 : vector<16xf32>
      tpu.vector_store_idx %arg14[%add3A_216, %broadcast_in_dim3A_5], %mul3A_229 : memref<1000x3xf32, #tpu.memory_space<vmem>>[vector<16xi32>, vector<16xi32>], vector<16xf32>,
      %get3A_230 = arith.index_cast %mul3A_218 : i32 to index
      %get3A_231 = tpu.vector_load %arg12[%get3A_230] {strides = array<i32>} : memref<1000xf32, #tpu.memory_space<vmem>>, vector<16xf32>,
      %mul3A_232 = arith.mulf %get3A_231, %div3A_223 : vector<16xf32>
      tpu.vector_store_idx %arg14[%add3A_216, %broadcast_in_dim3A_7], %mul3A_232 : memref<1000x3xf32, #tpu.memory_space<vmem>>[vector<16xi32>, vector<16xi32>], vector<16xf32>,
      %scan3A_233 = arith.constant 62 : i32
      "tpu.region"() ({
        %run_scoped3A = tpu.sem_alloc : memref<!tpu.dma_semaphore, #tpu.memory_space<semaphore_mem>>
        %dma_start3A_234 = arith.constant 0 : i32
        %dma_start3A_235 = tpu.memref_slice %arg9[%mul3A_168, %dma_start3A_234] : memref<160000x3xf32, #tpu.memory_space<vmem_shared>> -> memref<1000x3xf32, #tpu.memory_space<vmem_shared>>
        %dma_start3A_236 = arith.constant 0 : i32
        %dma_start3A_237 = tpu.memref_slice %arg9[%mul3A_168, %dma_start3A_236] : memref<160000x3xf32, #tpu.memory_space<vmem_shared>> -> memref<1000x3xf32, #tpu.memory_space<vmem_shared>>
        tpu.enqueue_dma source(%arg14 : memref<1000x3xf32, #tpu.memory_space<vmem>>) target(%dma_start3A_237 : memref<1000x3xf32, #tpu.memory_space<vmem_shared>>) target_semaphore(%run_scoped3A : memref<!tpu.dma_semaphore, #tpu.memory_space<semaphore_mem>>)
        %dma_wait3A_238 = arith.constant 0 : i32
        %dma_wait3A_239 = tpu.memref_slice %arg9[%mul3A_168, %dma_wait3A_238] : memref<160000x3xf32, #tpu.memory_space<vmem_shared>> -> memref<1000x3xf32, #tpu.memory_space<vmem_shared>>
        %dma_wait3A_240 = arith.constant 0 : i32
        %dma_wait3A_241 = tpu.memref_slice %arg9[%mul3A_168, %dma_wait3A_240] : memref<160000x3xf32, #tpu.memory_space<vmem_shared>> -> memref<1000x3xf32, #tpu.memory_space<vmem_shared>>
        tpu.wait_dma2 semaphore(%run_scoped3A : memref<!tpu.dma_semaphore, #tpu.memory_space<semaphore_mem>>) src(%arg14 : memref<1000x3xf32, #tpu.memory_space<vmem>>) dst(%dma_wait3A_241 : memref<1000x3xf32, #tpu.memory_space<vmem_shared>>)
        tpu.yield
      }) : () -> ()
    }
    %scan3A_12 = arith.constant 10 : i32
    %barrier3A = arith.constant 0 : index
    tpu.barrier barrier_id(%barrier3A)
    "tpu.trace_stop"() : () -> ()
    "tpu.trace_start"() <{level = 10 : i32, message = "prologue"}> : () -> ()
    %add3A_13 = arith.constant 0 : i32
    %add3A_14 = arith.addi %mul3A_2, %add3A_13 : i32
    %dma_start3A = arith.constant 0 : i32
    %dma_start3A_15 = arith.constant 0 : i32
    %dma_start3A_16 = tpu.memref_slice %arg15[%dma_start3A, %dma_start3A_15] : memref<2x2000xi32, #tpu.memory_space<vmem>> -> memref<1x2000xi32, #tpu.memory_space<vmem>>
    %dma_start3A_17 = tpu.memref_squeeze %dma_start3A_16 : memref<1x2000xi32, #tpu.memory_space<vmem>> -> memref<2000xi32, #tpu.memory_space<vmem>>
    %dma_start3A_18 = tpu.memref_slice %arg6[%add3A_14] : memref<2560000xi32, #tpu.memory_space<hbm>> -> memref<2000xi32, #tpu.memory_space<hbm>>
    %dma_start3A_19 = arith.constant 0 : i32
    %dma_start3A_20 = tpu.memref_slice %arg15[%dma_start3A, %dma_start3A_19] : memref<2x2000xi32, #tpu.memory_space<vmem>> -> memref<1x2000xi32, #tpu.memory_space<vmem>>
    %dma_start3A_21 = tpu.memref_squeeze %dma_start3A_20 : memref<1x2000xi32, #tpu.memory_space<vmem>> -> memref<2000xi32, #tpu.memory_space<vmem>>
    %dma_start3A_22 = tpu.memref_slice %arg6[%add3A_14] : memref<2560000xi32, #tpu.memory_space<hbm>> -> memref<2000xi32, #tpu.memory_space<hbm>>
    tpu.enqueue_dma source(%dma_start3A_22 : memref<2000xi32, #tpu.memory_space<hbm>>) target(%dma_start3A_21 : memref<2000xi32, #tpu.memory_space<vmem>>) target_semaphore(%arg20 : memref<!tpu.dma_semaphore, #tpu.memory_space<semaphore_mem>>)
    %dma_start3A_23 = arith.constant 0 : i32
    %dma_start3A_24 = arith.constant 0 : i32
    %dma_start3A_25 = tpu.memref_slice %arg16[%dma_start3A_23, %dma_start3A_24] : memref<2x2000xi32, #tpu.memory_space<vmem>> -> memref<1x2000xi32, #tpu.memory_space<vmem>>
    %dma_start3A_26 = tpu.memref_squeeze %dma_start3A_25 : memref<1x2000xi32, #tpu.memory_space<vmem>> -> memref<2000xi32, #tpu.memory_space<vmem>>
    %dma_start3A_27 = tpu.memref_slice %arg7[%add3A_14] : memref<2560000xi32, #tpu.memory_space<hbm>> -> memref<2000xi32, #tpu.memory_space<hbm>>
    %dma_start3A_28 = arith.constant 0 : i32
    %dma_start3A_29 = tpu.memref_slice %arg16[%dma_start3A_23, %dma_start3A_28] : memref<2x2000xi32, #tpu.memory_space<vmem>> -> memref<1x2000xi32, #tpu.memory_space<vmem>>
    %dma_start3A_30 = tpu.memref_squeeze %dma_start3A_29 : memref<1x2000xi32, #tpu.memory_space<vmem>> -> memref<2000xi32, #tpu.memory_space<vmem>>
    %dma_start3A_31 = tpu.memref_slice %arg7[%add3A_14] : memref<2560000xi32, #tpu.memory_space<hbm>> -> memref<2000xi32, #tpu.memory_space<hbm>>
    tpu.enqueue_dma source(%dma_start3A_31 : memref<2000xi32, #tpu.memory_space<hbm>>) target(%dma_start3A_30 : memref<2000xi32, #tpu.memory_space<vmem>>) target_semaphore(%arg20 : memref<!tpu.dma_semaphore, #tpu.memory_space<semaphore_mem>>)
    %dma_wait3A = arith.constant 0 : i32
    %dma_wait3A_32 = arith.constant 0 : i32
    %dma_wait3A_33 = tpu.memref_slice %arg15[%dma_wait3A, %dma_wait3A_32] : memref<2x2000xi32, #tpu.memory_space<vmem>> -> memref<1x2000xi32, #tpu.memory_space<vmem>>
    %dma_wait3A_34 = tpu.memref_squeeze %dma_wait3A_33 : memref<1x2000xi32, #tpu.memory_space<vmem>> -> memref<2000xi32, #tpu.memory_space<vmem>>
    %dma_wait3A_35 = tpu.memref_slice %arg6[%add3A_14] : memref<2560000xi32, #tpu.memory_space<hbm>> -> memref<2000xi32, #tpu.memory_space<hbm>>
    %dma_wait3A_36 = arith.constant 0 : i32
    %dma_wait3A_37 = tpu.memref_slice %arg15[%dma_wait3A, %dma_wait3A_36] : memref<2x2000xi32, #tpu.memory_space<vmem>> -> memref<1x2000xi32, #tpu.memory_space<vmem>>
    %dma_wait3A_38 = tpu.memref_squeeze %dma_wait3A_37 : memref<1x2000xi32, #tpu.memory_space<vmem>> -> memref<2000xi32, #tpu.memory_space<vmem>>
    %dma_wait3A_39 = tpu.memref_slice %arg6[%add3A_14] : memref<2560000xi32, #tpu.memory_space<hbm>> -> memref<2000xi32, #tpu.memory_space<hbm>>
    tpu.wait_dma2 semaphore(%arg20 : memref<!tpu.dma_semaphore, #tpu.memory_space<semaphore_mem>>) src(%dma_wait3A_39 : memref<2000xi32, #tpu.memory_space<hbm>>) dst(%dma_wait3A_38 : memref<2000xi32, #tpu.memory_space<vmem>>)
    %dma_wait3A_40 = arith.constant 0 : i32
    %dma_wait3A_41 = arith.constant 0 : i32
    %dma_wait3A_42 = tpu.memref_slice %arg16[%dma_wait3A_40, %dma_wait3A_41] : memref<2x2000xi32, #tpu.memory_space<vmem>> -> memref<1x2000xi32, #tpu.memory_space<vmem>>
    %dma_wait3A_43 = tpu.memref_squeeze %dma_wait3A_42 : memref<1x2000xi32, #tpu.memory_space<vmem>> -> memref<2000xi32, #tpu.memory_space<vmem>>
    %dma_wait3A_44 = tpu.memref_slice %arg7[%add3A_14] : memref<2560000xi32, #tpu.memory_space<hbm>> -> memref<2000xi32, #tpu.memory_space<hbm>>
    %dma_wait3A_45 = arith.constant 0 : i32
    %dma_wait3A_46 = tpu.memref_slice %arg16[%dma_wait3A_40, %dma_wait3A_45] : memref<2x2000xi32, #tpu.memory_space<vmem>> -> memref<1x2000xi32, #tpu.memory_space<vmem>>
    %dma_wait3A_47 = tpu.memref_squeeze %dma_wait3A_46 : memref<1x2000xi32, #tpu.memory_space<vmem>> -> memref<2000xi32, #tpu.memory_space<vmem>>
    %dma_wait3A_48 = tpu.memref_slice %arg7[%add3A_14] : memref<2560000xi32, #tpu.memory_space<hbm>> -> memref<2000xi32, #tpu.memory_space<hbm>>
    tpu.wait_dma2 semaphore(%arg20 : memref<!tpu.dma_semaphore, #tpu.memory_space<semaphore_mem>>) src(%dma_wait3A_48 : memref<2000xi32, #tpu.memory_space<hbm>>) dst(%dma_wait3A_47 : memref<2000xi32, #tpu.memory_space<vmem>>)
    %dma_start3A_49 = arith.constant 0 : i32
    %dma_start3A_50 = arith.constant 0 : i32
    %dma_start3A_51 = arith.constant 0 : i32
    %dma_start3A_52 = arith.constant 0 : i32
    %dma_start3A_53 = tpu.memref_slice %arg17[%dma_start3A_50, %dma_start3A_51, %dma_start3A_52] : memref<2x2000x3xf32, #tpu.memory_space<vmem>> -> memref<1x2000x3xf32, #tpu.memory_space<vmem>>
    %dma_start3A_54 = tpu.memref_squeeze %dma_start3A_53 : memref<1x2000x3xf32, #tpu.memory_space<vmem>> -> memref<2000x3xf32, #tpu.memory_space<vmem>>
    %dma_start3A_55 = arith.constant 0 : i32
    %dma_start3A_56 = tpu.memref_slice %arg15[%dma_start3A_49, %dma_start3A_55] : memref<2x2000xi32, #tpu.memory_space<vmem>> -> memref<1x2000xi32, #tpu.memory_space<vmem>>
    %dma_start3A_57 = tpu.memref_squeeze %dma_start3A_56 : memref<1x2000xi32, #tpu.memory_space<vmem>> -> memref<2000xi32, #tpu.memory_space<vmem>>
    %dma_start3A_58 = arith.constant 0 : i32
    %dma_start3A_59 = arith.constant 0 : i32
    %dma_start3A_60 = tpu.memref_slice %arg9[%dma_start3A_58, %dma_start3A_59] : memref<160000x3xf32, #tpu.memory_space<vmem_shared>> -> memref<160000x3xf32, #tpu.memory_space<vmem_shared>>
    tpu.enqueue_indirect_dma source(%dma_start3A_60 : memref<160000x3xf32, #tpu.memory_space<vmem_shared>>) target(%dma_start3A_54 : memref<2000x3xf32, #tpu.memory_space<vmem>>) offsets(%dma_start3A_57 : memref<2000xi32, #tpu.memory_space<vmem>>) semaphore(%arg20 : memref<!tpu.dma_semaphore, #tpu.memory_space<semaphore_mem>>)
    %dma_start3A_61 = arith.constant 0 : i32
    %dma_start3A_62 = arith.constant 0 : i32
    %dma_start3A_63 = arith.constant 0 : i32
    %dma_start3A_64 = arith.constant 0 : i32
    %dma_start3A_65 = tpu.memref_slice %arg18[%dma_start3A_62, %dma_start3A_63, %dma_start3A_64] : memref<2x2000x3xf32, #tpu.memory_space<vmem>> -> memref<1x2000x3xf32, #tpu.memory_space<vmem>>
    %dma_start3A_66 = tpu.memref_squeeze %dma_start3A_65 : memref<1x2000x3xf32, #tpu.memory_space<vmem>> -> memref<2000x3xf32, #tpu.memory_space<vmem>>
    %dma_start3A_67 = arith.constant 0 : i32
    %dma_start3A_68 = tpu.memref_slice %arg16[%dma_start3A_61, %dma_start3A_67] : memref<2x2000xi32, #tpu.memory_space<vmem>> -> memref<1x2000xi32, #tpu.memory_space<vmem>>
    %dma_start3A_69 = tpu.memref_squeeze %dma_start3A_68 : memref<1x2000xi32, #tpu.memory_space<vmem>> -> memref<2000xi32, #tpu.memory_space<vmem>>
    %dma_start3A_70 = arith.constant 0 : i32
    %dma_start3A_71 = arith.constant 0 : i32
    %dma_start3A_72 = tpu.memref_slice %arg9[%dma_start3A_70, %dma_start3A_71] : memref<160000x3xf32, #tpu.memory_space<vmem_shared>> -> memref<160000x3xf32, #tpu.memory_space<vmem_shared>>
    tpu.enqueue_indirect_dma source(%dma_start3A_72 : memref<160000x3xf32, #tpu.memory_space<vmem_shared>>) target(%dma_start3A_66 : memref<2000x3xf32, #tpu.memory_space<vmem>>) offsets(%dma_start3A_69 : memref<2000xi32, #tpu.memory_space<vmem>>) semaphore(%arg20 : memref<!tpu.dma_semaphore, #tpu.memory_space<semaphore_mem>>)
    %add3A_73 = arith.constant 2000 : i32
    %add3A_74 = arith.addi %mul3A_2, %add3A_73 : i32
    %dma_start3A_75 = arith.constant 1 : i32
    %dma_start3A_76 = arith.constant 0 : i32
    %dma_start3A_77 = tpu.memref_slice %arg15[%dma_start3A_75, %dma_start3A_76] : memref<2x2000xi32, #tpu.memory_space<vmem>> -> memref<1x2000xi32, #tpu.memory_space<vmem>>
    %dma_start3A_78 = tpu.memref_squeeze %dma_start3A_77 : memref<1x2000xi32, #tpu.memory_space<vmem>> -> memref<2000xi32, #tpu.memory_space<vmem>>
    %dma_start3A_79 = tpu.memref_slice %arg6[%add3A_74] : memref<2560000xi32, #tpu.memory_space<hbm>> -> memref<2000xi32, #tpu.memory_space<hbm>>
    %dma_start3A_80 = arith.constant 0 : i32
    %dma_start3A_81 = tpu.memref_slice %arg15[%dma_start3A_75, %dma_start3A_80] : memref<2x2000xi32, #tpu.memory_space<vmem>> -> memref<1x2000xi32, #tpu.memory_space<vmem>>
    %dma_start3A_82 = tpu.memref_squeeze %dma_start3A_81 : memref<1x2000xi32, #tpu.memory_space<vmem>> -> memref<2000xi32, #tpu.memory_space<vmem>>
    %dma_start3A_83 = tpu.memref_slice %arg6[%add3A_74] : memref<2560000xi32, #tpu.memory_space<hbm>> -> memref<2000xi32, #tpu.memory_space<hbm>>
    tpu.enqueue_dma source(%dma_start3A_83 : memref<2000xi32, #tpu.memory_space<hbm>>) target(%dma_start3A_82 : memref<2000xi32, #tpu.memory_space<vmem>>) target_semaphore(%arg21 : memref<!tpu.dma_semaphore, #tpu.memory_space<semaphore_mem>>)
    %dma_start3A_84 = arith.constant 1 : i32
    %dma_start3A_85 = arith.constant 0 : i32
    %dma_start3A_86 = tpu.memref_slice %arg16[%dma_start3A_84, %dma_start3A_85] : memref<2x2000xi32, #tpu.memory_space<vmem>> -> memref<1x2000xi32, #tpu.memory_space<vmem>>
    %dma_start3A_87 = tpu.memref_squeeze %dma_start3A_86 : memref<1x2000xi32, #tpu.memory_space<vmem>> -> memref<2000xi32, #tpu.memory_space<vmem>>
    %dma_start3A_88 = tpu.memref_slice %arg7[%add3A_74] : memref<2560000xi32, #tpu.memory_space<hbm>> -> memref<2000xi32, #tpu.memory_space<hbm>>
    %dma_start3A_89 = arith.constant 0 : i32
    %dma_start3A_90 = tpu.memref_slice %arg16[%dma_start3A_84, %dma_start3A_89] : memref<2x2000xi32, #tpu.memory_space<vmem>> -> memref<1x2000xi32, #tpu.memory_space<vmem>>
    %dma_start3A_91 = tpu.memref_squeeze %dma_start3A_90 : memref<1x2000xi32, #tpu.memory_space<vmem>> -> memref<2000xi32, #tpu.memory_space<vmem>>
    %dma_start3A_92 = tpu.memref_slice %arg7[%add3A_74] : memref<2560000xi32, #tpu.memory_space<hbm>> -> memref<2000xi32, #tpu.memory_space<hbm>>
    tpu.enqueue_dma source(%dma_start3A_92 : memref<2000xi32, #tpu.memory_space<hbm>>) target(%dma_start3A_91 : memref<2000xi32, #tpu.memory_space<vmem>>) target_semaphore(%arg21 : memref<!tpu.dma_semaphore, #tpu.memory_space<semaphore_mem>>)
    %dma_wait3A_93 = arith.constant 1 : i32
    %dma_wait3A_94 = arith.constant 0 : i32
    %dma_wait3A_95 = tpu.memref_slice %arg15[%dma_wait3A_93, %dma_wait3A_94] : memref<2x2000xi32, #tpu.memory_space<vmem>> -> memref<1x2000xi32, #tpu.memory_space<vmem>>
    %dma_wait3A_96 = tpu.memref_squeeze %dma_wait3A_95 : memref<1x2000xi32, #tpu.memory_space<vmem>> -> memref<2000xi32, #tpu.memory_space<vmem>>
    %dma_wait3A_97 = tpu.memref_slice %arg6[%add3A_74] : memref<2560000xi32, #tpu.memory_space<hbm>> -> memref<2000xi32, #tpu.memory_space<hbm>>
    %dma_wait3A_98 = arith.constant 0 : i32
    %dma_wait3A_99 = tpu.memref_slice %arg15[%dma_wait3A_93, %dma_wait3A_98] : memref<2x2000xi32, #tpu.memory_space<vmem>> -> memref<1x2000xi32, #tpu.memory_space<vmem>>
    %dma_wait3A_100 = tpu.memref_squeeze %dma_wait3A_99 : memref<1x2000xi32, #tpu.memory_space<vmem>> -> memref<2000xi32, #tpu.memory_space<vmem>>
    %dma_wait3A_101 = tpu.memref_slice %arg6[%add3A_74] : memref<2560000xi32, #tpu.memory_space<hbm>> -> memref<2000xi32, #tpu.memory_space<hbm>>
    tpu.wait_dma2 semaphore(%arg21 : memref<!tpu.dma_semaphore, #tpu.memory_space<semaphore_mem>>) src(%dma_wait3A_101 : memref<2000xi32, #tpu.memory_space<hbm>>) dst(%dma_wait3A_100 : memref<2000xi32, #tpu.memory_space<vmem>>)
    %dma_wait3A_102 = arith.constant 1 : i32
    %dma_wait3A_103 = arith.constant 0 : i32
    %dma_wait3A_104 = tpu.memref_slice %arg16[%dma_wait3A_102, %dma_wait3A_103] : memref<2x2000xi32, #tpu.memory_space<vmem>> -> memref<1x2000xi32, #tpu.memory_space<vmem>>
    %dma_wait3A_105 = tpu.memref_squeeze %dma_wait3A_104 : memref<1x2000xi32, #tpu.memory_space<vmem>> -> memref<2000xi32, #tpu.memory_space<vmem>>
    %dma_wait3A_106 = tpu.memref_slice %arg7[%add3A_74] : memref<2560000xi32, #tpu.memory_space<hbm>> -> memref<2000xi32, #tpu.memory_space<hbm>>
    %dma_wait3A_107 = arith.constant 0 : i32
    %dma_wait3A_108 = tpu.memref_slice %arg16[%dma_wait3A_102, %dma_wait3A_107] : memref<2x2000xi32, #tpu.memory_space<vmem>> -> memref<1x2000xi32, #tpu.memory_space<vmem>>
    %dma_wait3A_109 = tpu.memref_squeeze %dma_wait3A_108 : memref<1x2000xi32, #tpu.memory_space<vmem>> -> memref<2000xi32, #tpu.memory_space<vmem>>
    %dma_wait3A_110 = tpu.memref_slice %arg7[%add3A_74] : memref<2560000xi32, #tpu.memory_space<hbm>> -> memref<2000xi32, #tpu.memory_space<hbm>>
    tpu.wait_dma2 semaphore(%arg21 : memref<!tpu.dma_semaphore, #tpu.memory_space<semaphore_mem>>) src(%dma_wait3A_110 : memref<2000xi32, #tpu.memory_space<hbm>>) dst(%dma_wait3A_109 : memref<2000xi32, #tpu.memory_space<vmem>>)
    %dma_start3A_111 = arith.constant 1 : i32
    %dma_start3A_112 = arith.constant 1 : i32
    %dma_start3A_113 = arith.constant 0 : i32
    %dma_start3A_114 = arith.constant 0 : i32
    %dma_start3A_115 = tpu.memref_slice %arg17[%dma_start3A_112, %dma_start3A_113, %dma_start3A_114] : memref<2x2000x3xf32, #tpu.memory_space<vmem>> -> memref<1x2000x3xf32, #tpu.memory_space<vmem>>
    %dma_start3A_116 = tpu.memref_squeeze %dma_start3A_115 : memref<1x2000x3xf32, #tpu.memory_space<vmem>> -> memref<2000x3xf32, #tpu.memory_space<vmem>>
    %dma_start3A_117 = arith.constant 0 : i32
    %dma_start3A_118 = tpu.memref_slice %arg15[%dma_start3A_111, %dma_start3A_117] : memref<2x2000xi32, #tpu.memory_space<vmem>> -> memref<1x2000xi32, #tpu.memory_space<vmem>>
    %dma_start3A_119 = tpu.memref_squeeze %dma_start3A_118 : memref<1x2000xi32, #tpu.memory_space<vmem>> -> memref<2000xi32, #tpu.memory_space<vmem>>
    %dma_start3A_120 = arith.constant 0 : i32
    %dma_start3A_121 = arith.constant 0 : i32
    %dma_start3A_122 = tpu.memref_slice %arg9[%dma_start3A_120, %dma_start3A_121] : memref<160000x3xf32, #tpu.memory_space<vmem_shared>> -> memref<160000x3xf32, #tpu.memory_space<vmem_shared>>
    tpu.enqueue_indirect_dma source(%dma_start3A_122 : memref<160000x3xf32, #tpu.memory_space<vmem_shared>>) target(%dma_start3A_116 : memref<2000x3xf32, #tpu.memory_space<vmem>>) offsets(%dma_start3A_119 : memref<2000xi32, #tpu.memory_space<vmem>>) semaphore(%arg21 : memref<!tpu.dma_semaphore, #tpu.memory_space<semaphore_mem>>)
    %dma_start3A_123 = arith.constant 1 : i32
    %dma_start3A_124 = arith.constant 1 : i32
    %dma_start3A_125 = arith.constant 0 : i32
    %dma_start3A_126 = arith.constant 0 : i32
    %dma_start3A_127 = tpu.memref_slice %arg18[%dma_start3A_124, %dma_start3A_125, %dma_start3A_126] : memref<2x2000x3xf32, #tpu.memory_space<vmem>> -> memref<1x2000x3xf32, #tpu.memory_space<vmem>>
    %dma_start3A_128 = tpu.memref_squeeze %dma_start3A_127 : memref<1x2000x3xf32, #tpu.memory_space<vmem>> -> memref<2000x3xf32, #tpu.memory_space<vmem>>
    %dma_start3A_129 = arith.constant 0 : i32
    %dma_start3A_130 = tpu.memref_slice %arg16[%dma_start3A_123, %dma_start3A_129] : memref<2x2000xi32, #tpu.memory_space<vmem>> -> memref<1x2000xi32, #tpu.memory_space<vmem>>
    %dma_start3A_131 = tpu.memref_squeeze %dma_start3A_130 : memref<1x2000xi32, #tpu.memory_space<vmem>> -> memref<2000xi32, #tpu.memory_space<vmem>>
    %dma_start3A_132 = arith.constant 0 : i32
    %dma_start3A_133 = arith.constant 0 : i32
    %dma_start3A_134 = tpu.memref_slice %arg9[%dma_start3A_132, %dma_start3A_133] : memref<160000x3xf32, #tpu.memory_space<vmem_shared>> -> memref<160000x3xf32, #tpu.memory_space<vmem_shared>>
    tpu.enqueue_indirect_dma source(%dma_start3A_134 : memref<160000x3xf32, #tpu.memory_space<vmem_shared>>) target(%dma_start3A_128 : memref<2000x3xf32, #tpu.memory_space<vmem>>) offsets(%dma_start3A_131 : memref<2000xi32, #tpu.memory_space<vmem>>) semaphore(%arg21 : memref<!tpu.dma_semaphore, #tpu.memory_space<semaphore_mem>>)
    "tpu.trace_stop"() : () -> ()
    %scan3A_135 = arith.constant 0 : i32
    %scan3A_136 = arith.constant 0 : i32
    %scan3A_137 = arith.constant 20 : i32
    %scan3A_138 = arith.addi %scan3A_136, %scan3A_137 : i32
    %scan3A_139 = arith.constant 1 : i32
    scf.for %scan3A_163 = %scan3A_136 to %scan3A_138 step %scan3A_139  : i32 {
      %mul3A_164 = arith.constant 2 : i32
      %mul3A_165 = arith.muli %mul3A_164, %scan3A_163 : i32
      %add3A_166 = arith.constant 0 : i32
      %add3A_167 = arith.addi %mul3A_165, %add3A_166 : i32
      %dma_wait3A_168 = arith.constant 0 : i32
      %dma_wait3A_169 = arith.constant 0 : i32
      %dma_wait3A_170 = arith.constant 0 : i32
      %dma_wait3A_171 = arith.constant 0 : i32
      %dma_wait3A_172 = tpu.memref_slice %arg17[%dma_wait3A_169, %dma_wait3A_170, %dma_wait3A_171] : memref<2x2000x3xf32, #tpu.memory_space<vmem>> -> memref<1x2000x3xf32, #tpu.memory_space<vmem>>
      %dma_wait3A_173 = tpu.memref_squeeze %dma_wait3A_172 : memref<1x2000x3xf32, #tpu.memory_space<vmem>> -> memref<2000x3xf32, #tpu.memory_space<vmem>>
      %dma_wait3A_174 = arith.constant 0 : i32
      %dma_wait3A_175 = tpu.memref_slice %arg15[%dma_wait3A_168, %dma_wait3A_174] : memref<2x2000xi32, #tpu.memory_space<vmem>> -> memref<1x2000xi32, #tpu.memory_space<vmem>>
      %dma_wait3A_176 = tpu.memref_squeeze %dma_wait3A_175 : memref<1x2000xi32, #tpu.memory_space<vmem>> -> memref<2000xi32, #tpu.memory_space<vmem>>
      %dma_wait3A_177 = arith.constant 0 : i32
      %dma_wait3A_178 = arith.constant 0 : i32
      %dma_wait3A_179 = tpu.memref_slice %arg9[%dma_wait3A_177, %dma_wait3A_178] : memref<160000x3xf32, #tpu.memory_space<vmem_shared>> -> memref<160000x3xf32, #tpu.memory_space<vmem_shared>>
      tpu.wait_indirect_dma semaphore(%arg20 : memref<!tpu.dma_semaphore, #tpu.memory_space<semaphore_mem>>) src(%dma_wait3A_179 : memref<160000x3xf32, #tpu.memory_space<vmem_shared>>) dst(%dma_wait3A_173 : memref<2000x3xf32, #tpu.memory_space<vmem>>)
      %dma_wait3A_180 = arith.constant 0 : i32
      %dma_wait3A_181 = arith.constant 0 : i32
      %dma_wait3A_182 = arith.constant 0 : i32
      %dma_wait3A_183 = arith.constant 0 : i32
      %dma_wait3A_184 = tpu.memref_slice %arg18[%dma_wait3A_181, %dma_wait3A_182, %dma_wait3A_183] : memref<2x2000x3xf32, #tpu.memory_space<vmem>> -> memref<1x2000x3xf32, #tpu.memory_space<vmem>>
      %dma_wait3A_185 = tpu.memref_squeeze %dma_wait3A_184 : memref<1x2000x3xf32, #tpu.memory_space<vmem>> -> memref<2000x3xf32, #tpu.memory_space<vmem>>
      %dma_wait3A_186 = arith.constant 0 : i32
      %dma_wait3A_187 = tpu.memref_slice %arg16[%dma_wait3A_180, %dma_wait3A_186] : memref<2x2000xi32, #tpu.memory_space<vmem>> -> memref<1x2000xi32, #tpu.memory_space<vmem>>
      %dma_wait3A_188 = tpu.memref_squeeze %dma_wait3A_187 : memref<1x2000xi32, #tpu.memory_space<vmem>> -> memref<2000xi32, #tpu.memory_space<vmem>>
      %dma_wait3A_189 = arith.constant 0 : i32
      %dma_wait3A_190 = arith.constant 0 : i32
      %dma_wait3A_191 = tpu.memref_slice %arg9[%dma_wait3A_189, %dma_wait3A_190] : memref<160000x3xf32, #tpu.memory_space<vmem_shared>> -> memref<160000x3xf32, #tpu.memory_space<vmem_shared>>
      tpu.wait_indirect_dma semaphore(%arg20 : memref<!tpu.dma_semaphore, #tpu.memory_space<semaphore_mem>>) src(%dma_wait3A_191 : memref<160000x3xf32, #tpu.memory_space<vmem_shared>>) dst(%dma_wait3A_185 : memref<2000x3xf32, #tpu.memory_space<vmem>>)
      %gt3A = arith.constant 0 : i32
      %gt3A_192 = arith.cmpi sgt, %scan3A_163, %gt3A : i32
      %convert_element_type3A = arith.extui %gt3A_192 : i1 to i32
      %cond3A = arith.constant 0 : i32
      %cond3A_193 = arith.cmpi ne, %convert_element_type3A, %cond3A : i32
      scf.if %cond3A_193 {
        %mul3A_475 = arith.constant 2000 : i32
        %mul3A_476 = arith.muli %add3A_167, %mul3A_475 : i32
        %add3A_477 = arith.addi %mul3A_2, %mul3A_476 : i32
        %dma_wait3A_478 = arith.constant 0 : i32
        %dma_wait3A_479 = arith.constant 0 : i32
        %dma_wait3A_480 = tpu.memref_slice %arg19[%dma_wait3A_478, %dma_wait3A_479] : memref<2x2000xf32, #tpu.memory_space<vmem>> -> memref<1x2000xf32, #tpu.memory_space<vmem>>
        %dma_wait3A_481 = tpu.memref_squeeze %dma_wait3A_480 : memref<1x2000xf32, #tpu.memory_space<vmem>> -> memref<2000xf32, #tpu.memory_space<vmem>>
        %dma_wait3A_482 = tpu.memref_slice %arg8[%add3A_477] : memref<2560000xf32, #tpu.memory_space<hbm>> -> memref<2000xf32, #tpu.memory_space<hbm>>
        %dma_wait3A_483 = tpu.memref_slice %arg8[%add3A_477] : memref<2560000xf32, #tpu.memory_space<hbm>> -> memref<2000xf32, #tpu.memory_space<hbm>>
        %dma_wait3A_484 = arith.constant 0 : i32
        %dma_wait3A_485 = tpu.memref_slice %arg19[%dma_wait3A_478, %dma_wait3A_484] : memref<2x2000xf32, #tpu.memory_space<vmem>> -> memref<1x2000xf32, #tpu.memory_space<vmem>>
        %dma_wait3A_486 = tpu.memref_squeeze %dma_wait3A_485 : memref<1x2000xf32, #tpu.memory_space<vmem>> -> memref<2000xf32, #tpu.memory_space<vmem>>
        tpu.wait_dma2 semaphore(%arg22 : memref<!tpu.dma_semaphore, #tpu.memory_space<semaphore_mem>>) src(%dma_wait3A_486 : memref<2000xf32, #tpu.memory_space<vmem>>) dst(%dma_wait3A_483 : memref<2000xf32, #tpu.memory_space<hbm>>)
      } else {
      }
      %scan3A_194 = arith.constant 0 : i32
      %scan3A_195 = arith.constant 0 : i32
      %scan3A_196 = arith.constant 0 : i32
      %scan3A_197 = arith.constant 0 : i32
      %scan3A_198 = arith.constant 0 : i32
      %scan3A_199 = arith.constant 124 : i32
      %scan3A_200 = arith.addi %scan3A_198, %scan3A_199 : i32
      %scan3A_201 = arith.constant 4 : i32
      scf.for %scan3A_475 = %scan3A_198 to %scan3A_200 step %scan3A_201  : i32 {
        %iota3A_476 = tpu.iota {dimensions = array<i32: 0>} : vector<16xi32>
        %mul3A_477 = arith.constant 16 : i32
        %mul3A_478 = arith.muli %scan3A_475, %mul3A_477 : i32
        %add3A_479 = vector.broadcast %mul3A_478 : i32 to vector<16xi32>
        %add3A_480 = arith.addi %iota3A_476, %add3A_479 : vector<16xi32>
        %gather3A_481 = arith.constant 0 : i32
        %gather3A_482 = arith.constant 0 : i32
        %gather3A_483 = tpu.memref_slice %arg17[%scan3A_195, %gather3A_481, %gather3A_482] : memref<2x2000x3xf32, #tpu.memory_space<vmem>> -> memref<1x2000x3xf32, #tpu.memory_space<vmem>>
        %gather3A_484 = tpu.memref_squeeze %gather3A_483 : memref<1x2000x3xf32, #tpu.memory_space<vmem>> -> memref<2000x3xf32, #tpu.memory_space<vmem>>
        %gather3A_485 = tpu.vector_load_idx %gather3A_484[%add3A_480, %broadcast_in_dim3A_3] : memref<2000x3xf32, #tpu.memory_space<vmem>>[vector<16xi32>, vector<16xi32>], vector<16xf32>,
        %gather3A_486 = arith.constant 0 : i32
        %gather3A_487 = arith.constant 0 : i32
        %gather3A_488 = tpu.memref_slice %arg17[%scan3A_195, %gather3A_486, %gather3A_487] : memref<2x2000x3xf32, #tpu.memory_space<vmem>> -> memref<1x2000x3xf32, #tpu.memory_space<vmem>>
        %gather3A_489 = tpu.memref_squeeze %gather3A_488 : memref<1x2000x3xf32, #tpu.memory_space<vmem>> -> memref<2000x3xf32, #tpu.memory_space<vmem>>
        %gather3A_490 = tpu.vector_load_idx %gather3A_489[%add3A_480, %broadcast_in_dim3A_5] : memref<2000x3xf32, #tpu.memory_space<vmem>>[vector<16xi32>, vector<16xi32>], vector<16xf32>,
        %gather3A_491 = arith.constant 0 : i32
        %gather3A_492 = arith.constant 0 : i32
        %gather3A_493 = tpu.memref_slice %arg17[%scan3A_195, %gather3A_491, %gather3A_492] : memref<2x2000x3xf32, #tpu.memory_space<vmem>> -> memref<1x2000x3xf32, #tpu.memory_space<vmem>>
        %gather3A_494 = tpu.memref_squeeze %gather3A_493 : memref<1x2000x3xf32, #tpu.memory_space<vmem>> -> memref<2000x3xf32, #tpu.memory_space<vmem>>
        %gather3A_495 = tpu.vector_load_idx %gather3A_494[%add3A_480, %broadcast_in_dim3A_7] : memref<2000x3xf32, #tpu.memory_space<vmem>>[vector<16xi32>, vector<16xi32>], vector<16xf32>,
        %gather3A_496 = arith.constant 0 : i32
        %gather3A_497 = arith.constant 0 : i32
        %gather3A_498 = tpu.memref_slice %arg18[%scan3A_196, %gather3A_496, %gather3A_497] : memref<2x2000x3xf32, #tpu.memory_space<vmem>> -> memref<1x2000x3xf32, #tpu.memory_space<vmem>>
        %gather3A_499 = tpu.memref_squeeze %gather3A_498 : memref<1x2000x3xf32, #tpu.memory_space<vmem>> -> memref<2000x3xf32, #tpu.memory_space<vmem>>
        %gather3A_500 = tpu.vector_load_idx %gather3A_499[%add3A_480, %broadcast_in_dim3A_3] : memref<2000x3xf32, #tpu.memory_space<vmem>>[vector<16xi32>, vector<16xi32>], vector<16xf32>,
        %gather3A_501 = arith.constant 0 : i32
        %gather3A_502 = arith.constant 0 : i32
        %gather3A_503 = tpu.memref_slice %arg18[%scan3A_196, %gather3A_501, %gather3A_502] : memref<2x2000x3xf32, #tpu.memory_space<vmem>> -> memref<1x2000x3xf32, #tpu.memory_space<vmem>>
        %gather3A_504 = tpu.memref_squeeze %gather3A_503 : memref<1x2000x3xf32, #tpu.memory_space<vmem>> -> memref<2000x3xf32, #tpu.memory_space<vmem>>
        %gather3A_505 = tpu.vector_load_idx %gather3A_504[%add3A_480, %broadcast_in_dim3A_5] : memref<2000x3xf32, #tpu.memory_space<vmem>>[vector<16xi32>, vector<16xi32>], vector<16xf32>,
        %gather3A_506 = arith.constant 0 : i32
        %gather3A_507 = arith.constant 0 : i32
        %gather3A_508 = tpu.memref_slice %arg18[%scan3A_196, %gather3A_506, %gather3A_507] : memref<2x2000x3xf32, #tpu.memory_space<vmem>> -> memref<1x2000x3xf32, #tpu.memory_space<vmem>>
        %gather3A_509 = tpu.memref_squeeze %gather3A_508 : memref<1x2000x3xf32, #tpu.memory_space<vmem>> -> memref<2000x3xf32, #tpu.memory_space<vmem>>
        %gather3A_510 = tpu.vector_load_idx %gather3A_509[%add3A_480, %broadcast_in_dim3A_7] : memref<2000x3xf32, #tpu.memory_space<vmem>>[vector<16xi32>, vector<16xi32>], vector<16xf32>,
        %mul3A_511 = arith.mulf %gather3A_485, %gather3A_500 : vector<16xf32>
        %mul3A_512 = arith.mulf %gather3A_490, %gather3A_505 : vector<16xf32>
        %add3A_513 = arith.addf %mul3A_511, %mul3A_512 : vector<16xf32>
        %mul3A_514 = arith.mulf %gather3A_495, %gather3A_510 : vector<16xf32>
        %add3A_515 = arith.addf %add3A_513, %mul3A_514 : vector<16xf32>
        %mul3A_516 = arith.constant 0.949999988 : f32
        %mul3A_517 = vector.broadcast %mul3A_516 : f32 to vector<16xf32>
        %mul3A_518 = arith.mulf %mul3A_517, %add3A_515 : vector<16xf32>
        %abs3A_519 = math.absf %mul3A_518 : vector<16xf32>
        %sub3A_520 = arith.constant 1.000000e+00 : f32
        %sub3A_521 = vector.broadcast %sub3A_520 : f32 to vector<16xf32>
        %sub3A_522 = arith.subf %sub3A_521, %abs3A_519 : vector<16xf32>
        %bitcast_convert_type3A_523 = tpu.bitcast %sub3A_522 : vector<16xf32> -> vector<16xi32>
        %shift_right_arithmetic3A_524 = arith.constant 1 : i32
        %shift_right_arithmetic3A_525 = vector.broadcast %shift_right_arithmetic3A_524 : i32 to vector<16xi32>
        %shift_right_arithmetic3A_526 = arith.shrsi %bitcast_convert_type3A_523, %shift_right_arithmetic3A_525 : vector<16xi32>
        %sub3A_527 = arith.constant 1597463007 : i32
        %sub3A_528 = vector.broadcast %sub3A_527 : i32 to vector<16xi32>
        %sub3A_529 = arith.subi %sub3A_528, %shift_right_arithmetic3A_526 : vector<16xi32>
        %bitcast_convert_type3A_530 = tpu.bitcast %sub3A_529 : vector<16xi32> -> vector<16xf32>
        %mul3A_531 = arith.constant 5.000000e-01 : f32
        %mul3A_532 = vector.broadcast %mul3A_531 : f32 to vector<16xf32>
        %mul3A_533 = arith.mulf %mul3A_532, %sub3A_522 : vector<16xf32>
        %mul3A_534 = arith.mulf %mul3A_533, %bitcast_convert_type3A_530 : vector<16xf32>
        %mul3A_535 = arith.mulf %mul3A_534, %bitcast_convert_type3A_530 : vector<16xf32>
        %sub3A_536 = arith.constant 1.500000e+00 : f32
        %sub3A_537 = vector.broadcast %sub3A_536 : f32 to vector<16xf32>
        %sub3A_538 = arith.subf %sub3A_537, %mul3A_535 : vector<16xf32>
        %mul3A_539 = arith.mulf %bitcast_convert_type3A_530, %sub3A_538 : vector<16xf32>
        %mul3A_540 = arith.mulf %mul3A_533, %mul3A_539 : vector<16xf32>
        %mul3A_541 = arith.mulf %mul3A_540, %mul3A_539 : vector<16xf32>
        %sub3A_542 = arith.constant 1.500000e+00 : f32
        %sub3A_543 = vector.broadcast %sub3A_542 : f32 to vector<16xf32>
        %sub3A_544 = arith.subf %sub3A_543, %mul3A_541 : vector<16xf32>
        %mul3A_545 = arith.mulf %mul3A_539, %sub3A_544 : vector<16xf32>
        %mul3A_546 = arith.mulf %sub3A_522, %mul3A_545 : vector<16xf32>
        %mul3A_547 = arith.constant -1.872930e-02 : f32
        %mul3A_548 = vector.broadcast %mul3A_547 : f32 to vector<16xf32>
        %mul3A_549 = arith.mulf %mul3A_548, %abs3A_519 : vector<16xf32>
        %add3A_550 = arith.constant 7.426100e-02 : f32
        %add3A_551 = vector.broadcast %add3A_550 : f32 to vector<16xf32>
        %add3A_552 = arith.addf %mul3A_549, %add3A_551 : vector<16xf32>
        %mul3A_553 = arith.mulf %add3A_552, %abs3A_519 : vector<16xf32>
        %add3A_554 = arith.constant -0.212114394 : f32
        %add3A_555 = vector.broadcast %add3A_554 : f32 to vector<16xf32>
        %add3A_556 = arith.addf %mul3A_553, %add3A_555 : vector<16xf32>
        %mul3A_557 = arith.mulf %add3A_556, %abs3A_519 : vector<16xf32>
        %add3A_558 = arith.constant 1.57072878 : f32
        %add3A_559 = vector.broadcast %add3A_558 : f32 to vector<16xf32>
        %add3A_560 = arith.addf %mul3A_557, %add3A_559 : vector<16xf32>
        %mul3A_561 = arith.mulf %mul3A_546, %add3A_560 : vector<16xf32>
        %ge3A_562 = arith.constant 0.000000e+00 : f32
        %ge3A_563 = vector.broadcast %ge3A_562 : f32 to vector<16xf32>
        %ge3A_564 = arith.cmpf oge, %mul3A_518, %ge3A_563 : vector<16xf32>
        %sub3A_565 = arith.constant 3.14159274 : f32
        %sub3A_566 = vector.broadcast %sub3A_565 : f32 to vector<16xf32>
        %sub3A_567 = arith.subf %sub3A_566, %mul3A_561 : vector<16xf32>
        %select_n3A_568 = arith.select %ge3A_564, %mul3A_561, %sub3A_567 : vector<16xi1>, vector<16xf32>
        %mul3A_569 = arith.constant 16 : i32
        %mul3A_570 = arith.muli %scan3A_475, %mul3A_569 : i32
        %swap3A_571 = arith.constant 0 : i32
        %swap3A_572 = tpu.memref_slice %arg19[%scan3A_197, %swap3A_571] : memref<2x2000xf32, #tpu.memory_space<vmem>> -> memref<1x2000xf32, #tpu.memory_space<vmem>>
        %swap3A_573 = tpu.memref_squeeze %swap3A_572 : memref<1x2000xf32, #tpu.memory_space<vmem>> -> memref<2000xf32, #tpu.memory_space<vmem>>
        %swap3A_574 = arith.index_cast %mul3A_570 : i32 to index
        %swap3A_575 = tpu.vector_load %swap3A_573[%swap3A_574] {strides = array<i32>} : memref<2000xf32, #tpu.memory_space<vmem>>, vector<16xf32>,
        tpu.vector_store %swap3A_573[%swap3A_574], %select_n3A_568 {strides = array<i32>} : memref<2000xf32, #tpu.memory_space<vmem>>, vector<16xf32>,
        %scan3A_576 = arith.constant 1 : i32
        %scan3A_577 = arith.addi %scan3A_475, %scan3A_576 : i32
        %iota3A_578 = tpu.iota {dimensions = array<i32: 0>} : vector<16xi32>
        %mul3A_579 = arith.constant 16 : i32
        %mul3A_580 = arith.muli %scan3A_577, %mul3A_579 : i32
        %add3A_581 = vector.broadcast %mul3A_580 : i32 to vector<16xi32>
        %add3A_582 = arith.addi %iota3A_578, %add3A_581 : vector<16xi32>
        %gather3A_583 = arith.constant 0 : i32
        %gather3A_584 = arith.constant 0 : i32
        %gather3A_585 = tpu.memref_slice %arg17[%scan3A_195, %gather3A_583, %gather3A_584] : memref<2x2000x3xf32, #tpu.memory_space<vmem>> -> memref<1x2000x3xf32, #tpu.memory_space<vmem>>
        %gather3A_586 = tpu.memref_squeeze %gather3A_585 : memref<1x2000x3xf32, #tpu.memory_space<vmem>> -> memref<2000x3xf32, #tpu.memory_space<vmem>>
        %gather3A_587 = tpu.vector_load_idx %gather3A_586[%add3A_582, %broadcast_in_dim3A_3] : memref<2000x3xf32, #tpu.memory_space<vmem>>[vector<16xi32>, vector<16xi32>], vector<16xf32>,
        %gather3A_588 = arith.constant 0 : i32
        %gather3A_589 = arith.constant 0 : i32
        %gather3A_590 = tpu.memref_slice %arg17[%scan3A_195, %gather3A_588, %gather3A_589] : memref<2x2000x3xf32, #tpu.memory_space<vmem>> -> memref<1x2000x3xf32, #tpu.memory_space<vmem>>
        %gather3A_591 = tpu.memref_squeeze %gather3A_590 : memref<1x2000x3xf32, #tpu.memory_space<vmem>> -> memref<2000x3xf32, #tpu.memory_space<vmem>>
        %gather3A_592 = tpu.vector_load_idx %gather3A_591[%add3A_582, %broadcast_in_dim3A_5] : memref<2000x3xf32, #tpu.memory_space<vmem>>[vector<16xi32>, vector<16xi32>], vector<16xf32>,
        %gather3A_593 = arith.constant 0 : i32
        %gather3A_594 = arith.constant 0 : i32
        %gather3A_595 = tpu.memref_slice %arg17[%scan3A_195, %gather3A_593, %gather3A_594] : memref<2x2000x3xf32, #tpu.memory_space<vmem>> -> memref<1x2000x3xf32, #tpu.memory_space<vmem>>
        %gather3A_596 = tpu.memref_squeeze %gather3A_595 : memref<1x2000x3xf32, #tpu.memory_space<vmem>> -> memref<2000x3xf32, #tpu.memory_space<vmem>>
        %gather3A_597 = tpu.vector_load_idx %gather3A_596[%add3A_582, %broadcast_in_dim3A_7] : memref<2000x3xf32, #tpu.memory_space<vmem>>[vector<16xi32>, vector<16xi32>], vector<16xf32>,
        %gather3A_598 = arith.constant 0 : i32
        %gather3A_599 = arith.constant 0 : i32
        %gather3A_600 = tpu.memref_slice %arg18[%scan3A_196, %gather3A_598, %gather3A_599] : memref<2x2000x3xf32, #tpu.memory_space<vmem>> -> memref<1x2000x3xf32, #tpu.memory_space<vmem>>
        %gather3A_601 = tpu.memref_squeeze %gather3A_600 : memref<1x2000x3xf32, #tpu.memory_space<vmem>> -> memref<2000x3xf32, #tpu.memory_space<vmem>>
        %gather3A_602 = tpu.vector_load_idx %gather3A_601[%add3A_582, %broadcast_in_dim3A_3] : memref<2000x3xf32, #tpu.memory_space<vmem>>[vector<16xi32>, vector<16xi32>], vector<16xf32>,
        %gather3A_603 = arith.constant 0 : i32
        %gather3A_604 = arith.constant 0 : i32
        %gather3A_605 = tpu.memref_slice %arg18[%scan3A_196, %gather3A_603, %gather3A_604] : memref<2x2000x3xf32, #tpu.memory_space<vmem>> -> memref<1x2000x3xf32, #tpu.memory_space<vmem>>
        %gather3A_606 = tpu.memref_squeeze %gather3A_605 : memref<1x2000x3xf32, #tpu.memory_space<vmem>> -> memref<2000x3xf32, #tpu.memory_space<vmem>>
        %gather3A_607 = tpu.vector_load_idx %gather3A_606[%add3A_582, %broadcast_in_dim3A_5] : memref<2000x3xf32, #tpu.memory_space<vmem>>[vector<16xi32>, vector<16xi32>], vector<16xf32>,
        %gather3A_608 = arith.constant 0 : i32
        %gather3A_609 = arith.constant 0 : i32
        %gather3A_610 = tpu.memref_slice %arg18[%scan3A_196, %gather3A_608, %gather3A_609] : memref<2x2000x3xf32, #tpu.memory_space<vmem>> -> memref<1x2000x3xf32, #tpu.memory_space<vmem>>
        %gather3A_611 = tpu.memref_squeeze %gather3A_610 : memref<1x2000x3xf32, #tpu.memory_space<vmem>> -> memref<2000x3xf32, #tpu.memory_space<vmem>>
        %gather3A_612 = tpu.vector_load_idx %gather3A_611[%add3A_582, %broadcast_in_dim3A_7] : memref<2000x3xf32, #tpu.memory_space<vmem>>[vector<16xi32>, vector<16xi32>], vector<16xf32>,
        %mul3A_613 = arith.mulf %gather3A_587, %gather3A_602 : vector<16xf32>
        %mul3A_614 = arith.mulf %gather3A_592, %gather3A_607 : vector<16xf32>
        %add3A_615 = arith.addf %mul3A_613, %mul3A_614 : vector<16xf32>
        %mul3A_616 = arith.mulf %gather3A_597, %gather3A_612 : vector<16xf32>
        %add3A_617 = arith.addf %add3A_615, %mul3A_616 : vector<16xf32>
        %mul3A_618 = arith.constant 0.949999988 : f32
        %mul3A_619 = vector.broadcast %mul3A_618 : f32 to vector<16xf32>
        %mul3A_620 = arith.mulf %mul3A_619, %add3A_617 : vector<16xf32>
        %abs3A_621 = math.absf %mul3A_620 : vector<16xf32>
        %sub3A_622 = arith.constant 1.000000e+00 : f32
        %sub3A_623 = vector.broadcast %sub3A_622 : f32 to vector<16xf32>
        %sub3A_624 = arith.subf %sub3A_623, %abs3A_621 : vector<16xf32>
        %bitcast_convert_type3A_625 = tpu.bitcast %sub3A_624 : vector<16xf32> -> vector<16xi32>
        %shift_right_arithmetic3A_626 = arith.constant 1 : i32
        %shift_right_arithmetic3A_627 = vector.broadcast %shift_right_arithmetic3A_626 : i32 to vector<16xi32>
        %shift_right_arithmetic3A_628 = arith.shrsi %bitcast_convert_type3A_625, %shift_right_arithmetic3A_627 : vector<16xi32>
        %sub3A_629 = arith.constant 1597463007 : i32
        %sub3A_630 = vector.broadcast %sub3A_629 : i32 to vector<16xi32>
        %sub3A_631 = arith.subi %sub3A_630, %shift_right_arithmetic3A_628 : vector<16xi32>
        %bitcast_convert_type3A_632 = tpu.bitcast %sub3A_631 : vector<16xi32> -> vector<16xf32>
        %mul3A_633 = arith.constant 5.000000e-01 : f32
        %mul3A_634 = vector.broadcast %mul3A_633 : f32 to vector<16xf32>
        %mul3A_635 = arith.mulf %mul3A_634, %sub3A_624 : vector<16xf32>
        %mul3A_636 = arith.mulf %mul3A_635, %bitcast_convert_type3A_632 : vector<16xf32>
        %mul3A_637 = arith.mulf %mul3A_636, %bitcast_convert_type3A_632 : vector<16xf32>
        %sub3A_638 = arith.constant 1.500000e+00 : f32
        %sub3A_639 = vector.broadcast %sub3A_638 : f32 to vector<16xf32>
        %sub3A_640 = arith.subf %sub3A_639, %mul3A_637 : vector<16xf32>
        %mul3A_641 = arith.mulf %bitcast_convert_type3A_632, %sub3A_640 : vector<16xf32>
        %mul3A_642 = arith.mulf %mul3A_635, %mul3A_641 : vector<16xf32>
        %mul3A_643 = arith.mulf %mul3A_642, %mul3A_641 : vector<16xf32>
        %sub3A_644 = arith.constant 1.500000e+00 : f32
        %sub3A_645 = vector.broadcast %sub3A_644 : f32 to vector<16xf32>
        %sub3A_646 = arith.subf %sub3A_645, %mul3A_643 : vector<16xf32>
        %mul3A_647 = arith.mulf %mul3A_641, %sub3A_646 : vector<16xf32>
        %mul3A_648 = arith.mulf %sub3A_624, %mul3A_647 : vector<16xf32>
        %mul3A_649 = arith.constant -1.872930e-02 : f32
        %mul3A_650 = vector.broadcast %mul3A_649 : f32 to vector<16xf32>
        %mul3A_651 = arith.mulf %mul3A_650, %abs3A_621 : vector<16xf32>
        %add3A_652 = arith.constant 7.426100e-02 : f32
        %add3A_653 = vector.broadcast %add3A_652 : f32 to vector<16xf32>
        %add3A_654 = arith.addf %mul3A_651, %add3A_653 : vector<16xf32>
        %mul3A_655 = arith.mulf %add3A_654, %abs3A_621 : vector<16xf32>
        %add3A_656 = arith.constant -0.212114394 : f32
        %add3A_657 = vector.broadcast %add3A_656 : f32 to vector<16xf32>
        %add3A_658 = arith.addf %mul3A_655, %add3A_657 : vector<16xf32>
        %mul3A_659 = arith.mulf %add3A_658, %abs3A_621 : vector<16xf32>
        %add3A_660 = arith.constant 1.57072878 : f32
        %add3A_661 = vector.broadcast %add3A_660 : f32 to vector<16xf32>
        %add3A_662 = arith.addf %mul3A_659, %add3A_661 : vector<16xf32>
        %mul3A_663 = arith.mulf %mul3A_648, %add3A_662 : vector<16xf32>
        %ge3A_664 = arith.constant 0.000000e+00 : f32
        %ge3A_665 = vector.broadcast %ge3A_664 : f32 to vector<16xf32>
        %ge3A_666 = arith.cmpf oge, %mul3A_620, %ge3A_665 : vector<16xf32>
        %sub3A_667 = arith.constant 3.14159274 : f32
        %sub3A_668 = vector.broadcast %sub3A_667 : f32 to vector<16xf32>
        %sub3A_669 = arith.subf %sub3A_668, %mul3A_663 : vector<16xf32>
        %select_n3A_670 = arith.select %ge3A_666, %mul3A_663, %sub3A_669 : vector<16xi1>, vector<16xf32>
        %mul3A_671 = arith.constant 16 : i32
        %mul3A_672 = arith.muli %scan3A_577, %mul3A_671 : i32
        %swap3A_673 = arith.constant 0 : i32
        %swap3A_674 = tpu.memref_slice %arg19[%scan3A_197, %swap3A_673] : memref<2x2000xf32, #tpu.memory_space<vmem>> -> memref<1x2000xf32, #tpu.memory_space<vmem>>
        %swap3A_675 = tpu.memref_squeeze %swap3A_674 : memref<1x2000xf32, #tpu.memory_space<vmem>> -> memref<2000xf32, #tpu.memory_space<vmem>>
        %swap3A_676 = arith.index_cast %mul3A_672 : i32 to index
        %swap3A_677 = tpu.vector_load %swap3A_675[%swap3A_676] {strides = array<i32>} : memref<2000xf32, #tpu.memory_space<vmem>>, vector<16xf32>,
        tpu.vector_store %swap3A_675[%swap3A_676], %select_n3A_670 {strides = array<i32>} : memref<2000xf32, #tpu.memory_space<vmem>>, vector<16xf32>,
        %scan3A_678 = arith.constant 2 : i32
        %scan3A_679 = arith.addi %scan3A_475, %scan3A_678 : i32
        %iota3A_680 = tpu.iota {dimensions = array<i32: 0>} : vector<16xi32>
        %mul3A_681 = arith.constant 16 : i32
        %mul3A_682 = arith.muli %scan3A_679, %mul3A_681 : i32
        %add3A_683 = vector.broadcast %mul3A_682 : i32 to vector<16xi32>
        %add3A_684 = arith.addi %iota3A_680, %add3A_683 : vector<16xi32>
        %gather3A_685 = arith.constant 0 : i32
        %gather3A_686 = arith.constant 0 : i32
        %gather3A_687 = tpu.memref_slice %arg17[%scan3A_195, %gather3A_685, %gather3A_686] : memref<2x2000x3xf32, #tpu.memory_space<vmem>> -> memref<1x2000x3xf32, #tpu.memory_space<vmem>>
        %gather3A_688 = tpu.memref_squeeze %gather3A_687 : memref<1x2000x3xf32, #tpu.memory_space<vmem>> -> memref<2000x3xf32, #tpu.memory_space<vmem>>
        %gather3A_689 = tpu.vector_load_idx %gather3A_688[%add3A_684, %broadcast_in_dim3A_3] : memref<2000x3xf32, #tpu.memory_space<vmem>>[vector<16xi32>, vector<16xi32>], vector<16xf32>,
        %gather3A_690 = arith.constant 0 : i32
        %gather3A_691 = arith.constant 0 : i32
        %gather3A_692 = tpu.memref_slice %arg17[%scan3A_195, %gather3A_690, %gather3A_691] : memref<2x2000x3xf32, #tpu.memory_space<vmem>> -> memref<1x2000x3xf32, #tpu.memory_space<vmem>>
        %gather3A_693 = tpu.memref_squeeze %gather3A_692 : memref<1x2000x3xf32, #tpu.memory_space<vmem>> -> memref<2000x3xf32, #tpu.memory_space<vmem>>
        %gather3A_694 = tpu.vector_load_idx %gather3A_693[%add3A_684, %broadcast_in_dim3A_5] : memref<2000x3xf32, #tpu.memory_space<vmem>>[vector<16xi32>, vector<16xi32>], vector<16xf32>,
        %gather3A_695 = arith.constant 0 : i32
        %gather3A_696 = arith.constant 0 : i32
        %gather3A_697 = tpu.memref_slice %arg17[%scan3A_195, %gather3A_695, %gather3A_696] : memref<2x2000x3xf32, #tpu.memory_space<vmem>> -> memref<1x2000x3xf32, #tpu.memory_space<vmem>>
        %gather3A_698 = tpu.memref_squeeze %gather3A_697 : memref<1x2000x3xf32, #tpu.memory_space<vmem>> -> memref<2000x3xf32, #tpu.memory_space<vmem>>
        %gather3A_699 = tpu.vector_load_idx %gather3A_698[%add3A_684, %broadcast_in_dim3A_7] : memref<2000x3xf32, #tpu.memory_space<vmem>>[vector<16xi32>, vector<16xi32>], vector<16xf32>,
        %gather3A_700 = arith.constant 0 : i32
        %gather3A_701 = arith.constant 0 : i32
        %gather3A_702 = tpu.memref_slice %arg18[%scan3A_196, %gather3A_700, %gather3A_701] : memref<2x2000x3xf32, #tpu.memory_space<vmem>> -> memref<1x2000x3xf32, #tpu.memory_space<vmem>>
        %gather3A_703 = tpu.memref_squeeze %gather3A_702 : memref<1x2000x3xf32, #tpu.memory_space<vmem>> -> memref<2000x3xf32, #tpu.memory_space<vmem>>
        %gather3A_704 = tpu.vector_load_idx %gather3A_703[%add3A_684, %broadcast_in_dim3A_3] : memref<2000x3xf32, #tpu.memory_space<vmem>>[vector<16xi32>, vector<16xi32>], vector<16xf32>,
        %gather3A_705 = arith.constant 0 : i32
        %gather3A_706 = arith.constant 0 : i32
        %gather3A_707 = tpu.memref_slice %arg18[%scan3A_196, %gather3A_705, %gather3A_706] : memref<2x2000x3xf32, #tpu.memory_space<vmem>> -> memref<1x2000x3xf32, #tpu.memory_space<vmem>>
        %gather3A_708 = tpu.memref_squeeze %gather3A_707 : memref<1x2000x3xf32, #tpu.memory_space<vmem>> -> memref<2000x3xf32, #tpu.memory_space<vmem>>
        %gather3A_709 = tpu.vector_load_idx %gather3A_708[%add3A_684, %broadcast_in_dim3A_5] : memref<2000x3xf32, #tpu.memory_space<vmem>>[vector<16xi32>, vector<16xi32>], vector<16xf32>,
        %gather3A_710 = arith.constant 0 : i32
        %gather3A_711 = arith.constant 0 : i32
        %gather3A_712 = tpu.memref_slice %arg18[%scan3A_196, %gather3A_710, %gather3A_711] : memref<2x2000x3xf32, #tpu.memory_space<vmem>> -> memref<1x2000x3xf32, #tpu.memory_space<vmem>>
        %gather3A_713 = tpu.memref_squeeze %gather3A_712 : memref<1x2000x3xf32, #tpu.memory_space<vmem>> -> memref<2000x3xf32, #tpu.memory_space<vmem>>
        %gather3A_714 = tpu.vector_load_idx %gather3A_713[%add3A_684, %broadcast_in_dim3A_7] : memref<2000x3xf32, #tpu.memory_space<vmem>>[vector<16xi32>, vector<16xi32>], vector<16xf32>,
        %mul3A_715 = arith.mulf %gather3A_689, %gather3A_704 : vector<16xf32>
        %mul3A_716 = arith.mulf %gather3A_694, %gather3A_709 : vector<16xf32>
        %add3A_717 = arith.addf %mul3A_715, %mul3A_716 : vector<16xf32>
        %mul3A_718 = arith.mulf %gather3A_699, %gather3A_714 : vector<16xf32>
        %add3A_719 = arith.addf %add3A_717, %mul3A_718 : vector<16xf32>
        %mul3A_720 = arith.constant 0.949999988 : f32
        %mul3A_721 = vector.broadcast %mul3A_720 : f32 to vector<16xf32>
        %mul3A_722 = arith.mulf %mul3A_721, %add3A_719 : vector<16xf32>
        %abs3A_723 = math.absf %mul3A_722 : vector<16xf32>
        %sub3A_724 = arith.constant 1.000000e+00 : f32
        %sub3A_725 = vector.broadcast %sub3A_724 : f32 to vector<16xf32>
        %sub3A_726 = arith.subf %sub3A_725, %abs3A_723 : vector<16xf32>
        %bitcast_convert_type3A_727 = tpu.bitcast %sub3A_726 : vector<16xf32> -> vector<16xi32>
        %shift_right_arithmetic3A_728 = arith.constant 1 : i32
        %shift_right_arithmetic3A_729 = vector.broadcast %shift_right_arithmetic3A_728 : i32 to vector<16xi32>
        %shift_right_arithmetic3A_730 = arith.shrsi %bitcast_convert_type3A_727, %shift_right_arithmetic3A_729 : vector<16xi32>
        %sub3A_731 = arith.constant 1597463007 : i32
        %sub3A_732 = vector.broadcast %sub3A_731 : i32 to vector<16xi32>
        %sub3A_733 = arith.subi %sub3A_732, %shift_right_arithmetic3A_730 : vector<16xi32>
        %bitcast_convert_type3A_734 = tpu.bitcast %sub3A_733 : vector<16xi32> -> vector<16xf32>
        %mul3A_735 = arith.constant 5.000000e-01 : f32
        %mul3A_736 = vector.broadcast %mul3A_735 : f32 to vector<16xf32>
        %mul3A_737 = arith.mulf %mul3A_736, %sub3A_726 : vector<16xf32>
        %mul3A_738 = arith.mulf %mul3A_737, %bitcast_convert_type3A_734 : vector<16xf32>
        %mul3A_739 = arith.mulf %mul3A_738, %bitcast_convert_type3A_734 : vector<16xf32>
        %sub3A_740 = arith.constant 1.500000e+00 : f32
        %sub3A_741 = vector.broadcast %sub3A_740 : f32 to vector<16xf32>
        %sub3A_742 = arith.subf %sub3A_741, %mul3A_739 : vector<16xf32>
        %mul3A_743 = arith.mulf %bitcast_convert_type3A_734, %sub3A_742 : vector<16xf32>
        %mul3A_744 = arith.mulf %mul3A_737, %mul3A_743 : vector<16xf32>
        %mul3A_745 = arith.mulf %mul3A_744, %mul3A_743 : vector<16xf32>
        %sub3A_746 = arith.constant 1.500000e+00 : f32
        %sub3A_747 = vector.broadcast %sub3A_746 : f32 to vector<16xf32>
        %sub3A_748 = arith.subf %sub3A_747, %mul3A_745 : vector<16xf32>
        %mul3A_749 = arith.mulf %mul3A_743, %sub3A_748 : vector<16xf32>
        %mul3A_750 = arith.mulf %sub3A_726, %mul3A_749 : vector<16xf32>
        %mul3A_751 = arith.constant -1.872930e-02 : f32
        %mul3A_752 = vector.broadcast %mul3A_751 : f32 to vector<16xf32>
        %mul3A_753 = arith.mulf %mul3A_752, %abs3A_723 : vector<16xf32>
        %add3A_754 = arith.constant 7.426100e-02 : f32
        %add3A_755 = vector.broadcast %add3A_754 : f32 to vector<16xf32>
        %add3A_756 = arith.addf %mul3A_753, %add3A_755 : vector<16xf32>
        %mul3A_757 = arith.mulf %add3A_756, %abs3A_723 : vector<16xf32>
        %add3A_758 = arith.constant -0.212114394 : f32
        %add3A_759 = vector.broadcast %add3A_758 : f32 to vector<16xf32>
        %add3A_760 = arith.addf %mul3A_757, %add3A_759 : vector<16xf32>
        %mul3A_761 = arith.mulf %add3A_760, %abs3A_723 : vector<16xf32>
        %add3A_762 = arith.constant 1.57072878 : f32
        %add3A_763 = vector.broadcast %add3A_762 : f32 to vector<16xf32>
        %add3A_764 = arith.addf %mul3A_761, %add3A_763 : vector<16xf32>
        %mul3A_765 = arith.mulf %mul3A_750, %add3A_764 : vector<16xf32>
        %ge3A_766 = arith.constant 0.000000e+00 : f32
        %ge3A_767 = vector.broadcast %ge3A_766 : f32 to vector<16xf32>
        %ge3A_768 = arith.cmpf oge, %mul3A_722, %ge3A_767 : vector<16xf32>
        %sub3A_769 = arith.constant 3.14159274 : f32
        %sub3A_770 = vector.broadcast %sub3A_769 : f32 to vector<16xf32>
        %sub3A_771 = arith.subf %sub3A_770, %mul3A_765 : vector<16xf32>
        %select_n3A_772 = arith.select %ge3A_768, %mul3A_765, %sub3A_771 : vector<16xi1>, vector<16xf32>
        %mul3A_773 = arith.constant 16 : i32
        %mul3A_774 = arith.muli %scan3A_679, %mul3A_773 : i32
        %swap3A_775 = arith.constant 0 : i32
        %swap3A_776 = tpu.memref_slice %arg19[%scan3A_197, %swap3A_775] : memref<2x2000xf32, #tpu.memory_space<vmem>> -> memref<1x2000xf32, #tpu.memory_space<vmem>>
        %swap3A_777 = tpu.memref_squeeze %swap3A_776 : memref<1x2000xf32, #tpu.memory_space<vmem>> -> memref<2000xf32, #tpu.memory_space<vmem>>
        %swap3A_778 = arith.index_cast %mul3A_774 : i32 to index
        %swap3A_779 = tpu.vector_load %swap3A_777[%swap3A_778] {strides = array<i32>} : memref<2000xf32, #tpu.memory_space<vmem>>, vector<16xf32>,
        tpu.vector_store %swap3A_777[%swap3A_778], %select_n3A_772 {strides = array<i32>} : memref<2000xf32, #tpu.memory_space<vmem>>, vector<16xf32>,
        %scan3A_780 = arith.constant 3 : i32
        %scan3A_781 = arith.addi %scan3A_475, %scan3A_780 : i32
        %iota3A_782 = tpu.iota {dimensions = array<i32: 0>} : vector<16xi32>
        %mul3A_783 = arith.constant 16 : i32
        %mul3A_784 = arith.muli %scan3A_781, %mul3A_783 : i32
        %add3A_785 = vector.broadcast %mul3A_784 : i32 to vector<16xi32>
        %add3A_786 = arith.addi %iota3A_782, %add3A_785 : vector<16xi32>
        %gather3A_787 = arith.constant 0 : i32
        %gather3A_788 = arith.constant 0 : i32
        %gather3A_789 = tpu.memref_slice %arg17[%scan3A_195, %gather3A_787, %gather3A_788] : memref<2x2000x3xf32, #tpu.memory_space<vmem>> -> memref<1x2000x3xf32, #tpu.memory_space<vmem>>
        %gather3A_790 = tpu.memref_squeeze %gather3A_789 : memref<1x2000x3xf32, #tpu.memory_space<vmem>> -> memref<2000x3xf32, #tpu.memory_space<vmem>>
        %gather3A_791 = tpu.vector_load_idx %gather3A_790[%add3A_786, %broadcast_in_dim3A_3] : memref<2000x3xf32, #tpu.memory_space<vmem>>[vector<16xi32>, vector<16xi32>], vector<16xf32>,
        %gather3A_792 = arith.constant 0 : i32
        %gather3A_793 = arith.constant 0 : i32
        %gather3A_794 = tpu.memref_slice %arg17[%scan3A_195, %gather3A_792, %gather3A_793] : memref<2x2000x3xf32, #tpu.memory_space<vmem>> -> memref<1x2000x3xf32, #tpu.memory_space<vmem>>
        %gather3A_795 = tpu.memref_squeeze %gather3A_794 : memref<1x2000x3xf32, #tpu.memory_space<vmem>> -> memref<2000x3xf32, #tpu.memory_space<vmem>>
        %gather3A_796 = tpu.vector_load_idx %gather3A_795[%add3A_786, %broadcast_in_dim3A_5] : memref<2000x3xf32, #tpu.memory_space<vmem>>[vector<16xi32>, vector<16xi32>], vector<16xf32>,
        %gather3A_797 = arith.constant 0 : i32
        %gather3A_798 = arith.constant 0 : i32
        %gather3A_799 = tpu.memref_slice %arg17[%scan3A_195, %gather3A_797, %gather3A_798] : memref<2x2000x3xf32, #tpu.memory_space<vmem>> -> memref<1x2000x3xf32, #tpu.memory_space<vmem>>
        %gather3A_800 = tpu.memref_squeeze %gather3A_799 : memref<1x2000x3xf32, #tpu.memory_space<vmem>> -> memref<2000x3xf32, #tpu.memory_space<vmem>>
        %gather3A_801 = tpu.vector_load_idx %gather3A_800[%add3A_786, %broadcast_in_dim3A_7] : memref<2000x3xf32, #tpu.memory_space<vmem>>[vector<16xi32>, vector<16xi32>], vector<16xf32>,
        %gather3A_802 = arith.constant 0 : i32
        %gather3A_803 = arith.constant 0 : i32
        %gather3A_804 = tpu.memref_slice %arg18[%scan3A_196, %gather3A_802, %gather3A_803] : memref<2x2000x3xf32, #tpu.memory_space<vmem>> -> memref<1x2000x3xf32, #tpu.memory_space<vmem>>
        %gather3A_805 = tpu.memref_squeeze %gather3A_804 : memref<1x2000x3xf32, #tpu.memory_space<vmem>> -> memref<2000x3xf32, #tpu.memory_space<vmem>>
        %gather3A_806 = tpu.vector_load_idx %gather3A_805[%add3A_786, %broadcast_in_dim3A_3] : memref<2000x3xf32, #tpu.memory_space<vmem>>[vector<16xi32>, vector<16xi32>], vector<16xf32>,
        %gather3A_807 = arith.constant 0 : i32
        %gather3A_808 = arith.constant 0 : i32
        %gather3A_809 = tpu.memref_slice %arg18[%scan3A_196, %gather3A_807, %gather3A_808] : memref<2x2000x3xf32, #tpu.memory_space<vmem>> -> memref<1x2000x3xf32, #tpu.memory_space<vmem>>
        %gather3A_810 = tpu.memref_squeeze %gather3A_809 : memref<1x2000x3xf32, #tpu.memory_space<vmem>> -> memref<2000x3xf32, #tpu.memory_space<vmem>>
        %gather3A_811 = tpu.vector_load_idx %gather3A_810[%add3A_786, %broadcast_in_dim3A_5] : memref<2000x3xf32, #tpu.memory_space<vmem>>[vector<16xi32>, vector<16xi32>], vector<16xf32>,
        %gather3A_812 = arith.constant 0 : i32
        %gather3A_813 = arith.constant 0 : i32
        %gather3A_814 = tpu.memref_slice %arg18[%scan3A_196, %gather3A_812, %gather3A_813] : memref<2x2000x3xf32, #tpu.memory_space<vmem>> -> memref<1x2000x3xf32, #tpu.memory_space<vmem>>
        %gather3A_815 = tpu.memref_squeeze %gather3A_814 : memref<1x2000x3xf32, #tpu.memory_space<vmem>> -> memref<2000x3xf32, #tpu.memory_space<vmem>>
        %gather3A_816 = tpu.vector_load_idx %gather3A_815[%add3A_786, %broadcast_in_dim3A_7] : memref<2000x3xf32, #tpu.memory_space<vmem>>[vector<16xi32>, vector<16xi32>], vector<16xf32>,
        %mul3A_817 = arith.mulf %gather3A_791, %gather3A_806 : vector<16xf32>
        %mul3A_818 = arith.mulf %gather3A_796, %gather3A_811 : vector<16xf32>
        %add3A_819 = arith.addf %mul3A_817, %mul3A_818 : vector<16xf32>
        %mul3A_820 = arith.mulf %gather3A_801, %gather3A_816 : vector<16xf32>
        %add3A_821 = arith.addf %add3A_819, %mul3A_820 : vector<16xf32>
        %mul3A_822 = arith.constant 0.949999988 : f32
        %mul3A_823 = vector.broadcast %mul3A_822 : f32 to vector<16xf32>
        %mul3A_824 = arith.mulf %mul3A_823, %add3A_821 : vector<16xf32>
        %abs3A_825 = math.absf %mul3A_824 : vector<16xf32>
        %sub3A_826 = arith.constant 1.000000e+00 : f32
        %sub3A_827 = vector.broadcast %sub3A_826 : f32 to vector<16xf32>
        %sub3A_828 = arith.subf %sub3A_827, %abs3A_825 : vector<16xf32>
        %bitcast_convert_type3A_829 = tpu.bitcast %sub3A_828 : vector<16xf32> -> vector<16xi32>
        %shift_right_arithmetic3A_830 = arith.constant 1 : i32
        %shift_right_arithmetic3A_831 = vector.broadcast %shift_right_arithmetic3A_830 : i32 to vector<16xi32>
        %shift_right_arithmetic3A_832 = arith.shrsi %bitcast_convert_type3A_829, %shift_right_arithmetic3A_831 : vector<16xi32>
        %sub3A_833 = arith.constant 1597463007 : i32
        %sub3A_834 = vector.broadcast %sub3A_833 : i32 to vector<16xi32>
        %sub3A_835 = arith.subi %sub3A_834, %shift_right_arithmetic3A_832 : vector<16xi32>
        %bitcast_convert_type3A_836 = tpu.bitcast %sub3A_835 : vector<16xi32> -> vector<16xf32>
        %mul3A_837 = arith.constant 5.000000e-01 : f32
        %mul3A_838 = vector.broadcast %mul3A_837 : f32 to vector<16xf32>
        %mul3A_839 = arith.mulf %mul3A_838, %sub3A_828 : vector<16xf32>
        %mul3A_840 = arith.mulf %mul3A_839, %bitcast_convert_type3A_836 : vector<16xf32>
        %mul3A_841 = arith.mulf %mul3A_840, %bitcast_convert_type3A_836 : vector<16xf32>
        %sub3A_842 = arith.constant 1.500000e+00 : f32
        %sub3A_843 = vector.broadcast %sub3A_842 : f32 to vector<16xf32>
        %sub3A_844 = arith.subf %sub3A_843, %mul3A_841 : vector<16xf32>
        %mul3A_845 = arith.mulf %bitcast_convert_type3A_836, %sub3A_844 : vector<16xf32>
        %mul3A_846 = arith.mulf %mul3A_839, %mul3A_845 : vector<16xf32>
        %mul3A_847 = arith.mulf %mul3A_846, %mul3A_845 : vector<16xf32>
        %sub3A_848 = arith.constant 1.500000e+00 : f32
        %sub3A_849 = vector.broadcast %sub3A_848 : f32 to vector<16xf32>
        %sub3A_850 = arith.subf %sub3A_849, %mul3A_847 : vector<16xf32>
        %mul3A_851 = arith.mulf %mul3A_845, %sub3A_850 : vector<16xf32>
        %mul3A_852 = arith.mulf %sub3A_828, %mul3A_851 : vector<16xf32>
        %mul3A_853 = arith.constant -1.872930e-02 : f32
        %mul3A_854 = vector.broadcast %mul3A_853 : f32 to vector<16xf32>
        %mul3A_855 = arith.mulf %mul3A_854, %abs3A_825 : vector<16xf32>
        %add3A_856 = arith.constant 7.426100e-02 : f32
        %add3A_857 = vector.broadcast %add3A_856 : f32 to vector<16xf32>
        %add3A_858 = arith.addf %mul3A_855, %add3A_857 : vector<16xf32>
        %mul3A_859 = arith.mulf %add3A_858, %abs3A_825 : vector<16xf32>
        %add3A_860 = arith.constant -0.212114394 : f32
        %add3A_861 = vector.broadcast %add3A_860 : f32 to vector<16xf32>
        %add3A_862 = arith.addf %mul3A_859, %add3A_861 : vector<16xf32>
        %mul3A_863 = arith.mulf %add3A_862, %abs3A_825 : vector<16xf32>
        %add3A_864 = arith.constant 1.57072878 : f32
        %add3A_865 = vector.broadcast %add3A_864 : f32 to vector<16xf32>
        %add3A_866 = arith.addf %mul3A_863, %add3A_865 : vector<16xf32>
        %mul3A_867 = arith.mulf %mul3A_852, %add3A_866 : vector<16xf32>
        %ge3A_868 = arith.constant 0.000000e+00 : f32
        %ge3A_869 = vector.broadcast %ge3A_868 : f32 to vector<16xf32>
        %ge3A_870 = arith.cmpf oge, %mul3A_824, %ge3A_869 : vector<16xf32>
        %sub3A_871 = arith.constant 3.14159274 : f32
        %sub3A_872 = vector.broadcast %sub3A_871 : f32 to vector<16xf32>
        %sub3A_873 = arith.subf %sub3A_872, %mul3A_867 : vector<16xf32>
        %select_n3A_874 = arith.select %ge3A_870, %mul3A_867, %sub3A_873 : vector<16xi1>, vector<16xf32>
        %mul3A_875 = arith.constant 16 : i32
        %mul3A_876 = arith.muli %scan3A_781, %mul3A_875 : i32
        %swap3A_877 = arith.constant 0 : i32
        %swap3A_878 = tpu.memref_slice %arg19[%scan3A_197, %swap3A_877] : memref<2x2000xf32, #tpu.memory_space<vmem>> -> memref<1x2000xf32, #tpu.memory_space<vmem>>
        %swap3A_879 = tpu.memref_squeeze %swap3A_878 : memref<1x2000xf32, #tpu.memory_space<vmem>> -> memref<2000xf32, #tpu.memory_space<vmem>>
        %swap3A_880 = arith.index_cast %mul3A_876 : i32 to index
        %swap3A_881 = tpu.vector_load %swap3A_879[%swap3A_880] {strides = array<i32>} : memref<2000xf32, #tpu.memory_space<vmem>>, vector<16xf32>,
        tpu.vector_store %swap3A_879[%swap3A_880], %select_n3A_874 {strides = array<i32>} : memref<2000xf32, #tpu.memory_space<vmem>>, vector<16xf32>,
      }
      %scan3A_202 = arith.constant 124 : i32
      %scan3A_203 = arith.addi %scan3A_198, %scan3A_202 : i32
      %iota3A = tpu.iota {dimensions = array<i32: 0>} : vector<16xi32>
      %mul3A_204 = arith.constant 16 : i32
      %mul3A_205 = arith.muli %scan3A_203, %mul3A_204 : i32
      %add3A_206 = vector.broadcast %mul3A_205 : i32 to vector<16xi32>
      %add3A_207 = arith.addi %iota3A, %add3A_206 : vector<16xi32>
      %gather3A = arith.constant 0 : i32
      %gather3A_208 = arith.constant 0 : i32
      %gather3A_209 = tpu.memref_slice %arg17[%scan3A_195, %gather3A, %gather3A_208] : memref<2x2000x3xf32, #tpu.memory_space<vmem>> -> memref<1x2000x3xf32, #tpu.memory_space<vmem>>
      %gather3A_210 = tpu.memref_squeeze %gather3A_209 : memref<1x2000x3xf32, #tpu.memory_space<vmem>> -> memref<2000x3xf32, #tpu.memory_space<vmem>>
      %gather3A_211 = tpu.vector_load_idx %gather3A_210[%add3A_207, %broadcast_in_dim3A_3] : memref<2000x3xf32, #tpu.memory_space<vmem>>[vector<16xi32>, vector<16xi32>], vector<16xf32>,
      %gather3A_212 = arith.constant 0 : i32
      %gather3A_213 = arith.constant 0 : i32
      %gather3A_214 = tpu.memref_slice %arg17[%scan3A_195, %gather3A_212, %gather3A_213] : memref<2x2000x3xf32, #tpu.memory_space<vmem>> -> memref<1x2000x3xf32, #tpu.memory_space<vmem>>
      %gather3A_215 = tpu.memref_squeeze %gather3A_214 : memref<1x2000x3xf32, #tpu.memory_space<vmem>> -> memref<2000x3xf32, #tpu.memory_space<vmem>>
      %gather3A_216 = tpu.vector_load_idx %gather3A_215[%add3A_207, %broadcast_in_dim3A_5] : memref<2000x3xf32, #tpu.memory_space<vmem>>[vector<16xi32>, vector<16xi32>], vector<16xf32>,
      %gather3A_217 = arith.constant 0 : i32
      %gather3A_218 = arith.constant 0 : i32
      %gather3A_219 = tpu.memref_slice %arg17[%scan3A_195, %gather3A_217, %gather3A_218] : memref<2x2000x3xf32, #tpu.memory_space<vmem>> -> memref<1x2000x3xf32, #tpu.memory_space<vmem>>
      %gather3A_220 = tpu.memref_squeeze %gather3A_219 : memref<1x2000x3xf32, #tpu.memory_space<vmem>> -> memref<2000x3xf32, #tpu.memory_space<vmem>>
      %gather3A_221 = tpu.vector_load_idx %gather3A_220[%add3A_207, %broadcast_in_dim3A_7] : memref<2000x3xf32, #tpu.memory_space<vmem>>[vector<16xi32>, vector<16xi32>], vector<16xf32>,
      %gather3A_222 = arith.constant 0 : i32
      %gather3A_223 = arith.constant 0 : i32
      %gather3A_224 = tpu.memref_slice %arg18[%scan3A_196, %gather3A_222, %gather3A_223] : memref<2x2000x3xf32, #tpu.memory_space<vmem>> -> memref<1x2000x3xf32, #tpu.memory_space<vmem>>
      %gather3A_225 = tpu.memref_squeeze %gather3A_224 : memref<1x2000x3xf32, #tpu.memory_space<vmem>> -> memref<2000x3xf32, #tpu.memory_space<vmem>>
      %gather3A_226 = tpu.vector_load_idx %gather3A_225[%add3A_207, %broadcast_in_dim3A_3] : memref<2000x3xf32, #tpu.memory_space<vmem>>[vector<16xi32>, vector<16xi32>], vector<16xf32>,
      %gather3A_227 = arith.constant 0 : i32
      %gather3A_228 = arith.constant 0 : i32
      %gather3A_229 = tpu.memref_slice %arg18[%scan3A_196, %gather3A_227, %gather3A_228] : memref<2x2000x3xf32, #tpu.memory_space<vmem>> -> memref<1x2000x3xf32, #tpu.memory_space<vmem>>
      %gather3A_230 = tpu.memref_squeeze %gather3A_229 : memref<1x2000x3xf32, #tpu.memory_space<vmem>> -> memref<2000x3xf32, #tpu.memory_space<vmem>>
      %gather3A_231 = tpu.vector_load_idx %gather3A_230[%add3A_207, %broadcast_in_dim3A_5] : memref<2000x3xf32, #tpu.memory_space<vmem>>[vector<16xi32>, vector<16xi32>], vector<16xf32>,
      %gather3A_232 = arith.constant 0 : i32
      %gather3A_233 = arith.constant 0 : i32
      %gather3A_234 = tpu.memref_slice %arg18[%scan3A_196, %gather3A_232, %gather3A_233] : memref<2x2000x3xf32, #tpu.memory_space<vmem>> -> memref<1x2000x3xf32, #tpu.memory_space<vmem>>
      %gather3A_235 = tpu.memref_squeeze %gather3A_234 : memref<1x2000x3xf32, #tpu.memory_space<vmem>> -> memref<2000x3xf32, #tpu.memory_space<vmem>>
      %gather3A_236 = tpu.vector_load_idx %gather3A_235[%add3A_207, %broadcast_in_dim3A_7] : memref<2000x3xf32, #tpu.memory_space<vmem>>[vector<16xi32>, vector<16xi32>], vector<16xf32>,
      %mul3A_237 = arith.mulf %gather3A_211, %gather3A_226 : vector<16xf32>
      %mul3A_238 = arith.mulf %gather3A_216, %gather3A_231 : vector<16xf32>
      %add3A_239 = arith.addf %mul3A_237, %mul3A_238 : vector<16xf32>
      %mul3A_240 = arith.mulf %gather3A_221, %gather3A_236 : vector<16xf32>
      %add3A_241 = arith.addf %add3A_239, %mul3A_240 : vector<16xf32>
      %mul3A_242 = arith.constant 0.949999988 : f32
      %mul3A_243 = vector.broadcast %mul3A_242 : f32 to vector<16xf32>
      %mul3A_244 = arith.mulf %mul3A_243, %add3A_241 : vector<16xf32>
      %abs3A = math.absf %mul3A_244 : vector<16xf32>
      %sub3A = arith.constant 1.000000e+00 : f32
      %sub3A_245 = vector.broadcast %sub3A : f32 to vector<16xf32>
      %sub3A_246 = arith.subf %sub3A_245, %abs3A : vector<16xf32>
      %bitcast_convert_type3A = tpu.bitcast %sub3A_246 : vector<16xf32> -> vector<16xi32>
      %shift_right_arithmetic3A = arith.constant 1 : i32
      %shift_right_arithmetic3A_247 = vector.broadcast %shift_right_arithmetic3A : i32 to vector<16xi32>
      %shift_right_arithmetic3A_248 = arith.shrsi %bitcast_convert_type3A, %shift_right_arithmetic3A_247 : vector<16xi32>
      %sub3A_249 = arith.constant 1597463007 : i32
      %sub3A_250 = vector.broadcast %sub3A_249 : i32 to vector<16xi32>
      %sub3A_251 = arith.subi %sub3A_250, %shift_right_arithmetic3A_248 : vector<16xi32>
      %bitcast_convert_type3A_252 = tpu.bitcast %sub3A_251 : vector<16xi32> -> vector<16xf32>
      %mul3A_253 = arith.constant 5.000000e-01 : f32
      %mul3A_254 = vector.broadcast %mul3A_253 : f32 to vector<16xf32>
      %mul3A_255 = arith.mulf %mul3A_254, %sub3A_246 : vector<16xf32>
      %mul3A_256 = arith.mulf %mul3A_255, %bitcast_convert_type3A_252 : vector<16xf32>
      %mul3A_257 = arith.mulf %mul3A_256, %bitcast_convert_type3A_252 : vector<16xf32>
      %sub3A_258 = arith.constant 1.500000e+00 : f32
      %sub3A_259 = vector.broadcast %sub3A_258 : f32 to vector<16xf32>
      %sub3A_260 = arith.subf %sub3A_259, %mul3A_257 : vector<16xf32>
      %mul3A_261 = arith.mulf %bitcast_convert_type3A_252, %sub3A_260 : vector<16xf32>
      %mul3A_262 = arith.mulf %mul3A_255, %mul3A_261 : vector<16xf32>
      %mul3A_263 = arith.mulf %mul3A_262, %mul3A_261 : vector<16xf32>
      %sub3A_264 = arith.constant 1.500000e+00 : f32
      %sub3A_265 = vector.broadcast %sub3A_264 : f32 to vector<16xf32>
      %sub3A_266 = arith.subf %sub3A_265, %mul3A_263 : vector<16xf32>
      %mul3A_267 = arith.mulf %mul3A_261, %sub3A_266 : vector<16xf32>
      %mul3A_268 = arith.mulf %sub3A_246, %mul3A_267 : vector<16xf32>
      %mul3A_269 = arith.constant -1.872930e-02 : f32
      %mul3A_270 = vector.broadcast %mul3A_269 : f32 to vector<16xf32>
      %mul3A_271 = arith.mulf %mul3A_270, %abs3A : vector<16xf32>
      %add3A_272 = arith.constant 7.426100e-02 : f32
      %add3A_273 = vector.broadcast %add3A_272 : f32 to vector<16xf32>
      %add3A_274 = arith.addf %mul3A_271, %add3A_273 : vector<16xf32>
      %mul3A_275 = arith.mulf %add3A_274, %abs3A : vector<16xf32>
      %add3A_276 = arith.constant -0.212114394 : f32
      %add3A_277 = vector.broadcast %add3A_276 : f32 to vector<16xf32>
      %add3A_278 = arith.addf %mul3A_275, %add3A_277 : vector<16xf32>
      %mul3A_279 = arith.mulf %add3A_278, %abs3A : vector<16xf32>
      %add3A_280 = arith.constant 1.57072878 : f32
      %add3A_281 = vector.broadcast %add3A_280 : f32 to vector<16xf32>
      %add3A_282 = arith.addf %mul3A_279, %add3A_281 : vector<16xf32>
      %mul3A_283 = arith.mulf %mul3A_268, %add3A_282 : vector<16xf32>
      %ge3A = arith.constant 0.000000e+00 : f32
      %ge3A_284 = vector.broadcast %ge3A : f32 to vector<16xf32>
      %ge3A_285 = arith.cmpf oge, %mul3A_244, %ge3A_284 : vector<16xf32>
      %sub3A_286 = arith.constant 3.14159274 : f32
      %sub3A_287 = vector.broadcast %sub3A_286 : f32 to vector<16xf32>
      %sub3A_288 = arith.subf %sub3A_287, %mul3A_283 : vector<16xf32>
      %select_n3A = arith.select %ge3A_285, %mul3A_283, %sub3A_288 : vector<16xi1>, vector<16xf32>
      %mul3A_289 = arith.constant 16 : i32
      %mul3A_290 = arith.muli %scan3A_203, %mul3A_289 : i32
      %swap3A = arith.constant 0 : i32
      %swap3A_291 = tpu.memref_slice %arg19[%scan3A_197, %swap3A] : memref<2x2000xf32, #tpu.memory_space<vmem>> -> memref<1x2000xf32, #tpu.memory_space<vmem>>
      %swap3A_292 = tpu.memref_squeeze %swap3A_291 : memref<1x2000xf32, #tpu.memory_space<vmem>> -> memref<2000xf32, #tpu.memory_space<vmem>>
      %swap3A_293 = arith.index_cast %mul3A_290 : i32 to index
      %swap3A_294 = tpu.vector_load %swap3A_292[%swap3A_293] {strides = array<i32>} : memref<2000xf32, #tpu.memory_space<vmem>>, vector<16xf32>,
      tpu.vector_store %swap3A_292[%swap3A_293], %select_n3A {strides = array<i32>} : memref<2000xf32, #tpu.memory_space<vmem>>, vector<16xf32>,
      %scan3A_295 = arith.constant 125 : i32
      %mul3A_296 = arith.constant 2000 : i32
      %mul3A_297 = arith.muli %add3A_167, %mul3A_296 : i32
      %add3A_298 = arith.addi %mul3A_2, %mul3A_297 : i32
      %dma_start3A_299 = arith.constant 0 : i32
      %dma_start3A_300 = arith.constant 0 : i32
      %dma_start3A_301 = tpu.memref_slice %arg19[%dma_start3A_299, %dma_start3A_300] : memref<2x2000xf32, #tpu.memory_space<vmem>> -> memref<1x2000xf32, #tpu.memory_space<vmem>>
      %dma_start3A_302 = tpu.memref_squeeze %dma_start3A_301 : memref<1x2000xf32, #tpu.memory_space<vmem>> -> memref<2000xf32, #tpu.memory_space<vmem>>
      %dma_start3A_303 = tpu.memref_slice %arg8[%add3A_298] : memref<2560000xf32, #tpu.memory_space<hbm>> -> memref<2000xf32, #tpu.memory_space<hbm>>
      %dma_start3A_304 = tpu.memref_slice %arg8[%add3A_298] : memref<2560000xf32, #tpu.memory_space<hbm>> -> memref<2000xf32, #tpu.memory_space<hbm>>
      %dma_start3A_305 = arith.constant 0 : i32
      %dma_start3A_306 = tpu.memref_slice %arg19[%dma_start3A_299, %dma_start3A_305] : memref<2x2000xf32, #tpu.memory_space<vmem>> -> memref<1x2000xf32, #tpu.memory_space<vmem>>
      %dma_start3A_307 = tpu.memref_squeeze %dma_start3A_306 : memref<1x2000xf32, #tpu.memory_space<vmem>> -> memref<2000xf32, #tpu.memory_space<vmem>>
      tpu.enqueue_dma source(%dma_start3A_307 : memref<2000xf32, #tpu.memory_space<vmem>>) target(%dma_start3A_304 : memref<2000xf32, #tpu.memory_space<hbm>>) target_semaphore(%arg22 : memref<!tpu.dma_semaphore, #tpu.memory_space<semaphore_mem>>)
      %add3A_308 = arith.constant 2 : i32
      %add3A_309 = arith.addi %add3A_167, %add3A_308 : i32
      %lt3A = arith.constant 40 : i32
      %lt3A_310 = arith.cmpi slt, %add3A_309, %lt3A : i32
      %convert_element_type3A_311 = arith.extui %lt3A_310 : i1 to i32
      %cond3A_312 = arith.constant 0 : i32
      %cond3A_313 = arith.cmpi ne, %convert_element_type3A_311, %cond3A_312 : i32
      scf.if %cond3A_313 {
        %add3A_475 = arith.constant 2 : i32
        %add3A_476 = arith.addi %add3A_167, %add3A_475 : i32
        %mul3A_477 = arith.constant 2000 : i32
        %mul3A_478 = arith.muli %add3A_476, %mul3A_477 : i32
        %add3A_479 = arith.addi %mul3A_2, %mul3A_478 : i32
        %dma_start3A_480 = arith.constant 0 : i32
        %dma_start3A_481 = arith.constant 0 : i32
        %dma_start3A_482 = tpu.memref_slice %arg15[%dma_start3A_480, %dma_start3A_481] : memref<2x2000xi32, #tpu.memory_space<vmem>> -> memref<1x2000xi32, #tpu.memory_space<vmem>>
        %dma_start3A_483 = tpu.memref_squeeze %dma_start3A_482 : memref<1x2000xi32, #tpu.memory_space<vmem>> -> memref<2000xi32, #tpu.memory_space<vmem>>
        %dma_start3A_484 = tpu.memref_slice %arg6[%add3A_479] : memref<2560000xi32, #tpu.memory_space<hbm>> -> memref<2000xi32, #tpu.memory_space<hbm>>
        %dma_start3A_485 = arith.constant 0 : i32
        %dma_start3A_486 = tpu.memref_slice %arg15[%dma_start3A_480, %dma_start3A_485] : memref<2x2000xi32, #tpu.memory_space<vmem>> -> memref<1x2000xi32, #tpu.memory_space<vmem>>
        %dma_start3A_487 = tpu.memref_squeeze %dma_start3A_486 : memref<1x2000xi32, #tpu.memory_space<vmem>> -> memref<2000xi32, #tpu.memory_space<vmem>>
        %dma_start3A_488 = tpu.memref_slice %arg6[%add3A_479] : memref<2560000xi32, #tpu.memory_space<hbm>> -> memref<2000xi32, #tpu.memory_space<hbm>>
        tpu.enqueue_dma source(%dma_start3A_488 : memref<2000xi32, #tpu.memory_space<hbm>>) target(%dma_start3A_487 : memref<2000xi32, #tpu.memory_space<vmem>>) target_semaphore(%arg20 : memref<!tpu.dma_semaphore, #tpu.memory_space<semaphore_mem>>)
        %dma_start3A_489 = arith.constant 0 : i32
        %dma_start3A_490 = arith.constant 0 : i32
        %dma_start3A_491 = tpu.memref_slice %arg16[%dma_start3A_489, %dma_start3A_490] : memref<2x2000xi32, #tpu.memory_space<vmem>> -> memref<1x2000xi32, #tpu.memory_space<vmem>>
        %dma_start3A_492 = tpu.memref_squeeze %dma_start3A_491 : memref<1x2000xi32, #tpu.memory_space<vmem>> -> memref<2000xi32, #tpu.memory_space<vmem>>
        %dma_start3A_493 = tpu.memref_slice %arg7[%add3A_479] : memref<2560000xi32, #tpu.memory_space<hbm>> -> memref<2000xi32, #tpu.memory_space<hbm>>
        %dma_start3A_494 = arith.constant 0 : i32
        %dma_start3A_495 = tpu.memref_slice %arg16[%dma_start3A_489, %dma_start3A_494] : memref<2x2000xi32, #tpu.memory_space<vmem>> -> memref<1x2000xi32, #tpu.memory_space<vmem>>
        %dma_start3A_496 = tpu.memref_squeeze %dma_start3A_495 : memref<1x2000xi32, #tpu.memory_space<vmem>> -> memref<2000xi32, #tpu.memory_space<vmem>>
        %dma_start3A_497 = tpu.memref_slice %arg7[%add3A_479] : memref<2560000xi32, #tpu.memory_space<hbm>> -> memref<2000xi32, #tpu.memory_space<hbm>>
        tpu.enqueue_dma source(%dma_start3A_497 : memref<2000xi32, #tpu.memory_space<hbm>>) target(%dma_start3A_496 : memref<2000xi32, #tpu.memory_space<vmem>>) target_semaphore(%arg20 : memref<!tpu.dma_semaphore, #tpu.memory_space<semaphore_mem>>)
        %dma_wait3A_498 = arith.constant 0 : i32
        %dma_wait3A_499 = arith.constant 0 : i32
        %dma_wait3A_500 = tpu.memref_slice %arg15[%dma_wait3A_498, %dma_wait3A_499] : memref<2x2000xi32, #tpu.memory_space<vmem>> -> memref<1x2000xi32, #tpu.memory_space<vmem>>
        %dma_wait3A_501 = tpu.memref_squeeze %dma_wait3A_500 : memref<1x2000xi32, #tpu.memory_space<vmem>> -> memref<2000xi32, #tpu.memory_space<vmem>>
        %dma_wait3A_502 = tpu.memref_slice %arg6[%add3A_479] : memref<2560000xi32, #tpu.memory_space<hbm>> -> memref<2000xi32, #tpu.memory_space<hbm>>
        %dma_wait3A_503 = arith.constant 0 : i32
        %dma_wait3A_504 = tpu.memref_slice %arg15[%dma_wait3A_498, %dma_wait3A_503] : memref<2x2000xi32, #tpu.memory_space<vmem>> -> memref<1x2000xi32, #tpu.memory_space<vmem>>
        %dma_wait3A_505 = tpu.memref_squeeze %dma_wait3A_504 : memref<1x2000xi32, #tpu.memory_space<vmem>> -> memref<2000xi32, #tpu.memory_space<vmem>>
        %dma_wait3A_506 = tpu.memref_slice %arg6[%add3A_479] : memref<2560000xi32, #tpu.memory_space<hbm>> -> memref<2000xi32, #tpu.memory_space<hbm>>
        tpu.wait_dma2 semaphore(%arg20 : memref<!tpu.dma_semaphore, #tpu.memory_space<semaphore_mem>>) src(%dma_wait3A_506 : memref<2000xi32, #tpu.memory_space<hbm>>) dst(%dma_wait3A_505 : memref<2000xi32, #tpu.memory_space<vmem>>)
        %dma_wait3A_507 = arith.constant 0 : i32
        %dma_wait3A_508 = arith.constant 0 : i32
        %dma_wait3A_509 = tpu.memref_slice %arg16[%dma_wait3A_507, %dma_wait3A_508] : memref<2x2000xi32, #tpu.memory_space<vmem>> -> memref<1x2000xi32, #tpu.memory_space<vmem>>
        %dma_wait3A_510 = tpu.memref_squeeze %dma_wait3A_509 : memref<1x2000xi32, #tpu.memory_space<vmem>> -> memref<2000xi32, #tpu.memory_space<vmem>>
        %dma_wait3A_511 = tpu.memref_slice %arg7[%add3A_479] : memref<2560000xi32, #tpu.memory_space<hbm>> -> memref<2000xi32, #tpu.memory_space<hbm>>
        %dma_wait3A_512 = arith.constant 0 : i32
        %dma_wait3A_513 = tpu.memref_slice %arg16[%dma_wait3A_507, %dma_wait3A_512] : memref<2x2000xi32, #tpu.memory_space<vmem>> -> memref<1x2000xi32, #tpu.memory_space<vmem>>
        %dma_wait3A_514 = tpu.memref_squeeze %dma_wait3A_513 : memref<1x2000xi32, #tpu.memory_space<vmem>> -> memref<2000xi32, #tpu.memory_space<vmem>>
        %dma_wait3A_515 = tpu.memref_slice %arg7[%add3A_479] : memref<2560000xi32, #tpu.memory_space<hbm>> -> memref<2000xi32, #tpu.memory_space<hbm>>
        tpu.wait_dma2 semaphore(%arg20 : memref<!tpu.dma_semaphore, #tpu.memory_space<semaphore_mem>>) src(%dma_wait3A_515 : memref<2000xi32, #tpu.memory_space<hbm>>) dst(%dma_wait3A_514 : memref<2000xi32, #tpu.memory_space<vmem>>)
        %dma_start3A_516 = arith.constant 0 : i32
        %dma_start3A_517 = arith.constant 0 : i32
        %dma_start3A_518 = arith.constant 0 : i32
        %dma_start3A_519 = arith.constant 0 : i32
        %dma_start3A_520 = tpu.memref_slice %arg17[%dma_start3A_517, %dma_start3A_518, %dma_start3A_519] : memref<2x2000x3xf32, #tpu.memory_space<vmem>> -> memref<1x2000x3xf32, #tpu.memory_space<vmem>>
        %dma_start3A_521 = tpu.memref_squeeze %dma_start3A_520 : memref<1x2000x3xf32, #tpu.memory_space<vmem>> -> memref<2000x3xf32, #tpu.memory_space<vmem>>
        %dma_start3A_522 = arith.constant 0 : i32
        %dma_start3A_523 = tpu.memref_slice %arg15[%dma_start3A_516, %dma_start3A_522] : memref<2x2000xi32, #tpu.memory_space<vmem>> -> memref<1x2000xi32, #tpu.memory_space<vmem>>
        %dma_start3A_524 = tpu.memref_squeeze %dma_start3A_523 : memref<1x2000xi32, #tpu.memory_space<vmem>> -> memref<2000xi32, #tpu.memory_space<vmem>>
        %dma_start3A_525 = arith.constant 0 : i32
        %dma_start3A_526 = arith.constant 0 : i32
        %dma_start3A_527 = tpu.memref_slice %arg9[%dma_start3A_525, %dma_start3A_526] : memref<160000x3xf32, #tpu.memory_space<vmem_shared>> -> memref<160000x3xf32, #tpu.memory_space<vmem_shared>>
        tpu.enqueue_indirect_dma source(%dma_start3A_527 : memref<160000x3xf32, #tpu.memory_space<vmem_shared>>) target(%dma_start3A_521 : memref<2000x3xf32, #tpu.memory_space<vmem>>) offsets(%dma_start3A_524 : memref<2000xi32, #tpu.memory_space<vmem>>) semaphore(%arg20 : memref<!tpu.dma_semaphore, #tpu.memory_space<semaphore_mem>>)
        %dma_start3A_528 = arith.constant 0 : i32
        %dma_start3A_529 = arith.constant 0 : i32
        %dma_start3A_530 = arith.constant 0 : i32
        %dma_start3A_531 = arith.constant 0 : i32
        %dma_start3A_532 = tpu.memref_slice %arg18[%dma_start3A_529, %dma_start3A_530, %dma_start3A_531] : memref<2x2000x3xf32, #tpu.memory_space<vmem>> -> memref<1x2000x3xf32, #tpu.memory_space<vmem>>
        %dma_start3A_533 = tpu.memref_squeeze %dma_start3A_532 : memref<1x2000x3xf32, #tpu.memory_space<vmem>> -> memref<2000x3xf32, #tpu.memory_space<vmem>>
        %dma_start3A_534 = arith.constant 0 : i32
        %dma_start3A_535 = tpu.memref_slice %arg16[%dma_start3A_528, %dma_start3A_534] : memref<2x2000xi32, #tpu.memory_space<vmem>> -> memref<1x2000xi32, #tpu.memory_space<vmem>>
        %dma_start3A_536 = tpu.memref_squeeze %dma_start3A_535 : memref<1x2000xi32, #tpu.memory_space<vmem>> -> memref<2000xi32, #tpu.memory_space<vmem>>
        %dma_start3A_537 = arith.constant 0 : i32
        %dma_start3A_538 = arith.constant 0 : i32
        %dma_start3A_539 = tpu.memref_slice %arg9[%dma_start3A_537, %dma_start3A_538] : memref<160000x3xf32, #tpu.memory_space<vmem_shared>> -> memref<160000x3xf32, #tpu.memory_space<vmem_shared>>
        tpu.enqueue_indirect_dma source(%dma_start3A_539 : memref<160000x3xf32, #tpu.memory_space<vmem_shared>>) target(%dma_start3A_533 : memref<2000x3xf32, #tpu.memory_space<vmem>>) offsets(%dma_start3A_536 : memref<2000xi32, #tpu.memory_space<vmem>>) semaphore(%arg20 : memref<!tpu.dma_semaphore, #tpu.memory_space<semaphore_mem>>)
      } else {
      }
      %add3A_314 = arith.constant 1 : i32
      %add3A_315 = arith.addi %mul3A_165, %add3A_314 : i32
      %dma_wait3A_316 = arith.constant 1 : i32
      %dma_wait3A_317 = arith.constant 1 : i32
      %dma_wait3A_318 = arith.constant 0 : i32
      %dma_wait3A_319 = arith.constant 0 : i32
      %dma_wait3A_320 = tpu.memref_slice %arg17[%dma_wait3A_317, %dma_wait3A_318, %dma_wait3A_319] : memref<2x2000x3xf32, #tpu.memory_space<vmem>> -> memref<1x2000x3xf32, #tpu.memory_space<vmem>>
      %dma_wait3A_321 = tpu.memref_squeeze %dma_wait3A_320 : memref<1x2000x3xf32, #tpu.memory_space<vmem>> -> memref<2000x3xf32, #tpu.memory_space<vmem>>
      %dma_wait3A_322 = arith.constant 0 : i32
      %dma_wait3A_323 = tpu.memref_slice %arg15[%dma_wait3A_316, %dma_wait3A_322] : memref<2x2000xi32, #tpu.memory_space<vmem>> -> memref<1x2000xi32, #tpu.memory_space<vmem>>
      %dma_wait3A_324 = tpu.memref_squeeze %dma_wait3A_323 : memref<1x2000xi32, #tpu.memory_space<vmem>> -> memref<2000xi32, #tpu.memory_space<vmem>>
      %dma_wait3A_325 = arith.constant 0 : i32
      %dma_wait3A_326 = arith.constant 0 : i32
      %dma_wait3A_327 = tpu.memref_slice %arg9[%dma_wait3A_325, %dma_wait3A_326] : memref<160000x3xf32, #tpu.memory_space<vmem_shared>> -> memref<160000x3xf32, #tpu.memory_space<vmem_shared>>
      tpu.wait_indirect_dma semaphore(%arg21 : memref<!tpu.dma_semaphore, #tpu.memory_space<semaphore_mem>>) src(%dma_wait3A_327 : memref<160000x3xf32, #tpu.memory_space<vmem_shared>>) dst(%dma_wait3A_321 : memref<2000x3xf32, #tpu.memory_space<vmem>>)
      %dma_wait3A_328 = arith.constant 1 : i32
      %dma_wait3A_329 = arith.constant 1 : i32
      %dma_wait3A_330 = arith.constant 0 : i32
      %dma_wait3A_331 = arith.constant 0 : i32
      %dma_wait3A_332 = tpu.memref_slice %arg18[%dma_wait3A_329, %dma_wait3A_330, %dma_wait3A_331] : memref<2x2000x3xf32, #tpu.memory_space<vmem>> -> memref<1x2000x3xf32, #tpu.memory_space<vmem>>
      %dma_wait3A_333 = tpu.memref_squeeze %dma_wait3A_332 : memref<1x2000x3xf32, #tpu.memory_space<vmem>> -> memref<2000x3xf32, #tpu.memory_space<vmem>>
      %dma_wait3A_334 = arith.constant 0 : i32
      %dma_wait3A_335 = tpu.memref_slice %arg16[%dma_wait3A_328, %dma_wait3A_334] : memref<2x2000xi32, #tpu.memory_space<vmem>> -> memref<1x2000xi32, #tpu.memory_space<vmem>>
      %dma_wait3A_336 = tpu.memref_squeeze %dma_wait3A_335 : memref<1x2000xi32, #tpu.memory_space<vmem>> -> memref<2000xi32, #tpu.memory_space<vmem>>
      %dma_wait3A_337 = arith.constant 0 : i32
      %dma_wait3A_338 = arith.constant 0 : i32
      %dma_wait3A_339 = tpu.memref_slice %arg9[%dma_wait3A_337, %dma_wait3A_338] : memref<160000x3xf32, #tpu.memory_space<vmem_shared>> -> memref<160000x3xf32, #tpu.memory_space<vmem_shared>>
      tpu.wait_indirect_dma semaphore(%arg21 : memref<!tpu.dma_semaphore, #tpu.memory_space<semaphore_mem>>) src(%dma_wait3A_339 : memref<160000x3xf32, #tpu.memory_space<vmem_shared>>) dst(%dma_wait3A_333 : memref<2000x3xf32, #tpu.memory_space<vmem>>)
      %gt3A_340 = arith.constant 0 : i32
      %gt3A_341 = arith.cmpi sgt, %scan3A_163, %gt3A_340 : i32
      %convert_element_type3A_342 = arith.extui %gt3A_341 : i1 to i32
      %cond3A_343 = arith.constant 0 : i32
      %cond3A_344 = arith.cmpi ne, %convert_element_type3A_342, %cond3A_343 : i32
      scf.if %cond3A_344 {
        %mul3A_475 = arith.constant 2000 : i32
        %mul3A_476 = arith.muli %add3A_315, %mul3A_475 : i32
        %add3A_477 = arith.addi %mul3A_2, %mul3A_476 : i32
        %dma_wait3A_478 = arith.constant 1 : i32
        %dma_wait3A_479 = arith.constant 0 : i32
        %dma_wait3A_480 = tpu.memref_slice %arg19[%dma_wait3A_478, %dma_wait3A_479] : memref<2x2000xf32, #tpu.memory_space<vmem>> -> memref<1x2000xf32, #tpu.memory_space<vmem>>
        %dma_wait3A_481 = tpu.memref_squeeze %dma_wait3A_480 : memref<1x2000xf32, #tpu.memory_space<vmem>> -> memref<2000xf32, #tpu.memory_space<vmem>>
        %dma_wait3A_482 = tpu.memref_slice %arg8[%add3A_477] : memref<2560000xf32, #tpu.memory_space<hbm>> -> memref<2000xf32, #tpu.memory_space<hbm>>
        %dma_wait3A_483 = tpu.memref_slice %arg8[%add3A_477] : memref<2560000xf32, #tpu.memory_space<hbm>> -> memref<2000xf32, #tpu.memory_space<hbm>>
        %dma_wait3A_484 = arith.constant 0 : i32
        %dma_wait3A_485 = tpu.memref_slice %arg19[%dma_wait3A_478, %dma_wait3A_484] : memref<2x2000xf32, #tpu.memory_space<vmem>> -> memref<1x2000xf32, #tpu.memory_space<vmem>>
        %dma_wait3A_486 = tpu.memref_squeeze %dma_wait3A_485 : memref<1x2000xf32, #tpu.memory_space<vmem>> -> memref<2000xf32, #tpu.memory_space<vmem>>
        tpu.wait_dma2 semaphore(%arg23 : memref<!tpu.dma_semaphore, #tpu.memory_space<semaphore_mem>>) src(%dma_wait3A_486 : memref<2000xf32, #tpu.memory_space<vmem>>) dst(%dma_wait3A_483 : memref<2000xf32, #tpu.memory_space<hbm>>)
      } else {
      }
      %scan3A_345 = arith.constant 0 : i32
      %scan3A_346 = arith.constant 1 : i32
      %scan3A_347 = arith.constant 1 : i32
      %scan3A_348 = arith.constant 1 : i32
      %scan3A_349 = arith.constant 0 : i32
      %scan3A_350 = arith.constant 124 : i32
      %scan3A_351 = arith.addi %scan3A_349, %scan3A_350 : i32
      %scan3A_352 = arith.constant 4 : i32
      scf.for %scan3A_475 = %scan3A_349 to %scan3A_351 step %scan3A_352  : i32 {
        %iota3A_476 = tpu.iota {dimensions = array<i32: 0>} : vector<16xi32>
        %mul3A_477 = arith.constant 16 : i32
        %mul3A_478 = arith.muli %scan3A_475, %mul3A_477 : i32
        %add3A_479 = vector.broadcast %mul3A_478 : i32 to vector<16xi32>
        %add3A_480 = arith.addi %iota3A_476, %add3A_479 : vector<16xi32>
        %gather3A_481 = arith.constant 0 : i32
        %gather3A_482 = arith.constant 0 : i32
        %gather3A_483 = tpu.memref_slice %arg17[%scan3A_346, %gather3A_481, %gather3A_482] : memref<2x2000x3xf32, #tpu.memory_space<vmem>> -> memref<1x2000x3xf32, #tpu.memory_space<vmem>>
        %gather3A_484 = tpu.memref_squeeze %gather3A_483 : memref<1x2000x3xf32, #tpu.memory_space<vmem>> -> memref<2000x3xf32, #tpu.memory_space<vmem>>
        %gather3A_485 = tpu.vector_load_idx %gather3A_484[%add3A_480, %broadcast_in_dim3A_3] : memref<2000x3xf32, #tpu.memory_space<vmem>>[vector<16xi32>, vector<16xi32>], vector<16xf32>,
        %gather3A_486 = arith.constant 0 : i32
        %gather3A_487 = arith.constant 0 : i32
        %gather3A_488 = tpu.memref_slice %arg17[%scan3A_346, %gather3A_486, %gather3A_487] : memref<2x2000x3xf32, #tpu.memory_space<vmem>> -> memref<1x2000x3xf32, #tpu.memory_space<vmem>>
        %gather3A_489 = tpu.memref_squeeze %gather3A_488 : memref<1x2000x3xf32, #tpu.memory_space<vmem>> -> memref<2000x3xf32, #tpu.memory_space<vmem>>
        %gather3A_490 = tpu.vector_load_idx %gather3A_489[%add3A_480, %broadcast_in_dim3A_5] : memref<2000x3xf32, #tpu.memory_space<vmem>>[vector<16xi32>, vector<16xi32>], vector<16xf32>,
        %gather3A_491 = arith.constant 0 : i32
        %gather3A_492 = arith.constant 0 : i32
        %gather3A_493 = tpu.memref_slice %arg17[%scan3A_346, %gather3A_491, %gather3A_492] : memref<2x2000x3xf32, #tpu.memory_space<vmem>> -> memref<1x2000x3xf32, #tpu.memory_space<vmem>>
        %gather3A_494 = tpu.memref_squeeze %gather3A_493 : memref<1x2000x3xf32, #tpu.memory_space<vmem>> -> memref<2000x3xf32, #tpu.memory_space<vmem>>
        %gather3A_495 = tpu.vector_load_idx %gather3A_494[%add3A_480, %broadcast_in_dim3A_7] : memref<2000x3xf32, #tpu.memory_space<vmem>>[vector<16xi32>, vector<16xi32>], vector<16xf32>,
        %gather3A_496 = arith.constant 0 : i32
        %gather3A_497 = arith.constant 0 : i32
        %gather3A_498 = tpu.memref_slice %arg18[%scan3A_347, %gather3A_496, %gather3A_497] : memref<2x2000x3xf32, #tpu.memory_space<vmem>> -> memref<1x2000x3xf32, #tpu.memory_space<vmem>>
        %gather3A_499 = tpu.memref_squeeze %gather3A_498 : memref<1x2000x3xf32, #tpu.memory_space<vmem>> -> memref<2000x3xf32, #tpu.memory_space<vmem>>
        %gather3A_500 = tpu.vector_load_idx %gather3A_499[%add3A_480, %broadcast_in_dim3A_3] : memref<2000x3xf32, #tpu.memory_space<vmem>>[vector<16xi32>, vector<16xi32>], vector<16xf32>,
        %gather3A_501 = arith.constant 0 : i32
        %gather3A_502 = arith.constant 0 : i32
        %gather3A_503 = tpu.memref_slice %arg18[%scan3A_347, %gather3A_501, %gather3A_502] : memref<2x2000x3xf32, #tpu.memory_space<vmem>> -> memref<1x2000x3xf32, #tpu.memory_space<vmem>>
        %gather3A_504 = tpu.memref_squeeze %gather3A_503 : memref<1x2000x3xf32, #tpu.memory_space<vmem>> -> memref<2000x3xf32, #tpu.memory_space<vmem>>
        %gather3A_505 = tpu.vector_load_idx %gather3A_504[%add3A_480, %broadcast_in_dim3A_5] : memref<2000x3xf32, #tpu.memory_space<vmem>>[vector<16xi32>, vector<16xi32>], vector<16xf32>,
        %gather3A_506 = arith.constant 0 : i32
        %gather3A_507 = arith.constant 0 : i32
        %gather3A_508 = tpu.memref_slice %arg18[%scan3A_347, %gather3A_506, %gather3A_507] : memref<2x2000x3xf32, #tpu.memory_space<vmem>> -> memref<1x2000x3xf32, #tpu.memory_space<vmem>>
        %gather3A_509 = tpu.memref_squeeze %gather3A_508 : memref<1x2000x3xf32, #tpu.memory_space<vmem>> -> memref<2000x3xf32, #tpu.memory_space<vmem>>
        %gather3A_510 = tpu.vector_load_idx %gather3A_509[%add3A_480, %broadcast_in_dim3A_7] : memref<2000x3xf32, #tpu.memory_space<vmem>>[vector<16xi32>, vector<16xi32>], vector<16xf32>,
        %mul3A_511 = arith.mulf %gather3A_485, %gather3A_500 : vector<16xf32>
        %mul3A_512 = arith.mulf %gather3A_490, %gather3A_505 : vector<16xf32>
        %add3A_513 = arith.addf %mul3A_511, %mul3A_512 : vector<16xf32>
        %mul3A_514 = arith.mulf %gather3A_495, %gather3A_510 : vector<16xf32>
        %add3A_515 = arith.addf %add3A_513, %mul3A_514 : vector<16xf32>
        %mul3A_516 = arith.constant 0.949999988 : f32
        %mul3A_517 = vector.broadcast %mul3A_516 : f32 to vector<16xf32>
        %mul3A_518 = arith.mulf %mul3A_517, %add3A_515 : vector<16xf32>
        %abs3A_519 = math.absf %mul3A_518 : vector<16xf32>
        %sub3A_520 = arith.constant 1.000000e+00 : f32
        %sub3A_521 = vector.broadcast %sub3A_520 : f32 to vector<16xf32>
        %sub3A_522 = arith.subf %sub3A_521, %abs3A_519 : vector<16xf32>
        %bitcast_convert_type3A_523 = tpu.bitcast %sub3A_522 : vector<16xf32> -> vector<16xi32>
        %shift_right_arithmetic3A_524 = arith.constant 1 : i32
        %shift_right_arithmetic3A_525 = vector.broadcast %shift_right_arithmetic3A_524 : i32 to vector<16xi32>
        %shift_right_arithmetic3A_526 = arith.shrsi %bitcast_convert_type3A_523, %shift_right_arithmetic3A_525 : vector<16xi32>
        %sub3A_527 = arith.constant 1597463007 : i32
        %sub3A_528 = vector.broadcast %sub3A_527 : i32 to vector<16xi32>
        %sub3A_529 = arith.subi %sub3A_528, %shift_right_arithmetic3A_526 : vector<16xi32>
        %bitcast_convert_type3A_530 = tpu.bitcast %sub3A_529 : vector<16xi32> -> vector<16xf32>
        %mul3A_531 = arith.constant 5.000000e-01 : f32
        %mul3A_532 = vector.broadcast %mul3A_531 : f32 to vector<16xf32>
        %mul3A_533 = arith.mulf %mul3A_532, %sub3A_522 : vector<16xf32>
        %mul3A_534 = arith.mulf %mul3A_533, %bitcast_convert_type3A_530 : vector<16xf32>
        %mul3A_535 = arith.mulf %mul3A_534, %bitcast_convert_type3A_530 : vector<16xf32>
        %sub3A_536 = arith.constant 1.500000e+00 : f32
        %sub3A_537 = vector.broadcast %sub3A_536 : f32 to vector<16xf32>
        %sub3A_538 = arith.subf %sub3A_537, %mul3A_535 : vector<16xf32>
        %mul3A_539 = arith.mulf %bitcast_convert_type3A_530, %sub3A_538 : vector<16xf32>
        %mul3A_540 = arith.mulf %mul3A_533, %mul3A_539 : vector<16xf32>
        %mul3A_541 = arith.mulf %mul3A_540, %mul3A_539 : vector<16xf32>
        %sub3A_542 = arith.constant 1.500000e+00 : f32
        %sub3A_543 = vector.broadcast %sub3A_542 : f32 to vector<16xf32>
        %sub3A_544 = arith.subf %sub3A_543, %mul3A_541 : vector<16xf32>
        %mul3A_545 = arith.mulf %mul3A_539, %sub3A_544 : vector<16xf32>
        %mul3A_546 = arith.mulf %sub3A_522, %mul3A_545 : vector<16xf32>
        %mul3A_547 = arith.constant -1.872930e-02 : f32
        %mul3A_548 = vector.broadcast %mul3A_547 : f32 to vector<16xf32>
        %mul3A_549 = arith.mulf %mul3A_548, %abs3A_519 : vector<16xf32>
        %add3A_550 = arith.constant 7.426100e-02 : f32
        %add3A_551 = vector.broadcast %add3A_550 : f32 to vector<16xf32>
        %add3A_552 = arith.addf %mul3A_549, %add3A_551 : vector<16xf32>
        %mul3A_553 = arith.mulf %add3A_552, %abs3A_519 : vector<16xf32>
        %add3A_554 = arith.constant -0.212114394 : f32
        %add3A_555 = vector.broadcast %add3A_554 : f32 to vector<16xf32>
        %add3A_556 = arith.addf %mul3A_553, %add3A_555 : vector<16xf32>
        %mul3A_557 = arith.mulf %add3A_556, %abs3A_519 : vector<16xf32>
        %add3A_558 = arith.constant 1.57072878 : f32
        %add3A_559 = vector.broadcast %add3A_558 : f32 to vector<16xf32>
        %add3A_560 = arith.addf %mul3A_557, %add3A_559 : vector<16xf32>
        %mul3A_561 = arith.mulf %mul3A_546, %add3A_560 : vector<16xf32>
        %ge3A_562 = arith.constant 0.000000e+00 : f32
        %ge3A_563 = vector.broadcast %ge3A_562 : f32 to vector<16xf32>
        %ge3A_564 = arith.cmpf oge, %mul3A_518, %ge3A_563 : vector<16xf32>
        %sub3A_565 = arith.constant 3.14159274 : f32
        %sub3A_566 = vector.broadcast %sub3A_565 : f32 to vector<16xf32>
        %sub3A_567 = arith.subf %sub3A_566, %mul3A_561 : vector<16xf32>
        %select_n3A_568 = arith.select %ge3A_564, %mul3A_561, %sub3A_567 : vector<16xi1>, vector<16xf32>
        %mul3A_569 = arith.constant 16 : i32
        %mul3A_570 = arith.muli %scan3A_475, %mul3A_569 : i32
        %swap3A_571 = arith.constant 0 : i32
        %swap3A_572 = tpu.memref_slice %arg19[%scan3A_348, %swap3A_571] : memref<2x2000xf32, #tpu.memory_space<vmem>> -> memref<1x2000xf32, #tpu.memory_space<vmem>>
        %swap3A_573 = tpu.memref_squeeze %swap3A_572 : memref<1x2000xf32, #tpu.memory_space<vmem>> -> memref<2000xf32, #tpu.memory_space<vmem>>
        %swap3A_574 = arith.index_cast %mul3A_570 : i32 to index
        %swap3A_575 = tpu.vector_load %swap3A_573[%swap3A_574] {strides = array<i32>} : memref<2000xf32, #tpu.memory_space<vmem>>, vector<16xf32>,
        tpu.vector_store %swap3A_573[%swap3A_574], %select_n3A_568 {strides = array<i32>} : memref<2000xf32, #tpu.memory_space<vmem>>, vector<16xf32>,
        %scan3A_576 = arith.constant 1 : i32
        %scan3A_577 = arith.addi %scan3A_475, %scan3A_576 : i32
        %iota3A_578 = tpu.iota {dimensions = array<i32: 0>} : vector<16xi32>
        %mul3A_579 = arith.constant 16 : i32
        %mul3A_580 = arith.muli %scan3A_577, %mul3A_579 : i32
        %add3A_581 = vector.broadcast %mul3A_580 : i32 to vector<16xi32>
        %add3A_582 = arith.addi %iota3A_578, %add3A_581 : vector<16xi32>
        %gather3A_583 = arith.constant 0 : i32
        %gather3A_584 = arith.constant 0 : i32
        %gather3A_585 = tpu.memref_slice %arg17[%scan3A_346, %gather3A_583, %gather3A_584] : memref<2x2000x3xf32, #tpu.memory_space<vmem>> -> memref<1x2000x3xf32, #tpu.memory_space<vmem>>
        %gather3A_586 = tpu.memref_squeeze %gather3A_585 : memref<1x2000x3xf32, #tpu.memory_space<vmem>> -> memref<2000x3xf32, #tpu.memory_space<vmem>>
        %gather3A_587 = tpu.vector_load_idx %gather3A_586[%add3A_582, %broadcast_in_dim3A_3] : memref<2000x3xf32, #tpu.memory_space<vmem>>[vector<16xi32>, vector<16xi32>], vector<16xf32>,
        %gather3A_588 = arith.constant 0 : i32
        %gather3A_589 = arith.constant 0 : i32
        %gather3A_590 = tpu.memref_slice %arg17[%scan3A_346, %gather3A_588, %gather3A_589] : memref<2x2000x3xf32, #tpu.memory_space<vmem>> -> memref<1x2000x3xf32, #tpu.memory_space<vmem>>
        %gather3A_591 = tpu.memref_squeeze %gather3A_590 : memref<1x2000x3xf32, #tpu.memory_space<vmem>> -> memref<2000x3xf32, #tpu.memory_space<vmem>>
        %gather3A_592 = tpu.vector_load_idx %gather3A_591[%add3A_582, %broadcast_in_dim3A_5] : memref<2000x3xf32, #tpu.memory_space<vmem>>[vector<16xi32>, vector<16xi32>], vector<16xf32>,
        %gather3A_593 = arith.constant 0 : i32
        %gather3A_594 = arith.constant 0 : i32
        %gather3A_595 = tpu.memref_slice %arg17[%scan3A_346, %gather3A_593, %gather3A_594] : memref<2x2000x3xf32, #tpu.memory_space<vmem>> -> memref<1x2000x3xf32, #tpu.memory_space<vmem>>
        %gather3A_596 = tpu.memref_squeeze %gather3A_595 : memref<1x2000x3xf32, #tpu.memory_space<vmem>> -> memref<2000x3xf32, #tpu.memory_space<vmem>>
        %gather3A_597 = tpu.vector_load_idx %gather3A_596[%add3A_582, %broadcast_in_dim3A_7] : memref<2000x3xf32, #tpu.memory_space<vmem>>[vector<16xi32>, vector<16xi32>], vector<16xf32>,
        %gather3A_598 = arith.constant 0 : i32
        %gather3A_599 = arith.constant 0 : i32
        %gather3A_600 = tpu.memref_slice %arg18[%scan3A_347, %gather3A_598, %gather3A_599] : memref<2x2000x3xf32, #tpu.memory_space<vmem>> -> memref<1x2000x3xf32, #tpu.memory_space<vmem>>
        %gather3A_601 = tpu.memref_squeeze %gather3A_600 : memref<1x2000x3xf32, #tpu.memory_space<vmem>> -> memref<2000x3xf32, #tpu.memory_space<vmem>>
        %gather3A_602 = tpu.vector_load_idx %gather3A_601[%add3A_582, %broadcast_in_dim3A_3] : memref<2000x3xf32, #tpu.memory_space<vmem>>[vector<16xi32>, vector<16xi32>], vector<16xf32>,
        %gather3A_603 = arith.constant 0 : i32
        %gather3A_604 = arith.constant 0 : i32
        %gather3A_605 = tpu.memref_slice %arg18[%scan3A_347, %gather3A_603, %gather3A_604] : memref<2x2000x3xf32, #tpu.memory_space<vmem>> -> memref<1x2000x3xf32, #tpu.memory_space<vmem>>
        %gather3A_606 = tpu.memref_squeeze %gather3A_605 : memref<1x2000x3xf32, #tpu.memory_space<vmem>> -> memref<2000x3xf32, #tpu.memory_space<vmem>>
        %gather3A_607 = tpu.vector_load_idx %gather3A_606[%add3A_582, %broadcast_in_dim3A_5] : memref<2000x3xf32, #tpu.memory_space<vmem>>[vector<16xi32>, vector<16xi32>], vector<16xf32>,
        %gather3A_608 = arith.constant 0 : i32
        %gather3A_609 = arith.constant 0 : i32
        %gather3A_610 = tpu.memref_slice %arg18[%scan3A_347, %gather3A_608, %gather3A_609] : memref<2x2000x3xf32, #tpu.memory_space<vmem>> -> memref<1x2000x3xf32, #tpu.memory_space<vmem>>
        %gather3A_611 = tpu.memref_squeeze %gather3A_610 : memref<1x2000x3xf32, #tpu.memory_space<vmem>> -> memref<2000x3xf32, #tpu.memory_space<vmem>>
        %gather3A_612 = tpu.vector_load_idx %gather3A_611[%add3A_582, %broadcast_in_dim3A_7] : memref<2000x3xf32, #tpu.memory_space<vmem>>[vector<16xi32>, vector<16xi32>], vector<16xf32>,
        %mul3A_613 = arith.mulf %gather3A_587, %gather3A_602 : vector<16xf32>
        %mul3A_614 = arith.mulf %gather3A_592, %gather3A_607 : vector<16xf32>
        %add3A_615 = arith.addf %mul3A_613, %mul3A_614 : vector<16xf32>
        %mul3A_616 = arith.mulf %gather3A_597, %gather3A_612 : vector<16xf32>
        %add3A_617 = arith.addf %add3A_615, %mul3A_616 : vector<16xf32>
        %mul3A_618 = arith.constant 0.949999988 : f32
        %mul3A_619 = vector.broadcast %mul3A_618 : f32 to vector<16xf32>
        %mul3A_620 = arith.mulf %mul3A_619, %add3A_617 : vector<16xf32>
        %abs3A_621 = math.absf %mul3A_620 : vector<16xf32>
        %sub3A_622 = arith.constant 1.000000e+00 : f32
        %sub3A_623 = vector.broadcast %sub3A_622 : f32 to vector<16xf32>
        %sub3A_624 = arith.subf %sub3A_623, %abs3A_621 : vector<16xf32>
        %bitcast_convert_type3A_625 = tpu.bitcast %sub3A_624 : vector<16xf32> -> vector<16xi32>
        %shift_right_arithmetic3A_626 = arith.constant 1 : i32
        %shift_right_arithmetic3A_627 = vector.broadcast %shift_right_arithmetic3A_626 : i32 to vector<16xi32>
        %shift_right_arithmetic3A_628 = arith.shrsi %bitcast_convert_type3A_625, %shift_right_arithmetic3A_627 : vector<16xi32>
        %sub3A_629 = arith.constant 1597463007 : i32
        %sub3A_630 = vector.broadcast %sub3A_629 : i32 to vector<16xi32>
        %sub3A_631 = arith.subi %sub3A_630, %shift_right_arithmetic3A_628 : vector<16xi32>
        %bitcast_convert_type3A_632 = tpu.bitcast %sub3A_631 : vector<16xi32> -> vector<16xf32>
        %mul3A_633 = arith.constant 5.000000e-01 : f32
        %mul3A_634 = vector.broadcast %mul3A_633 : f32 to vector<16xf32>
        %mul3A_635 = arith.mulf %mul3A_634, %sub3A_624 : vector<16xf32>
        %mul3A_636 = arith.mulf %mul3A_635, %bitcast_convert_type3A_632 : vector<16xf32>
        %mul3A_637 = arith.mulf %mul3A_636, %bitcast_convert_type3A_632 : vector<16xf32>
        %sub3A_638 = arith.constant 1.500000e+00 : f32
        %sub3A_639 = vector.broadcast %sub3A_638 : f32 to vector<16xf32>
        %sub3A_640 = arith.subf %sub3A_639, %mul3A_637 : vector<16xf32>
        %mul3A_641 = arith.mulf %bitcast_convert_type3A_632, %sub3A_640 : vector<16xf32>
        %mul3A_642 = arith.mulf %mul3A_635, %mul3A_641 : vector<16xf32>
        %mul3A_643 = arith.mulf %mul3A_642, %mul3A_641 : vector<16xf32>
        %sub3A_644 = arith.constant 1.500000e+00 : f32
        %sub3A_645 = vector.broadcast %sub3A_644 : f32 to vector<16xf32>
        %sub3A_646 = arith.subf %sub3A_645, %mul3A_643 : vector<16xf32>
        %mul3A_647 = arith.mulf %mul3A_641, %sub3A_646 : vector<16xf32>
        %mul3A_648 = arith.mulf %sub3A_624, %mul3A_647 : vector<16xf32>
        %mul3A_649 = arith.constant -1.872930e-02 : f32
        %mul3A_650 = vector.broadcast %mul3A_649 : f32 to vector<16xf32>
        %mul3A_651 = arith.mulf %mul3A_650, %abs3A_621 : vector<16xf32>
        %add3A_652 = arith.constant 7.426100e-02 : f32
        %add3A_653 = vector.broadcast %add3A_652 : f32 to vector<16xf32>
        %add3A_654 = arith.addf %mul3A_651, %add3A_653 : vector<16xf32>
        %mul3A_655 = arith.mulf %add3A_654, %abs3A_621 : vector<16xf32>
        %add3A_656 = arith.constant -0.212114394 : f32
        %add3A_657 = vector.broadcast %add3A_656 : f32 to vector<16xf32>
        %add3A_658 = arith.addf %mul3A_655, %add3A_657 : vector<16xf32>
        %mul3A_659 = arith.mulf %add3A_658, %abs3A_621 : vector<16xf32>
        %add3A_660 = arith.constant 1.57072878 : f32
        %add3A_661 = vector.broadcast %add3A_660 : f32 to vector<16xf32>
        %add3A_662 = arith.addf %mul3A_659, %add3A_661 : vector<16xf32>
        %mul3A_663 = arith.mulf %mul3A_648, %add3A_662 : vector<16xf32>
        %ge3A_664 = arith.constant 0.000000e+00 : f32
        %ge3A_665 = vector.broadcast %ge3A_664 : f32 to vector<16xf32>
        %ge3A_666 = arith.cmpf oge, %mul3A_620, %ge3A_665 : vector<16xf32>
        %sub3A_667 = arith.constant 3.14159274 : f32
        %sub3A_668 = vector.broadcast %sub3A_667 : f32 to vector<16xf32>
        %sub3A_669 = arith.subf %sub3A_668, %mul3A_663 : vector<16xf32>
        %select_n3A_670 = arith.select %ge3A_666, %mul3A_663, %sub3A_669 : vector<16xi1>, vector<16xf32>
        %mul3A_671 = arith.constant 16 : i32
        %mul3A_672 = arith.muli %scan3A_577, %mul3A_671 : i32
        %swap3A_673 = arith.constant 0 : i32
        %swap3A_674 = tpu.memref_slice %arg19[%scan3A_348, %swap3A_673] : memref<2x2000xf32, #tpu.memory_space<vmem>> -> memref<1x2000xf32, #tpu.memory_space<vmem>>
        %swap3A_675 = tpu.memref_squeeze %swap3A_674 : memref<1x2000xf32, #tpu.memory_space<vmem>> -> memref<2000xf32, #tpu.memory_space<vmem>>
        %swap3A_676 = arith.index_cast %mul3A_672 : i32 to index
        %swap3A_677 = tpu.vector_load %swap3A_675[%swap3A_676] {strides = array<i32>} : memref<2000xf32, #tpu.memory_space<vmem>>, vector<16xf32>,
        tpu.vector_store %swap3A_675[%swap3A_676], %select_n3A_670 {strides = array<i32>} : memref<2000xf32, #tpu.memory_space<vmem>>, vector<16xf32>,
        %scan3A_678 = arith.constant 2 : i32
        %scan3A_679 = arith.addi %scan3A_475, %scan3A_678 : i32
        %iota3A_680 = tpu.iota {dimensions = array<i32: 0>} : vector<16xi32>
        %mul3A_681 = arith.constant 16 : i32
        %mul3A_682 = arith.muli %scan3A_679, %mul3A_681 : i32
        %add3A_683 = vector.broadcast %mul3A_682 : i32 to vector<16xi32>
        %add3A_684 = arith.addi %iota3A_680, %add3A_683 : vector<16xi32>
        %gather3A_685 = arith.constant 0 : i32
        %gather3A_686 = arith.constant 0 : i32
        %gather3A_687 = tpu.memref_slice %arg17[%scan3A_346, %gather3A_685, %gather3A_686] : memref<2x2000x3xf32, #tpu.memory_space<vmem>> -> memref<1x2000x3xf32, #tpu.memory_space<vmem>>
        %gather3A_688 = tpu.memref_squeeze %gather3A_687 : memref<1x2000x3xf32, #tpu.memory_space<vmem>> -> memref<2000x3xf32, #tpu.memory_space<vmem>>
        %gather3A_689 = tpu.vector_load_idx %gather3A_688[%add3A_684, %broadcast_in_dim3A_3] : memref<2000x3xf32, #tpu.memory_space<vmem>>[vector<16xi32>, vector<16xi32>], vector<16xf32>,
        %gather3A_690 = arith.constant 0 : i32
        %gather3A_691 = arith.constant 0 : i32
        %gather3A_692 = tpu.memref_slice %arg17[%scan3A_346, %gather3A_690, %gather3A_691] : memref<2x2000x3xf32, #tpu.memory_space<vmem>> -> memref<1x2000x3xf32, #tpu.memory_space<vmem>>
        %gather3A_693 = tpu.memref_squeeze %gather3A_692 : memref<1x2000x3xf32, #tpu.memory_space<vmem>> -> memref<2000x3xf32, #tpu.memory_space<vmem>>
        %gather3A_694 = tpu.vector_load_idx %gather3A_693[%add3A_684, %broadcast_in_dim3A_5] : memref<2000x3xf32, #tpu.memory_space<vmem>>[vector<16xi32>, vector<16xi32>], vector<16xf32>,
        %gather3A_695 = arith.constant 0 : i32
        %gather3A_696 = arith.constant 0 : i32
        %gather3A_697 = tpu.memref_slice %arg17[%scan3A_346, %gather3A_695, %gather3A_696] : memref<2x2000x3xf32, #tpu.memory_space<vmem>> -> memref<1x2000x3xf32, #tpu.memory_space<vmem>>
        %gather3A_698 = tpu.memref_squeeze %gather3A_697 : memref<1x2000x3xf32, #tpu.memory_space<vmem>> -> memref<2000x3xf32, #tpu.memory_space<vmem>>
        %gather3A_699 = tpu.vector_load_idx %gather3A_698[%add3A_684, %broadcast_in_dim3A_7] : memref<2000x3xf32, #tpu.memory_space<vmem>>[vector<16xi32>, vector<16xi32>], vector<16xf32>,
        %gather3A_700 = arith.constant 0 : i32
        %gather3A_701 = arith.constant 0 : i32
        %gather3A_702 = tpu.memref_slice %arg18[%scan3A_347, %gather3A_700, %gather3A_701] : memref<2x2000x3xf32, #tpu.memory_space<vmem>> -> memref<1x2000x3xf32, #tpu.memory_space<vmem>>
        %gather3A_703 = tpu.memref_squeeze %gather3A_702 : memref<1x2000x3xf32, #tpu.memory_space<vmem>> -> memref<2000x3xf32, #tpu.memory_space<vmem>>
        %gather3A_704 = tpu.vector_load_idx %gather3A_703[%add3A_684, %broadcast_in_dim3A_3] : memref<2000x3xf32, #tpu.memory_space<vmem>>[vector<16xi32>, vector<16xi32>], vector<16xf32>,
        %gather3A_705 = arith.constant 0 : i32
        %gather3A_706 = arith.constant 0 : i32
        %gather3A_707 = tpu.memref_slice %arg18[%scan3A_347, %gather3A_705, %gather3A_706] : memref<2x2000x3xf32, #tpu.memory_space<vmem>> -> memref<1x2000x3xf32, #tpu.memory_space<vmem>>
        %gather3A_708 = tpu.memref_squeeze %gather3A_707 : memref<1x2000x3xf32, #tpu.memory_space<vmem>> -> memref<2000x3xf32, #tpu.memory_space<vmem>>
        %gather3A_709 = tpu.vector_load_idx %gather3A_708[%add3A_684, %broadcast_in_dim3A_5] : memref<2000x3xf32, #tpu.memory_space<vmem>>[vector<16xi32>, vector<16xi32>], vector<16xf32>,
        %gather3A_710 = arith.constant 0 : i32
        %gather3A_711 = arith.constant 0 : i32
        %gather3A_712 = tpu.memref_slice %arg18[%scan3A_347, %gather3A_710, %gather3A_711] : memref<2x2000x3xf32, #tpu.memory_space<vmem>> -> memref<1x2000x3xf32, #tpu.memory_space<vmem>>
        %gather3A_713 = tpu.memref_squeeze %gather3A_712 : memref<1x2000x3xf32, #tpu.memory_space<vmem>> -> memref<2000x3xf32, #tpu.memory_space<vmem>>
        %gather3A_714 = tpu.vector_load_idx %gather3A_713[%add3A_684, %broadcast_in_dim3A_7] : memref<2000x3xf32, #tpu.memory_space<vmem>>[vector<16xi32>, vector<16xi32>], vector<16xf32>,
        %mul3A_715 = arith.mulf %gather3A_689, %gather3A_704 : vector<16xf32>
        %mul3A_716 = arith.mulf %gather3A_694, %gather3A_709 : vector<16xf32>
        %add3A_717 = arith.addf %mul3A_715, %mul3A_716 : vector<16xf32>
        %mul3A_718 = arith.mulf %gather3A_699, %gather3A_714 : vector<16xf32>
        %add3A_719 = arith.addf %add3A_717, %mul3A_718 : vector<16xf32>
        %mul3A_720 = arith.constant 0.949999988 : f32
        %mul3A_721 = vector.broadcast %mul3A_720 : f32 to vector<16xf32>
        %mul3A_722 = arith.mulf %mul3A_721, %add3A_719 : vector<16xf32>
        %abs3A_723 = math.absf %mul3A_722 : vector<16xf32>
        %sub3A_724 = arith.constant 1.000000e+00 : f32
        %sub3A_725 = vector.broadcast %sub3A_724 : f32 to vector<16xf32>
        %sub3A_726 = arith.subf %sub3A_725, %abs3A_723 : vector<16xf32>
        %bitcast_convert_type3A_727 = tpu.bitcast %sub3A_726 : vector<16xf32> -> vector<16xi32>
        %shift_right_arithmetic3A_728 = arith.constant 1 : i32
        %shift_right_arithmetic3A_729 = vector.broadcast %shift_right_arithmetic3A_728 : i32 to vector<16xi32>
        %shift_right_arithmetic3A_730 = arith.shrsi %bitcast_convert_type3A_727, %shift_right_arithmetic3A_729 : vector<16xi32>
        %sub3A_731 = arith.constant 1597463007 : i32
        %sub3A_732 = vector.broadcast %sub3A_731 : i32 to vector<16xi32>
        %sub3A_733 = arith.subi %sub3A_732, %shift_right_arithmetic3A_730 : vector<16xi32>
        %bitcast_convert_type3A_734 = tpu.bitcast %sub3A_733 : vector<16xi32> -> vector<16xf32>
        %mul3A_735 = arith.constant 5.000000e-01 : f32
        %mul3A_736 = vector.broadcast %mul3A_735 : f32 to vector<16xf32>
        %mul3A_737 = arith.mulf %mul3A_736, %sub3A_726 : vector<16xf32>
        %mul3A_738 = arith.mulf %mul3A_737, %bitcast_convert_type3A_734 : vector<16xf32>
        %mul3A_739 = arith.mulf %mul3A_738, %bitcast_convert_type3A_734 : vector<16xf32>
        %sub3A_740 = arith.constant 1.500000e+00 : f32
        %sub3A_741 = vector.broadcast %sub3A_740 : f32 to vector<16xf32>
        %sub3A_742 = arith.subf %sub3A_741, %mul3A_739 : vector<16xf32>
        %mul3A_743 = arith.mulf %bitcast_convert_type3A_734, %sub3A_742 : vector<16xf32>
        %mul3A_744 = arith.mulf %mul3A_737, %mul3A_743 : vector<16xf32>
        %mul3A_745 = arith.mulf %mul3A_744, %mul3A_743 : vector<16xf32>
        %sub3A_746 = arith.constant 1.500000e+00 : f32
        %sub3A_747 = vector.broadcast %sub3A_746 : f32 to vector<16xf32>
        %sub3A_748 = arith.subf %sub3A_747, %mul3A_745 : vector<16xf32>
        %mul3A_749 = arith.mulf %mul3A_743, %sub3A_748 : vector<16xf32>
        %mul3A_750 = arith.mulf %sub3A_726, %mul3A_749 : vector<16xf32>
        %mul3A_751 = arith.constant -1.872930e-02 : f32
        %mul3A_752 = vector.broadcast %mul3A_751 : f32 to vector<16xf32>
        %mul3A_753 = arith.mulf %mul3A_752, %abs3A_723 : vector<16xf32>
        %add3A_754 = arith.constant 7.426100e-02 : f32
        %add3A_755 = vector.broadcast %add3A_754 : f32 to vector<16xf32>
        %add3A_756 = arith.addf %mul3A_753, %add3A_755 : vector<16xf32>
        %mul3A_757 = arith.mulf %add3A_756, %abs3A_723 : vector<16xf32>
        %add3A_758 = arith.constant -0.212114394 : f32
        %add3A_759 = vector.broadcast %add3A_758 : f32 to vector<16xf32>
        %add3A_760 = arith.addf %mul3A_757, %add3A_759 : vector<16xf32>
        %mul3A_761 = arith.mulf %add3A_760, %abs3A_723 : vector<16xf32>
        %add3A_762 = arith.constant 1.57072878 : f32
        %add3A_763 = vector.broadcast %add3A_762 : f32 to vector<16xf32>
        %add3A_764 = arith.addf %mul3A_761, %add3A_763 : vector<16xf32>
        %mul3A_765 = arith.mulf %mul3A_750, %add3A_764 : vector<16xf32>
        %ge3A_766 = arith.constant 0.000000e+00 : f32
        %ge3A_767 = vector.broadcast %ge3A_766 : f32 to vector<16xf32>
        %ge3A_768 = arith.cmpf oge, %mul3A_722, %ge3A_767 : vector<16xf32>
        %sub3A_769 = arith.constant 3.14159274 : f32
        %sub3A_770 = vector.broadcast %sub3A_769 : f32 to vector<16xf32>
        %sub3A_771 = arith.subf %sub3A_770, %mul3A_765 : vector<16xf32>
        %select_n3A_772 = arith.select %ge3A_768, %mul3A_765, %sub3A_771 : vector<16xi1>, vector<16xf32>
        %mul3A_773 = arith.constant 16 : i32
        %mul3A_774 = arith.muli %scan3A_679, %mul3A_773 : i32
        %swap3A_775 = arith.constant 0 : i32
        %swap3A_776 = tpu.memref_slice %arg19[%scan3A_348, %swap3A_775] : memref<2x2000xf32, #tpu.memory_space<vmem>> -> memref<1x2000xf32, #tpu.memory_space<vmem>>
        %swap3A_777 = tpu.memref_squeeze %swap3A_776 : memref<1x2000xf32, #tpu.memory_space<vmem>> -> memref<2000xf32, #tpu.memory_space<vmem>>
        %swap3A_778 = arith.index_cast %mul3A_774 : i32 to index
        %swap3A_779 = tpu.vector_load %swap3A_777[%swap3A_778] {strides = array<i32>} : memref<2000xf32, #tpu.memory_space<vmem>>, vector<16xf32>,
        tpu.vector_store %swap3A_777[%swap3A_778], %select_n3A_772 {strides = array<i32>} : memref<2000xf32, #tpu.memory_space<vmem>>, vector<16xf32>,
        %scan3A_780 = arith.constant 3 : i32
        %scan3A_781 = arith.addi %scan3A_475, %scan3A_780 : i32
        %iota3A_782 = tpu.iota {dimensions = array<i32: 0>} : vector<16xi32>
        %mul3A_783 = arith.constant 16 : i32
        %mul3A_784 = arith.muli %scan3A_781, %mul3A_783 : i32
        %add3A_785 = vector.broadcast %mul3A_784 : i32 to vector<16xi32>
        %add3A_786 = arith.addi %iota3A_782, %add3A_785 : vector<16xi32>
        %gather3A_787 = arith.constant 0 : i32
        %gather3A_788 = arith.constant 0 : i32
        %gather3A_789 = tpu.memref_slice %arg17[%scan3A_346, %gather3A_787, %gather3A_788] : memref<2x2000x3xf32, #tpu.memory_space<vmem>> -> memref<1x2000x3xf32, #tpu.memory_space<vmem>>
        %gather3A_790 = tpu.memref_squeeze %gather3A_789 : memref<1x2000x3xf32, #tpu.memory_space<vmem>> -> memref<2000x3xf32, #tpu.memory_space<vmem>>
        %gather3A_791 = tpu.vector_load_idx %gather3A_790[%add3A_786, %broadcast_in_dim3A_3] : memref<2000x3xf32, #tpu.memory_space<vmem>>[vector<16xi32>, vector<16xi32>], vector<16xf32>,
        %gather3A_792 = arith.constant 0 : i32
        %gather3A_793 = arith.constant 0 : i32
        %gather3A_794 = tpu.memref_slice %arg17[%scan3A_346, %gather3A_792, %gather3A_793] : memref<2x2000x3xf32, #tpu.memory_space<vmem>> -> memref<1x2000x3xf32, #tpu.memory_space<vmem>>
        %gather3A_795 = tpu.memref_squeeze %gather3A_794 : memref<1x2000x3xf32, #tpu.memory_space<vmem>> -> memref<2000x3xf32, #tpu.memory_space<vmem>>
        %gather3A_796 = tpu.vector_load_idx %gather3A_795[%add3A_786, %broadcast_in_dim3A_5] : memref<2000x3xf32, #tpu.memory_space<vmem>>[vector<16xi32>, vector<16xi32>], vector<16xf32>,
        %gather3A_797 = arith.constant 0 : i32
        %gather3A_798 = arith.constant 0 : i32
        %gather3A_799 = tpu.memref_slice %arg17[%scan3A_346, %gather3A_797, %gather3A_798] : memref<2x2000x3xf32, #tpu.memory_space<vmem>> -> memref<1x2000x3xf32, #tpu.memory_space<vmem>>
        %gather3A_800 = tpu.memref_squeeze %gather3A_799 : memref<1x2000x3xf32, #tpu.memory_space<vmem>> -> memref<2000x3xf32, #tpu.memory_space<vmem>>
        %gather3A_801 = tpu.vector_load_idx %gather3A_800[%add3A_786, %broadcast_in_dim3A_7] : memref<2000x3xf32, #tpu.memory_space<vmem>>[vector<16xi32>, vector<16xi32>], vector<16xf32>,
        %gather3A_802 = arith.constant 0 : i32
        %gather3A_803 = arith.constant 0 : i32
        %gather3A_804 = tpu.memref_slice %arg18[%scan3A_347, %gather3A_802, %gather3A_803] : memref<2x2000x3xf32, #tpu.memory_space<vmem>> -> memref<1x2000x3xf32, #tpu.memory_space<vmem>>
        %gather3A_805 = tpu.memref_squeeze %gather3A_804 : memref<1x2000x3xf32, #tpu.memory_space<vmem>> -> memref<2000x3xf32, #tpu.memory_space<vmem>>
        %gather3A_806 = tpu.vector_load_idx %gather3A_805[%add3A_786, %broadcast_in_dim3A_3] : memref<2000x3xf32, #tpu.memory_space<vmem>>[vector<16xi32>, vector<16xi32>], vector<16xf32>,
        %gather3A_807 = arith.constant 0 : i32
        %gather3A_808 = arith.constant 0 : i32
        %gather3A_809 = tpu.memref_slice %arg18[%scan3A_347, %gather3A_807, %gather3A_808] : memref<2x2000x3xf32, #tpu.memory_space<vmem>> -> memref<1x2000x3xf32, #tpu.memory_space<vmem>>
        %gather3A_810 = tpu.memref_squeeze %gather3A_809 : memref<1x2000x3xf32, #tpu.memory_space<vmem>> -> memref<2000x3xf32, #tpu.memory_space<vmem>>
        %gather3A_811 = tpu.vector_load_idx %gather3A_810[%add3A_786, %broadcast_in_dim3A_5] : memref<2000x3xf32, #tpu.memory_space<vmem>>[vector<16xi32>, vector<16xi32>], vector<16xf32>,
        %gather3A_812 = arith.constant 0 : i32
        %gather3A_813 = arith.constant 0 : i32
        %gather3A_814 = tpu.memref_slice %arg18[%scan3A_347, %gather3A_812, %gather3A_813] : memref<2x2000x3xf32, #tpu.memory_space<vmem>> -> memref<1x2000x3xf32, #tpu.memory_space<vmem>>
        %gather3A_815 = tpu.memref_squeeze %gather3A_814 : memref<1x2000x3xf32, #tpu.memory_space<vmem>> -> memref<2000x3xf32, #tpu.memory_space<vmem>>
        %gather3A_816 = tpu.vector_load_idx %gather3A_815[%add3A_786, %broadcast_in_dim3A_7] : memref<2000x3xf32, #tpu.memory_space<vmem>>[vector<16xi32>, vector<16xi32>], vector<16xf32>,
        %mul3A_817 = arith.mulf %gather3A_791, %gather3A_806 : vector<16xf32>
        %mul3A_818 = arith.mulf %gather3A_796, %gather3A_811 : vector<16xf32>
        %add3A_819 = arith.addf %mul3A_817, %mul3A_818 : vector<16xf32>
        %mul3A_820 = arith.mulf %gather3A_801, %gather3A_816 : vector<16xf32>
        %add3A_821 = arith.addf %add3A_819, %mul3A_820 : vector<16xf32>
        %mul3A_822 = arith.constant 0.949999988 : f32
        %mul3A_823 = vector.broadcast %mul3A_822 : f32 to vector<16xf32>
        %mul3A_824 = arith.mulf %mul3A_823, %add3A_821 : vector<16xf32>
        %abs3A_825 = math.absf %mul3A_824 : vector<16xf32>
        %sub3A_826 = arith.constant 1.000000e+00 : f32
        %sub3A_827 = vector.broadcast %sub3A_826 : f32 to vector<16xf32>
        %sub3A_828 = arith.subf %sub3A_827, %abs3A_825 : vector<16xf32>
        %bitcast_convert_type3A_829 = tpu.bitcast %sub3A_828 : vector<16xf32> -> vector<16xi32>
        %shift_right_arithmetic3A_830 = arith.constant 1 : i32
        %shift_right_arithmetic3A_831 = vector.broadcast %shift_right_arithmetic3A_830 : i32 to vector<16xi32>
        %shift_right_arithmetic3A_832 = arith.shrsi %bitcast_convert_type3A_829, %shift_right_arithmetic3A_831 : vector<16xi32>
        %sub3A_833 = arith.constant 1597463007 : i32
        %sub3A_834 = vector.broadcast %sub3A_833 : i32 to vector<16xi32>
        %sub3A_835 = arith.subi %sub3A_834, %shift_right_arithmetic3A_832 : vector<16xi32>
        %bitcast_convert_type3A_836 = tpu.bitcast %sub3A_835 : vector<16xi32> -> vector<16xf32>
        %mul3A_837 = arith.constant 5.000000e-01 : f32
        %mul3A_838 = vector.broadcast %mul3A_837 : f32 to vector<16xf32>
        %mul3A_839 = arith.mulf %mul3A_838, %sub3A_828 : vector<16xf32>
        %mul3A_840 = arith.mulf %mul3A_839, %bitcast_convert_type3A_836 : vector<16xf32>
        %mul3A_841 = arith.mulf %mul3A_840, %bitcast_convert_type3A_836 : vector<16xf32>
        %sub3A_842 = arith.constant 1.500000e+00 : f32
        %sub3A_843 = vector.broadcast %sub3A_842 : f32 to vector<16xf32>
        %sub3A_844 = arith.subf %sub3A_843, %mul3A_841 : vector<16xf32>
        %mul3A_845 = arith.mulf %bitcast_convert_type3A_836, %sub3A_844 : vector<16xf32>
        %mul3A_846 = arith.mulf %mul3A_839, %mul3A_845 : vector<16xf32>
        %mul3A_847 = arith.mulf %mul3A_846, %mul3A_845 : vector<16xf32>
        %sub3A_848 = arith.constant 1.500000e+00 : f32
        %sub3A_849 = vector.broadcast %sub3A_848 : f32 to vector<16xf32>
        %sub3A_850 = arith.subf %sub3A_849, %mul3A_847 : vector<16xf32>
        %mul3A_851 = arith.mulf %mul3A_845, %sub3A_850 : vector<16xf32>
        %mul3A_852 = arith.mulf %sub3A_828, %mul3A_851 : vector<16xf32>
        %mul3A_853 = arith.constant -1.872930e-02 : f32
        %mul3A_854 = vector.broadcast %mul3A_853 : f32 to vector<16xf32>
        %mul3A_855 = arith.mulf %mul3A_854, %abs3A_825 : vector<16xf32>
        %add3A_856 = arith.constant 7.426100e-02 : f32
        %add3A_857 = vector.broadcast %add3A_856 : f32 to vector<16xf32>
        %add3A_858 = arith.addf %mul3A_855, %add3A_857 : vector<16xf32>
        %mul3A_859 = arith.mulf %add3A_858, %abs3A_825 : vector<16xf32>
        %add3A_860 = arith.constant -0.212114394 : f32
        %add3A_861 = vector.broadcast %add3A_860 : f32 to vector<16xf32>
        %add3A_862 = arith.addf %mul3A_859, %add3A_861 : vector<16xf32>
        %mul3A_863 = arith.mulf %add3A_862, %abs3A_825 : vector<16xf32>
        %add3A_864 = arith.constant 1.57072878 : f32
        %add3A_865 = vector.broadcast %add3A_864 : f32 to vector<16xf32>
        %add3A_866 = arith.addf %mul3A_863, %add3A_865 : vector<16xf32>
        %mul3A_867 = arith.mulf %mul3A_852, %add3A_866 : vector<16xf32>
        %ge3A_868 = arith.constant 0.000000e+00 : f32
        %ge3A_869 = vector.broadcast %ge3A_868 : f32 to vector<16xf32>
        %ge3A_870 = arith.cmpf oge, %mul3A_824, %ge3A_869 : vector<16xf32>
        %sub3A_871 = arith.constant 3.14159274 : f32
        %sub3A_872 = vector.broadcast %sub3A_871 : f32 to vector<16xf32>
        %sub3A_873 = arith.subf %sub3A_872, %mul3A_867 : vector<16xf32>
        %select_n3A_874 = arith.select %ge3A_870, %mul3A_867, %sub3A_873 : vector<16xi1>, vector<16xf32>
        %mul3A_875 = arith.constant 16 : i32
        %mul3A_876 = arith.muli %scan3A_781, %mul3A_875 : i32
        %swap3A_877 = arith.constant 0 : i32
        %swap3A_878 = tpu.memref_slice %arg19[%scan3A_348, %swap3A_877] : memref<2x2000xf32, #tpu.memory_space<vmem>> -> memref<1x2000xf32, #tpu.memory_space<vmem>>
        %swap3A_879 = tpu.memref_squeeze %swap3A_878 : memref<1x2000xf32, #tpu.memory_space<vmem>> -> memref<2000xf32, #tpu.memory_space<vmem>>
        %swap3A_880 = arith.index_cast %mul3A_876 : i32 to index
        %swap3A_881 = tpu.vector_load %swap3A_879[%swap3A_880] {strides = array<i32>} : memref<2000xf32, #tpu.memory_space<vmem>>, vector<16xf32>,
        tpu.vector_store %swap3A_879[%swap3A_880], %select_n3A_874 {strides = array<i32>} : memref<2000xf32, #tpu.memory_space<vmem>>, vector<16xf32>,
      }
      %scan3A_353 = arith.constant 124 : i32
      %scan3A_354 = arith.addi %scan3A_349, %scan3A_353 : i32
      %iota3A_355 = tpu.iota {dimensions = array<i32: 0>} : vector<16xi32>
      %mul3A_356 = arith.constant 16 : i32
      %mul3A_357 = arith.muli %scan3A_354, %mul3A_356 : i32
      %add3A_358 = vector.broadcast %mul3A_357 : i32 to vector<16xi32>
      %add3A_359 = arith.addi %iota3A_355, %add3A_358 : vector<16xi32>
      %gather3A_360 = arith.constant 0 : i32
      %gather3A_361 = arith.constant 0 : i32
      %gather3A_362 = tpu.memref_slice %arg17[%scan3A_346, %gather3A_360, %gather3A_361] : memref<2x2000x3xf32, #tpu.memory_space<vmem>> -> memref<1x2000x3xf32, #tpu.memory_space<vmem>>
      %gather3A_363 = tpu.memref_squeeze %gather3A_362 : memref<1x2000x3xf32, #tpu.memory_space<vmem>> -> memref<2000x3xf32, #tpu.memory_space<vmem>>
      %gather3A_364 = tpu.vector_load_idx %gather3A_363[%add3A_359, %broadcast_in_dim3A_3] : memref<2000x3xf32, #tpu.memory_space<vmem>>[vector<16xi32>, vector<16xi32>], vector<16xf32>,
      %gather3A_365 = arith.constant 0 : i32
      %gather3A_366 = arith.constant 0 : i32
      %gather3A_367 = tpu.memref_slice %arg17[%scan3A_346, %gather3A_365, %gather3A_366] : memref<2x2000x3xf32, #tpu.memory_space<vmem>> -> memref<1x2000x3xf32, #tpu.memory_space<vmem>>
      %gather3A_368 = tpu.memref_squeeze %gather3A_367 : memref<1x2000x3xf32, #tpu.memory_space<vmem>> -> memref<2000x3xf32, #tpu.memory_space<vmem>>
      %gather3A_369 = tpu.vector_load_idx %gather3A_368[%add3A_359, %broadcast_in_dim3A_5] : memref<2000x3xf32, #tpu.memory_space<vmem>>[vector<16xi32>, vector<16xi32>], vector<16xf32>,
      %gather3A_370 = arith.constant 0 : i32
      %gather3A_371 = arith.constant 0 : i32
      %gather3A_372 = tpu.memref_slice %arg17[%scan3A_346, %gather3A_370, %gather3A_371] : memref<2x2000x3xf32, #tpu.memory_space<vmem>> -> memref<1x2000x3xf32, #tpu.memory_space<vmem>>
      %gather3A_373 = tpu.memref_squeeze %gather3A_372 : memref<1x2000x3xf32, #tpu.memory_space<vmem>> -> memref<2000x3xf32, #tpu.memory_space<vmem>>
      %gather3A_374 = tpu.vector_load_idx %gather3A_373[%add3A_359, %broadcast_in_dim3A_7] : memref<2000x3xf32, #tpu.memory_space<vmem>>[vector<16xi32>, vector<16xi32>], vector<16xf32>,
      %gather3A_375 = arith.constant 0 : i32
      %gather3A_376 = arith.constant 0 : i32
      %gather3A_377 = tpu.memref_slice %arg18[%scan3A_347, %gather3A_375, %gather3A_376] : memref<2x2000x3xf32, #tpu.memory_space<vmem>> -> memref<1x2000x3xf32, #tpu.memory_space<vmem>>
      %gather3A_378 = tpu.memref_squeeze %gather3A_377 : memref<1x2000x3xf32, #tpu.memory_space<vmem>> -> memref<2000x3xf32, #tpu.memory_space<vmem>>
      %gather3A_379 = tpu.vector_load_idx %gather3A_378[%add3A_359, %broadcast_in_dim3A_3] : memref<2000x3xf32, #tpu.memory_space<vmem>>[vector<16xi32>, vector<16xi32>], vector<16xf32>,
      %gather3A_380 = arith.constant 0 : i32
      %gather3A_381 = arith.constant 0 : i32
      %gather3A_382 = tpu.memref_slice %arg18[%scan3A_347, %gather3A_380, %gather3A_381] : memref<2x2000x3xf32, #tpu.memory_space<vmem>> -> memref<1x2000x3xf32, #tpu.memory_space<vmem>>
      %gather3A_383 = tpu.memref_squeeze %gather3A_382 : memref<1x2000x3xf32, #tpu.memory_space<vmem>> -> memref<2000x3xf32, #tpu.memory_space<vmem>>
      %gather3A_384 = tpu.vector_load_idx %gather3A_383[%add3A_359, %broadcast_in_dim3A_5] : memref<2000x3xf32, #tpu.memory_space<vmem>>[vector<16xi32>, vector<16xi32>], vector<16xf32>,
      %gather3A_385 = arith.constant 0 : i32
      %gather3A_386 = arith.constant 0 : i32
      %gather3A_387 = tpu.memref_slice %arg18[%scan3A_347, %gather3A_385, %gather3A_386] : memref<2x2000x3xf32, #tpu.memory_space<vmem>> -> memref<1x2000x3xf32, #tpu.memory_space<vmem>>
      %gather3A_388 = tpu.memref_squeeze %gather3A_387 : memref<1x2000x3xf32, #tpu.memory_space<vmem>> -> memref<2000x3xf32, #tpu.memory_space<vmem>>
      %gather3A_389 = tpu.vector_load_idx %gather3A_388[%add3A_359, %broadcast_in_dim3A_7] : memref<2000x3xf32, #tpu.memory_space<vmem>>[vector<16xi32>, vector<16xi32>], vector<16xf32>,
      %mul3A_390 = arith.mulf %gather3A_364, %gather3A_379 : vector<16xf32>
      %mul3A_391 = arith.mulf %gather3A_369, %gather3A_384 : vector<16xf32>
      %add3A_392 = arith.addf %mul3A_390, %mul3A_391 : vector<16xf32>
      %mul3A_393 = arith.mulf %gather3A_374, %gather3A_389 : vector<16xf32>
      %add3A_394 = arith.addf %add3A_392, %mul3A_393 : vector<16xf32>
      %mul3A_395 = arith.constant 0.949999988 : f32
      %mul3A_396 = vector.broadcast %mul3A_395 : f32 to vector<16xf32>
      %mul3A_397 = arith.mulf %mul3A_396, %add3A_394 : vector<16xf32>
      %abs3A_398 = math.absf %mul3A_397 : vector<16xf32>
      %sub3A_399 = arith.constant 1.000000e+00 : f32
      %sub3A_400 = vector.broadcast %sub3A_399 : f32 to vector<16xf32>
      %sub3A_401 = arith.subf %sub3A_400, %abs3A_398 : vector<16xf32>
      %bitcast_convert_type3A_402 = tpu.bitcast %sub3A_401 : vector<16xf32> -> vector<16xi32>
      %shift_right_arithmetic3A_403 = arith.constant 1 : i32
      %shift_right_arithmetic3A_404 = vector.broadcast %shift_right_arithmetic3A_403 : i32 to vector<16xi32>
      %shift_right_arithmetic3A_405 = arith.shrsi %bitcast_convert_type3A_402, %shift_right_arithmetic3A_404 : vector<16xi32>
      %sub3A_406 = arith.constant 1597463007 : i32
      %sub3A_407 = vector.broadcast %sub3A_406 : i32 to vector<16xi32>
      %sub3A_408 = arith.subi %sub3A_407, %shift_right_arithmetic3A_405 : vector<16xi32>
      %bitcast_convert_type3A_409 = tpu.bitcast %sub3A_408 : vector<16xi32> -> vector<16xf32>
      %mul3A_410 = arith.constant 5.000000e-01 : f32
      %mul3A_411 = vector.broadcast %mul3A_410 : f32 to vector<16xf32>
      %mul3A_412 = arith.mulf %mul3A_411, %sub3A_401 : vector<16xf32>
      %mul3A_413 = arith.mulf %mul3A_412, %bitcast_convert_type3A_409 : vector<16xf32>
      %mul3A_414 = arith.mulf %mul3A_413, %bitcast_convert_type3A_409 : vector<16xf32>
      %sub3A_415 = arith.constant 1.500000e+00 : f32
      %sub3A_416 = vector.broadcast %sub3A_415 : f32 to vector<16xf32>
      %sub3A_417 = arith.subf %sub3A_416, %mul3A_414 : vector<16xf32>
      %mul3A_418 = arith.mulf %bitcast_convert_type3A_409, %sub3A_417 : vector<16xf32>
      %mul3A_419 = arith.mulf %mul3A_412, %mul3A_418 : vector<16xf32>
      %mul3A_420 = arith.mulf %mul3A_419, %mul3A_418 : vector<16xf32>
      %sub3A_421 = arith.constant 1.500000e+00 : f32
      %sub3A_422 = vector.broadcast %sub3A_421 : f32 to vector<16xf32>
      %sub3A_423 = arith.subf %sub3A_422, %mul3A_420 : vector<16xf32>
      %mul3A_424 = arith.mulf %mul3A_418, %sub3A_423 : vector<16xf32>
      %mul3A_425 = arith.mulf %sub3A_401, %mul3A_424 : vector<16xf32>
      %mul3A_426 = arith.constant -1.872930e-02 : f32
      %mul3A_427 = vector.broadcast %mul3A_426 : f32 to vector<16xf32>
      %mul3A_428 = arith.mulf %mul3A_427, %abs3A_398 : vector<16xf32>
      %add3A_429 = arith.constant 7.426100e-02 : f32
      %add3A_430 = vector.broadcast %add3A_429 : f32 to vector<16xf32>
      %add3A_431 = arith.addf %mul3A_428, %add3A_430 : vector<16xf32>
      %mul3A_432 = arith.mulf %add3A_431, %abs3A_398 : vector<16xf32>
      %add3A_433 = arith.constant -0.212114394 : f32
      %add3A_434 = vector.broadcast %add3A_433 : f32 to vector<16xf32>
      %add3A_435 = arith.addf %mul3A_432, %add3A_434 : vector<16xf32>
      %mul3A_436 = arith.mulf %add3A_435, %abs3A_398 : vector<16xf32>
      %add3A_437 = arith.constant 1.57072878 : f32
      %add3A_438 = vector.broadcast %add3A_437 : f32 to vector<16xf32>
      %add3A_439 = arith.addf %mul3A_436, %add3A_438 : vector<16xf32>
      %mul3A_440 = arith.mulf %mul3A_425, %add3A_439 : vector<16xf32>
      %ge3A_441 = arith.constant 0.000000e+00 : f32
      %ge3A_442 = vector.broadcast %ge3A_441 : f32 to vector<16xf32>
      %ge3A_443 = arith.cmpf oge, %mul3A_397, %ge3A_442 : vector<16xf32>
      %sub3A_444 = arith.constant 3.14159274 : f32
      %sub3A_445 = vector.broadcast %sub3A_444 : f32 to vector<16xf32>
      %sub3A_446 = arith.subf %sub3A_445, %mul3A_440 : vector<16xf32>
      %select_n3A_447 = arith.select %ge3A_443, %mul3A_440, %sub3A_446 : vector<16xi1>, vector<16xf32>
      %mul3A_448 = arith.constant 16 : i32
      %mul3A_449 = arith.muli %scan3A_354, %mul3A_448 : i32
      %swap3A_450 = arith.constant 0 : i32
      %swap3A_451 = tpu.memref_slice %arg19[%scan3A_348, %swap3A_450] : memref<2x2000xf32, #tpu.memory_space<vmem>> -> memref<1x2000xf32, #tpu.memory_space<vmem>>
      %swap3A_452 = tpu.memref_squeeze %swap3A_451 : memref<1x2000xf32, #tpu.memory_space<vmem>> -> memref<2000xf32, #tpu.memory_space<vmem>>
      %swap3A_453 = arith.index_cast %mul3A_449 : i32 to index
      %swap3A_454 = tpu.vector_load %swap3A_452[%swap3A_453] {strides = array<i32>} : memref<2000xf32, #tpu.memory_space<vmem>>, vector<16xf32>,
      tpu.vector_store %swap3A_452[%swap3A_453], %select_n3A_447 {strides = array<i32>} : memref<2000xf32, #tpu.memory_space<vmem>>, vector<16xf32>,
      %scan3A_455 = arith.constant 125 : i32
      %mul3A_456 = arith.constant 2000 : i32
      %mul3A_457 = arith.muli %add3A_315, %mul3A_456 : i32
      %add3A_458 = arith.addi %mul3A_2, %mul3A_457 : i32
      %dma_start3A_459 = arith.constant 1 : i32
      %dma_start3A_460 = arith.constant 0 : i32
      %dma_start3A_461 = tpu.memref_slice %arg19[%dma_start3A_459, %dma_start3A_460] : memref<2x2000xf32, #tpu.memory_space<vmem>> -> memref<1x2000xf32, #tpu.memory_space<vmem>>
      %dma_start3A_462 = tpu.memref_squeeze %dma_start3A_461 : memref<1x2000xf32, #tpu.memory_space<vmem>> -> memref<2000xf32, #tpu.memory_space<vmem>>
      %dma_start3A_463 = tpu.memref_slice %arg8[%add3A_458] : memref<2560000xf32, #tpu.memory_space<hbm>> -> memref<2000xf32, #tpu.memory_space<hbm>>
      %dma_start3A_464 = tpu.memref_slice %arg8[%add3A_458] : memref<2560000xf32, #tpu.memory_space<hbm>> -> memref<2000xf32, #tpu.memory_space<hbm>>
      %dma_start3A_465 = arith.constant 0 : i32
      %dma_start3A_466 = tpu.memref_slice %arg19[%dma_start3A_459, %dma_start3A_465] : memref<2x2000xf32, #tpu.memory_space<vmem>> -> memref<1x2000xf32, #tpu.memory_space<vmem>>
      %dma_start3A_467 = tpu.memref_squeeze %dma_start3A_466 : memref<1x2000xf32, #tpu.memory_space<vmem>> -> memref<2000xf32, #tpu.memory_space<vmem>>
      tpu.enqueue_dma source(%dma_start3A_467 : memref<2000xf32, #tpu.memory_space<vmem>>) target(%dma_start3A_464 : memref<2000xf32, #tpu.memory_space<hbm>>) target_semaphore(%arg23 : memref<!tpu.dma_semaphore, #tpu.memory_space<semaphore_mem>>)
      %add3A_468 = arith.constant 2 : i32
      %add3A_469 = arith.addi %add3A_315, %add3A_468 : i32
      %lt3A_470 = arith.constant 40 : i32
      %lt3A_471 = arith.cmpi slt, %add3A_469, %lt3A_470 : i32
      %convert_element_type3A_472 = arith.extui %lt3A_471 : i1 to i32
      %cond3A_473 = arith.constant 0 : i32
      %cond3A_474 = arith.cmpi ne, %convert_element_type3A_472, %cond3A_473 : i32
      scf.if %cond3A_474 {
        %add3A_475 = arith.constant 2 : i32
        %add3A_476 = arith.addi %add3A_315, %add3A_475 : i32
        %mul3A_477 = arith.constant 2000 : i32
        %mul3A_478 = arith.muli %add3A_476, %mul3A_477 : i32
        %add3A_479 = arith.addi %mul3A_2, %mul3A_478 : i32
        %dma_start3A_480 = arith.constant 1 : i32
        %dma_start3A_481 = arith.constant 0 : i32
        %dma_start3A_482 = tpu.memref_slice %arg15[%dma_start3A_480, %dma_start3A_481] : memref<2x2000xi32, #tpu.memory_space<vmem>> -> memref<1x2000xi32, #tpu.memory_space<vmem>>
        %dma_start3A_483 = tpu.memref_squeeze %dma_start3A_482 : memref<1x2000xi32, #tpu.memory_space<vmem>> -> memref<2000xi32, #tpu.memory_space<vmem>>
        %dma_start3A_484 = tpu.memref_slice %arg6[%add3A_479] : memref<2560000xi32, #tpu.memory_space<hbm>> -> memref<2000xi32, #tpu.memory_space<hbm>>
        %dma_start3A_485 = arith.constant 0 : i32
        %dma_start3A_486 = tpu.memref_slice %arg15[%dma_start3A_480, %dma_start3A_485] : memref<2x2000xi32, #tpu.memory_space<vmem>> -> memref<1x2000xi32, #tpu.memory_space<vmem>>
        %dma_start3A_487 = tpu.memref_squeeze %dma_start3A_486 : memref<1x2000xi32, #tpu.memory_space<vmem>> -> memref<2000xi32, #tpu.memory_space<vmem>>
        %dma_start3A_488 = tpu.memref_slice %arg6[%add3A_479] : memref<2560000xi32, #tpu.memory_space<hbm>> -> memref<2000xi32, #tpu.memory_space<hbm>>
        tpu.enqueue_dma source(%dma_start3A_488 : memref<2000xi32, #tpu.memory_space<hbm>>) target(%dma_start3A_487 : memref<2000xi32, #tpu.memory_space<vmem>>) target_semaphore(%arg21 : memref<!tpu.dma_semaphore, #tpu.memory_space<semaphore_mem>>)
        %dma_start3A_489 = arith.constant 1 : i32
        %dma_start3A_490 = arith.constant 0 : i32
        %dma_start3A_491 = tpu.memref_slice %arg16[%dma_start3A_489, %dma_start3A_490] : memref<2x2000xi32, #tpu.memory_space<vmem>> -> memref<1x2000xi32, #tpu.memory_space<vmem>>
        %dma_start3A_492 = tpu.memref_squeeze %dma_start3A_491 : memref<1x2000xi32, #tpu.memory_space<vmem>> -> memref<2000xi32, #tpu.memory_space<vmem>>
        %dma_start3A_493 = tpu.memref_slice %arg7[%add3A_479] : memref<2560000xi32, #tpu.memory_space<hbm>> -> memref<2000xi32, #tpu.memory_space<hbm>>
        %dma_start3A_494 = arith.constant 0 : i32
        %dma_start3A_495 = tpu.memref_slice %arg16[%dma_start3A_489, %dma_start3A_494] : memref<2x2000xi32, #tpu.memory_space<vmem>> -> memref<1x2000xi32, #tpu.memory_space<vmem>>
        %dma_start3A_496 = tpu.memref_squeeze %dma_start3A_495 : memref<1x2000xi32, #tpu.memory_space<vmem>> -> memref<2000xi32, #tpu.memory_space<vmem>>
        %dma_start3A_497 = tpu.memref_slice %arg7[%add3A_479] : memref<2560000xi32, #tpu.memory_space<hbm>> -> memref<2000xi32, #tpu.memory_space<hbm>>
        tpu.enqueue_dma source(%dma_start3A_497 : memref<2000xi32, #tpu.memory_space<hbm>>) target(%dma_start3A_496 : memref<2000xi32, #tpu.memory_space<vmem>>) target_semaphore(%arg21 : memref<!tpu.dma_semaphore, #tpu.memory_space<semaphore_mem>>)
        %dma_wait3A_498 = arith.constant 1 : i32
        %dma_wait3A_499 = arith.constant 0 : i32
        %dma_wait3A_500 = tpu.memref_slice %arg15[%dma_wait3A_498, %dma_wait3A_499] : memref<2x2000xi32, #tpu.memory_space<vmem>> -> memref<1x2000xi32, #tpu.memory_space<vmem>>
        %dma_wait3A_501 = tpu.memref_squeeze %dma_wait3A_500 : memref<1x2000xi32, #tpu.memory_space<vmem>> -> memref<2000xi32, #tpu.memory_space<vmem>>
        %dma_wait3A_502 = tpu.memref_slice %arg6[%add3A_479] : memref<2560000xi32, #tpu.memory_space<hbm>> -> memref<2000xi32, #tpu.memory_space<hbm>>
        %dma_wait3A_503 = arith.constant 0 : i32
        %dma_wait3A_504 = tpu.memref_slice %arg15[%dma_wait3A_498, %dma_wait3A_503] : memref<2x2000xi32, #tpu.memory_space<vmem>> -> memref<1x2000xi32, #tpu.memory_space<vmem>>
        %dma_wait3A_505 = tpu.memref_squeeze %dma_wait3A_504 : memref<1x2000xi32, #tpu.memory_space<vmem>> -> memref<2000xi32, #tpu.memory_space<vmem>>
        %dma_wait3A_506 = tpu.memref_slice %arg6[%add3A_479] : memref<2560000xi32, #tpu.memory_space<hbm>> -> memref<2000xi32, #tpu.memory_space<hbm>>
        tpu.wait_dma2 semaphore(%arg21 : memref<!tpu.dma_semaphore, #tpu.memory_space<semaphore_mem>>) src(%dma_wait3A_506 : memref<2000xi32, #tpu.memory_space<hbm>>) dst(%dma_wait3A_505 : memref<2000xi32, #tpu.memory_space<vmem>>)
        %dma_wait3A_507 = arith.constant 1 : i32
        %dma_wait3A_508 = arith.constant 0 : i32
        %dma_wait3A_509 = tpu.memref_slice %arg16[%dma_wait3A_507, %dma_wait3A_508] : memref<2x2000xi32, #tpu.memory_space<vmem>> -> memref<1x2000xi32, #tpu.memory_space<vmem>>
        %dma_wait3A_510 = tpu.memref_squeeze %dma_wait3A_509 : memref<1x2000xi32, #tpu.memory_space<vmem>> -> memref<2000xi32, #tpu.memory_space<vmem>>
        %dma_wait3A_511 = tpu.memref_slice %arg7[%add3A_479] : memref<2560000xi32, #tpu.memory_space<hbm>> -> memref<2000xi32, #tpu.memory_space<hbm>>
        %dma_wait3A_512 = arith.constant 0 : i32
        %dma_wait3A_513 = tpu.memref_slice %arg16[%dma_wait3A_507, %dma_wait3A_512] : memref<2x2000xi32, #tpu.memory_space<vmem>> -> memref<1x2000xi32, #tpu.memory_space<vmem>>
        %dma_wait3A_514 = tpu.memref_squeeze %dma_wait3A_513 : memref<1x2000xi32, #tpu.memory_space<vmem>> -> memref<2000xi32, #tpu.memory_space<vmem>>
        %dma_wait3A_515 = tpu.memref_slice %arg7[%add3A_479] : memref<2560000xi32, #tpu.memory_space<hbm>> -> memref<2000xi32, #tpu.memory_space<hbm>>
        tpu.wait_dma2 semaphore(%arg21 : memref<!tpu.dma_semaphore, #tpu.memory_space<semaphore_mem>>) src(%dma_wait3A_515 : memref<2000xi32, #tpu.memory_space<hbm>>) dst(%dma_wait3A_514 : memref<2000xi32, #tpu.memory_space<vmem>>)
        %dma_start3A_516 = arith.constant 1 : i32
        %dma_start3A_517 = arith.constant 1 : i32
        %dma_start3A_518 = arith.constant 0 : i32
        %dma_start3A_519 = arith.constant 0 : i32
        %dma_start3A_520 = tpu.memref_slice %arg17[%dma_start3A_517, %dma_start3A_518, %dma_start3A_519] : memref<2x2000x3xf32, #tpu.memory_space<vmem>> -> memref<1x2000x3xf32, #tpu.memory_space<vmem>>
        %dma_start3A_521 = tpu.memref_squeeze %dma_start3A_520 : memref<1x2000x3xf32, #tpu.memory_space<vmem>> -> memref<2000x3xf32, #tpu.memory_space<vmem>>
        %dma_start3A_522 = arith.constant 0 : i32
        %dma_start3A_523 = tpu.memref_slice %arg15[%dma_start3A_516, %dma_start3A_522] : memref<2x2000xi32, #tpu.memory_space<vmem>> -> memref<1x2000xi32, #tpu.memory_space<vmem>>
        %dma_start3A_524 = tpu.memref_squeeze %dma_start3A_523 : memref<1x2000xi32, #tpu.memory_space<vmem>> -> memref<2000xi32, #tpu.memory_space<vmem>>
        %dma_start3A_525 = arith.constant 0 : i32
        %dma_start3A_526 = arith.constant 0 : i32
        %dma_start3A_527 = tpu.memref_slice %arg9[%dma_start3A_525, %dma_start3A_526] : memref<160000x3xf32, #tpu.memory_space<vmem_shared>> -> memref<160000x3xf32, #tpu.memory_space<vmem_shared>>
        tpu.enqueue_indirect_dma source(%dma_start3A_527 : memref<160000x3xf32, #tpu.memory_space<vmem_shared>>) target(%dma_start3A_521 : memref<2000x3xf32, #tpu.memory_space<vmem>>) offsets(%dma_start3A_524 : memref<2000xi32, #tpu.memory_space<vmem>>) semaphore(%arg21 : memref<!tpu.dma_semaphore, #tpu.memory_space<semaphore_mem>>)
        %dma_start3A_528 = arith.constant 1 : i32
        %dma_start3A_529 = arith.constant 1 : i32
        %dma_start3A_530 = arith.constant 0 : i32
        %dma_start3A_531 = arith.constant 0 : i32
        %dma_start3A_532 = tpu.memref_slice %arg18[%dma_start3A_529, %dma_start3A_530, %dma_start3A_531] : memref<2x2000x3xf32, #tpu.memory_space<vmem>> -> memref<1x2000x3xf32, #tpu.memory_space<vmem>>
        %dma_start3A_533 = tpu.memref_squeeze %dma_start3A_532 : memref<1x2000x3xf32, #tpu.memory_space<vmem>> -> memref<2000x3xf32, #tpu.memory_space<vmem>>
        %dma_start3A_534 = arith.constant 0 : i32
        %dma_start3A_535 = tpu.memref_slice %arg16[%dma_start3A_528, %dma_start3A_534] : memref<2x2000xi32, #tpu.memory_space<vmem>> -> memref<1x2000xi32, #tpu.memory_space<vmem>>
        %dma_start3A_536 = tpu.memref_squeeze %dma_start3A_535 : memref<1x2000xi32, #tpu.memory_space<vmem>> -> memref<2000xi32, #tpu.memory_space<vmem>>
        %dma_start3A_537 = arith.constant 0 : i32
        %dma_start3A_538 = arith.constant 0 : i32
        %dma_start3A_539 = tpu.memref_slice %arg9[%dma_start3A_537, %dma_start3A_538] : memref<160000x3xf32, #tpu.memory_space<vmem_shared>> -> memref<160000x3xf32, #tpu.memory_space<vmem_shared>>
        tpu.enqueue_indirect_dma source(%dma_start3A_539 : memref<160000x3xf32, #tpu.memory_space<vmem_shared>>) target(%dma_start3A_533 : memref<2000x3xf32, #tpu.memory_space<vmem>>) offsets(%dma_start3A_536 : memref<2000xi32, #tpu.memory_space<vmem>>) semaphore(%arg21 : memref<!tpu.dma_semaphore, #tpu.memory_space<semaphore_mem>>)
      } else {
      }
    }
    %scan3A_140 = arith.constant 20 : i32
    %add3A_141 = arith.constant 76000 : i32
    %add3A_142 = arith.addi %mul3A_2, %add3A_141 : i32
    %dma_wait3A_143 = arith.constant 0 : i32
    %dma_wait3A_144 = arith.constant 0 : i32
    %dma_wait3A_145 = tpu.memref_slice %arg19[%dma_wait3A_143, %dma_wait3A_144] : memref<2x2000xf32, #tpu.memory_space<vmem>> -> memref<1x2000xf32, #tpu.memory_space<vmem>>
    %dma_wait3A_146 = tpu.memref_squeeze %dma_wait3A_145 : memref<1x2000xf32, #tpu.memory_space<vmem>> -> memref<2000xf32, #tpu.memory_space<vmem>>
    %dma_wait3A_147 = tpu.memref_slice %arg8[%add3A_142] : memref<2560000xf32, #tpu.memory_space<hbm>> -> memref<2000xf32, #tpu.memory_space<hbm>>
    %dma_wait3A_148 = tpu.memref_slice %arg8[%add3A_142] : memref<2560000xf32, #tpu.memory_space<hbm>> -> memref<2000xf32, #tpu.memory_space<hbm>>
    %dma_wait3A_149 = arith.constant 0 : i32
    %dma_wait3A_150 = tpu.memref_slice %arg19[%dma_wait3A_143, %dma_wait3A_149] : memref<2x2000xf32, #tpu.memory_space<vmem>> -> memref<1x2000xf32, #tpu.memory_space<vmem>>
    %dma_wait3A_151 = tpu.memref_squeeze %dma_wait3A_150 : memref<1x2000xf32, #tpu.memory_space<vmem>> -> memref<2000xf32, #tpu.memory_space<vmem>>
    tpu.wait_dma2 semaphore(%arg22 : memref<!tpu.dma_semaphore, #tpu.memory_space<semaphore_mem>>) src(%dma_wait3A_151 : memref<2000xf32, #tpu.memory_space<vmem>>) dst(%dma_wait3A_148 : memref<2000xf32, #tpu.memory_space<hbm>>)
    %add3A_152 = arith.constant 78000 : i32
    %add3A_153 = arith.addi %mul3A_2, %add3A_152 : i32
    %dma_wait3A_154 = arith.constant 1 : i32
    %dma_wait3A_155 = arith.constant 0 : i32
    %dma_wait3A_156 = tpu.memref_slice %arg19[%dma_wait3A_154, %dma_wait3A_155] : memref<2x2000xf32, #tpu.memory_space<vmem>> -> memref<1x2000xf32, #tpu.memory_space<vmem>>
    %dma_wait3A_157 = tpu.memref_squeeze %dma_wait3A_156 : memref<1x2000xf32, #tpu.memory_space<vmem>> -> memref<2000xf32, #tpu.memory_space<vmem>>
    %dma_wait3A_158 = tpu.memref_slice %arg8[%add3A_153] : memref<2560000xf32, #tpu.memory_space<hbm>> -> memref<2000xf32, #tpu.memory_space<hbm>>
    %dma_wait3A_159 = tpu.memref_slice %arg8[%add3A_153] : memref<2560000xf32, #tpu.memory_space<hbm>> -> memref<2000xf32, #tpu.memory_space<hbm>>
    %dma_wait3A_160 = arith.constant 0 : i32
    %dma_wait3A_161 = tpu.memref_slice %arg19[%dma_wait3A_154, %dma_wait3A_160] : memref<2x2000xf32, #tpu.memory_space<vmem>> -> memref<1x2000xf32, #tpu.memory_space<vmem>>
    %dma_wait3A_162 = tpu.memref_squeeze %dma_wait3A_161 : memref<1x2000xf32, #tpu.memory_space<vmem>> -> memref<2000xf32, #tpu.memory_space<vmem>>
    tpu.wait_dma2 semaphore(%arg23 : memref<!tpu.dma_semaphore, #tpu.memory_space<semaphore_mem>>) src(%dma_wait3A_162 : memref<2000xf32, #tpu.memory_space<vmem>>) dst(%dma_wait3A_159 : memref<2000xf32, #tpu.memory_space<hbm>>)
    return
  }
}

</mosaic_0001>

<sc_bundles>
// kernel: kernel.3.cloned.1.call-start
scs
__scs_entry_jumppad:
0x0: {  	(pc) =	sbr.rel $0x88, $3  }
0x1: {  	(tag) =	ssettag $0x0;
	lr =	simm.s32 $0x1  }
0x2: {  	[smem:$0x3F9D] =	sst lr;
	_ =	strace $0xD0000000  }
0x3: {  	_ = 	snop  }
0x4: {  	_ = 	snop  }
0x5: {  	_ = 	snop  }
0x6: {  	_ = 	snop  }
0x7: {  	_ = 	snop  }
__scs_overlays_trampoline_lowered:
0x8: {  	[smem:$0x3FAC] =	sst s0  }
0x9: {  	[smem:$0x3FAD] =	sst s1  }
0xa: {  	[smem:$0x3FAE] =	sst s2  }
0xb: {  	[smem:$0x3FAF] =	sst s3  }
0xc: {  	[smem:$0x3FB0] =	sst s4  }
0xd: {  	[smem:$0x3FB1] =	sst s5  }
0xe: {  	[smem:$0x3FB2] =	sst s6  }
0xf: {  	[smem:$0x3FB3] =	sst s7  }
0x10: {  	[smem:$0x3FB4] =	sst s8  }
0x11: {  	[smem:$0x3FB5] =	sst s9;
	s0 =	simm.s32 @!p0 $0x0  }
0x12: {  	s1 =	sld [smem:$0x3F9B];
	s0 =	simm.s32 @p0 $0x1  }
0x13: {  	[smem:$0x3FB6] =	sst s0;
	s0 =	simm.s32 @!p1 $0x0  }
0x14: {  	s2 =	sld [smem:$0x3F9A];
	s0 =	simm.s32 @p1 $0x1  }
0x15: {  	[smem:$0x3FB7] =	sst s0;
	s0 =	simm.s32 @!p2 $0x0  }
0x16: {  	s3 =	sld [smem:$0x3FDB];
	s0 =	simm.s32 @p2 $0x1  }
0x17: {  	s4 =	simm.s32 $0x1BF5;
	[smem:$0x3FB9] =	sst s0  }
0x18: {  	s0 =	sld [smem:$0x3F9C];
	_ =	swait.ge [sflag:s4], $0x0  }
0x19: {  	s7 =	sld [smem:$0x3F9D]  }
0x1a: {  	s8 =	sadd.s32 $0xFFFFE003, lr  }
0x1b: {  	s9 =	sadd.s32 $0xFFFFFEF7, lr;
	s5 =	simm.s32 $0xFFFFFFFF;
	p2 =	slt.u32 s8, $0xFFFFF086  }
0x1c: {  	p1 =	slt.u32 s9, $0xF7A;
	s5 =	simm.s32 @!p2 $0x0  }
0x1d: {  	s5 =	simm.s32 @p1 $0x1;
	p0 =	seq.s32 s7, s2  }
0x1e: {  	s7 =	smul.u32 @!p0 $0xF7A, s2;
	p2 =	seq.s32 @!p0 s5, $0x0  }
0x1f: {  	s9 =	smul.u32 $0xF7A, s1;
	s8 =	simm.s32 @!p0 $0x1BF5;
	p2 =	por !p2, p0  }
0x20: {  	[sflag:s8] =	ssyncset.s32 @!p0 $0xFFFFF086;
	s6 =	sadd.s32 @!p0 s3, s7;
	s7 =	simm.s32 @!p0 $0x108  }
0x21: {  	s3 =	sadd.s32 s3, s9;
	s6 =	sadd.s32 @!p0 $0x88, s6;
	s7 =	simm.s32 @p2 $0x1082  }
0x22: {  	[simem:s7], [sflag:s8] =	dma.local @!p0 [hbm:s6], $0xF7A  }
0x23: {  	s9 =	sor.u32 $0xD0000000, s2;
	s6 =	simm.s32 $0x108;
	_ =	swait.ge @!p0 [sflag:s8], $0x0  }
0x24: {  	s3 =	sadd.s32 $0x88, s3;
	s6 =	simm.s32 @!p1 $0x1082;
	[sflag:s4] =	ssyncset.s32 $0xFFFFF086  }
0x25: {  	[simem:s6], [sflag:s4] =	dma.local [hbm:s3], $0xF7A  }
0x26: {  	[smem:$0x3F9D] =	sst s1;
	(tag) =	ssettag s2;
	_ =	strace s9  }
0x27: {  	s1 =	sld [smem:$0x3FAD]  }
0x28: {  	s2 =	sld [smem:$0x3FAE]  }
0x29: {  	s4 =	sld [smem:$0x3FB0]  }
0x2a: {  	p0 =	seq.s32 s5, $0x0;
	s5 =	sld [smem:$0x3FB1]  }
0x2b: {  	s6 =	sld [smem:$0x3FB2]  }
0x2c: {  	s7 =	sld [smem:$0x3FB3]  }
0x2d: {  	s3 =	simm.s32 $0x108;
	s8 =	sld [smem:$0x3FB4]  }
0x2e: {  	s3 =	simm.s32 @!p0 $0x1082;
	s9 =	sld [smem:$0x3FB5]  }
0x2f: {  	lr =	sadd.s32 s0, s3;
	s0 =	sld [smem:$0x3FAC]  }
0x30: {  	s3 =	sld [smem:$0x3FAF]  }
0x31: {  	[smem:$0x3FB8] =	sst s10  }
0x32: {  	s10 =	sld [smem:$0x3FB6];
	_ =	sdelay $0x3  }
0x33: {  	p0 =	seq.s32 s10, $0x1;
	s10 =	sld [smem:$0x3FB8];
	_ =	sdelay $0x3  }
0x34: {  	[smem:$0x3FB8] =	sst s10  }
0x35: {  	s10 =	sld [smem:$0x3FB7];
	_ =	sdelay $0x3  }
0x36: {  	p1 =	seq.s32 s10, $0x1;
	s10 =	sld [smem:$0x3FB8];
	_ =	sdelay $0x3  }
0x37: {  	[smem:$0x3FB8] =	sst s10  }
0x38: {  	s10 =	sld [smem:$0x3FB9]  }
0x39: {  	_ = 	snop;
	(pc) =	sbr.ind lr, $3  }
0x3a: {  	_ = 	snop  }
0x3b: {  	_ = 	snop  }
0x3c: {  	p2 =	seq.s32 s10, $0x1;
	s10 =	sld [smem:$0x3FB8]  }
0x3d: {  	_ =	shalt  }
0x3e: {  	_ =	shalt  }
0x3f: {  	_ =	shalt  }
0x40: {  	_ =	shalt  }
0x41: {  	_ =	shalt  }
0x42: {  	_ =	shalt  }
0x43: {  	_ =	shalt  }
0x44: {  	_ =	shalt  }
0x45: {  	_ =	shalt  }
0x46: {  	_ =	shalt  }
0x47: {  	_ =	shalt  }
0x48: {  	_ =	shalt  }
0x49: {  	_ =	shalt  }
0x4a: {  	_ =	shalt  }
0x4b: {  	_ =	shalt  }
0x4c: {  	_ =	shalt  }
0x4d: {  	_ =	shalt  }
0x4e: {  	_ =	shalt  }
0x4f: {  	_ =	shalt  }
0x50: {  	_ =	shalt  }
0x51: {  	_ =	shalt  }
0x52: {  	_ =	shalt  }
0x53: {  	_ =	shalt  }
0x54: {  	_ =	shalt  }
0x55: {  	_ =	shalt  }
0x56: {  	_ =	shalt  }
0x57: {  	_ =	shalt  }
0x58: {  	_ =	shalt  }
0x59: {  	_ =	shalt  }
0x5a: {  	_ =	shalt  }
0x5b: {  	_ =	shalt  }
0x5c: {  	_ =	shalt  }
0x5d: {  	_ =	shalt  }
0x5e: {  	_ =	shalt  }
0x5f: {  	_ =	shalt  }
0x60: {  	_ =	shalt  }
0x61: {  	_ =	shalt  }
0x62: {  	_ =	shalt  }
0x63: {  	_ =	shalt  }
0x64: {  	_ =	shalt  }
0x65: {  	_ =	shalt  }
0x66: {  	_ =	shalt  }
0x67: {  	_ =	shalt  }
0x68: {  	_ =	shalt  }
0x69: {  	_ =	shalt  }
0x6a: {  	_ =	shalt  }
0x6b: {  	_ =	shalt  }
0x6c: {  	_ =	shalt  }
0x6d: {  	_ =	shalt  }
0x6e: {  	_ =	shalt  }
0x6f: {  	_ =	shalt  }
0x70: {  	_ =	shalt  }
0x71: {  	_ =	shalt  }
0x72: {  	_ =	shalt  }
0x73: {  	_ =	shalt  }
0x74: {  	_ =	shalt  }
0x75: {  	_ =	shalt  }
0x76: {  	_ =	shalt  }
0x77: {  	_ =	shalt  }
0x78: {  	_ =	shalt  }
0x79: {  	_ =	shalt  }
0x7a: {  	_ =	shalt  }
0x7b: {  	_ =	shalt  }
0x7c: {  	_ =	shalt  }
0x7d: {  	_ =	shalt  }
0x7e: {  	_ =	shalt  }
0x7f: {  	_ =	shalt  }
0x80: {  	_ =	shalt  }
0x81: {  	_ =	shalt  }
0x82: {  	_ =	shalt  }
0x83: {  	_ =	shalt  }
0x84: {  	_ =	shalt  }
0x85: {  	_ =	shalt  }
0x86: {  	_ =	shalt  }
0x87: {  	_ =	shalt  }
.Lfunc_end0:
.L_simem_size_0:
called_computation_lowered:
.L_overlay_start_0:
0x88: {  	s2 =	sld [smem:$0x3FD9]  }
0x89: {  	s3 =	sld [smem:$0x3FFE];
	_ =	sdelay $0x1  }
0x8a: {  	s1 =	srdreg.scid  }
0x8b: {  	s0 =	sand.u32 $0x1, s1  }
0x8c: {  	s17 =	sshll.u32 s0, $0xA;
	s2 =	sadd.s32 s3, s2  }
0x8d: {  	s2 =	sadd.s32 s2, s17  }
0x8e: {  	[smem:$0x3FC4] =	sst s2  }
0x8f: {  	_ = 	snop  }
0x90: {  	s2 =	sld [smem:$0x3FC9]  }
0x91: {  	s18 =	sld [smem:$0x3FC7]  }
0x92: {  	s4 =	sld [smem:$0x3FC6]  }
0x93: {  	s5 =	sld [smem:$0x3FD0];
	(tm) =	ssettm $0x1  }
0x94: {  	s6 =	sld [smem:$0x3FFB];
	_ =	sdelay $0x3  }
0x95: {  	_ =	strace s6  }
0x96: {  	s6 =	sld [smem:$0x3FFC];
	_ =	sdelay $0x3  }
0x97: {  	_ =	strace s6  }
0x98: {  	s6 =	sld [smem:$0x3FFD];
	_ =	sdelay $0x3  }
0x99: {  	_ =	strace s6  }
0x9a: {  	_ =	strace $0x8FFFFFFF  }
0x9b: {  	s19 =	sld [smem:$0x3FDB];
	_ =	sdelay $0x1  }
0x9c: {  	s7 =	simm.s32 $_scs_section_size  }
0x9d: {  	s8 =	simm.s32 $_size__tile_overlayer_lowered;
	s9 =	simm.s32 $_tile_overlayer_lowered  }
0x9e: {  	s22 =	simm.s32 $0x1BFF;
	s21 =	sshll.u32 s9, $0x1;
	s6 =	sadd.s32 s7, s19  }
0x9f: {  	s10 =	simm.s32 $0x0;
	s20 =	sshll.u32 s8, $0x1;
	s8 =	sadd.s32 s21, s6  }
0xa0: {  	[timem:s10], [sflag:s22] =	dma.local [hbm:s8], s20  }
0xa1: {  	_ =	swait.ge [sflag:s22], s20  }
0xa2: {  	s7 =	ssub.s32 $0x0, s20;
	[sflag:s22] =	ssyncset.done $0x0  }
0xa3: {  	[sflag:s22] =	ssyncadd.s32 s7;
	_ =	sdelay $0x1  }
0xa4: {  	s23 =	simm.s32 $0x1B8B  }
0xa5: {  	_ =	swait.ge [sflag:s23], $0x1  }
0xa6: {  	[sflag:s23] =	ssyncset.done $0x0  }
0xa7: {  	s25 =	simm.s32 $0x1B8E;
	s24 =	sld [smem:$0x3FFE];
	[sflag:s23] =	ssyncadd.s32 $0xFFFFFFFF  }
0xa8: {  	s26 =	simm.s32 $execute0_lowered;
	[smem:$0x3FD2] =	sst s25  }
0xa9: {  	s8 =	sshll.u32 s26, $0x1;
	_ =	strace $0x80000046;
	[dreg:$0x1] =	wrdreg $0xFFFFFFFF  }
0xaa: {  	s28 =	simm.s32 $_size_execute0_lowered;
	s6 =	sadd.s32 s6, s8;
	[dreg:$0x0] =	wrdreg $0x0  }
0xab: {  	s8 =	sshll.u32 s28, $0x1;
	[dreg:$0x2] =	wrdreg s6  }
0xac: {  	[dreg:$0x3] =	wrdreg s8  }
0xad: {  	[dreg:$0x4] =	wrdreg $0xC0  }
0xae: {  	_ =	task [dreg:s10], $0x5FFFF  }
0xaf: {  	[dreg:$0x1] =	wrdreg $0xFFFFFFFF  }
0xb0: {  	[dreg:$0x0] =	wrdreg $0x60  }
0xb1: {  	[dreg:$0x2] =	wrdreg s2  }
0xb2: {  	[dreg:$0x3] =	wrdreg s24  }
0xb3: {  	[dreg:$0x4] =	wrdreg s18  }
0xb4: {  	[dreg:$0x5] =	wrdreg s4  }
0xb5: {  	[dreg:$0x6] =	wrdreg s5  }
0xb6: {  	[dreg:$0x7] =	wrdreg $0x0  }
0xb7: {  	[dreg:$0x8] =	wrdreg $0x9  }
0xb8: {  	_ =	task.clear_ibuf [dreg:s10], $0x9FFFF;
	_ =	strace $0x90000046  }
0xb9: {  	s29 =	simm.s32 $0x9;
	_ =	strace $0x8000004A  }
0xba: {  	_ =	swait.ge [sflag:s29], $0x1  }
0xbb: {  	[sflag:s29] =	ssyncadd.s32 $0xFFFFFFFF  }
0xbc: {  	_ =	strace $0x9000004A  }
0xbd: {  	_ =	sfence  }
0xbe: {  	s30 =	sld [smem:$0x0];
	_ =	sdelay $0x2  }
0xbf: {  	s31 =	sshll.u32 s1, $0xD;
	s1 =	sshrl.u32 s1, $0x2  }
0xc0: {  	s3 =	sand.u32 $0x4000, s31;
	s1 =	sadd.s32 s1, s30  }
0xc1: {  	s0 =	sor.u32 s3, s0;
	s1 =	sshll.u32 s1, $0x11  }
0xc2: {  	s0 =	sor.u32 s1, s0  }
0xc3: {  	s0 =	sadd.s32 $0x8F2B, s0  }
0xc4: {  	[sflag:s0] =	ssyncadd.remote.s32 $0x1  }
0xc5: {  	_ =	sfence.sel $0xFFFF  }
0xc6: {  	[dreg:$0x0] =	wrdreg $0xFFFFFFFF;
	(pc) =	sbr.abs _section_cstart, $3  }
0xc7: {  	[dreg:$0x1] =	wrdreg $0xFFFFFFFF  }
0xc8: {  	_ =	task.clear_ibuf [dreg:s10], $0x2FFFF;
	_ =	strace $0x9FFFFFFF  }
0xc9: {  	(tm) =	ssettm $0x7FFFFFFF  }
tec
execute0_lowered:
.L_overlay_start_1:
0x0: {  	(tag) =	ssettag $0x1  }
0x1: {  	s3 =	rddreg [dreg:$0x1]  }
0x2: {  	s5 =	rddreg [dreg:$0x2]  }
0x3: {  	s4 =	rddreg [dreg:$0x3]  }
0x4: {  	s6 =	rddreg [dreg:$0x4]  }
0x5: {  	s7 =	rddreg [dreg:$0x5]  }
0x6: {  	s0 =	srdreg.scid;
	s12 =	stileid.u32;
	s8 =	simm.s32 $0x0  }
0x7: {  	s28 =	simm.s32 $0x5;
	s31 =	simm.s32 $0x7D0;
	s29 =	simm.s32 $0xABE0  }
0x8: {  	s30 =	simm.s32 $0xBB80;
	s14 =	simm.s32 $0x2;
	s15 =	simm.s32 $0x101D0  }
0x9: {  	s16 =	simm.s32 $0x17ED0;
	s0 =	sand.u32 $0x1, s0;
	s1 =	sshll.u32 s12, $0x1  }
0xa: {  	[smem:$0x7FF] =	sst s8;
	s10 =	sadd.s32 $0xA000, s3;
	s11 =	sadd.s32 $0x5000, s3  }
0xb: {  	s12 =	smul.u32 $0xA, s12;
	s2 =	ssub.s32 $0x2, s0;
	s0 =	sor.u32 s0, s1  }
0xc: {  	s19 =	smov.u32 s5;
	s20 =	sshrl.u32 s2, $0x1;
	s9 =	smul.u32 $0x13880, s0  }
0xd: {  	s3 =	simm.s32 $0x0;
	_ =	strace $0x80000047;
	s21 =	ssub.s32 s2, s20  }
0xe: {  	s22 =	sshrl.u32 s9, $0x3;
	s13 =	sadd.s32 $0x7D0, s9;
	s26 =	sadd.s32 $0x1770, s9  }
0xf: {  	v0 =	vlaneseq.u32;
	s18 =	sadd.s32 $0xFA0, s9;
	s0 =	smax.u32 s21, $0x1;
	[dreg:$0xb] =	wrdreg s26  }
.Ltmp0:
0x10: {  	v0 =	vmul.u32 $0x8, v0;
	s23 =	sadd.s32 s5, s22;
	[dreg:$0xc] =	wrdreg s0;
	(pc) =	sbr.rel .LBB2_1-.Ltmp0, $4  }
0x11: {  	s1 =	sadd.s32 s4, s22;
	s24 =	sshrl.u32 s13, $0x3;
	[dreg:$0x7] =	wrdreg s23  }
0x12: {  	v1 =	vor.u32 $0x1E00, v0;
	v2 =	vor.u32 $0x1E01, v0;
	v3 =	vor.u32 $0x1E02, v0;
	s26 =	simm.s32 $0x84D0;
	[dreg:$0x8] =	wrdreg s1;
	s25 =	sadd.s32 s5, s24  }
0x13: {  	v4 =	vor.u32 $0x1E80, v0;
	v5 =	vor.u32 $0x1E81, v0;
	v6 =	vor.u32 $0x1E82, v0;
	s0 =	simm.s32 $0xC350;
	s1 =	sadd.s32 s4, s24;
	[dreg:$0x9] =	wrdreg s25  }
0x14: {  	v7 =	vor.u32 $0x3E00, v0;
	v8 =	vor.u32 $0x3E01, v0;
	v9 =	vor.u32 $0x3E02, v0;
	s5 =	simm.s32 $0x14050;
	[dreg:$0xa] =	wrdreg s1;
	s25 =	simm.s32 $0x1  }
.LBB2_12:
0x15: {  	s1 =	simm.s32 $0x3  }
0x16: {  	_ =	swait.ge [sflag:s1], $0x7D0  }
0x17: {  	[sflag:s1] =	ssyncset.done $0x0  }
0x18: {  	s2 =	simm.s32 $0x4;
	[sflag:s1] =	ssyncadd.s32 $0xFFFFF830  }
0x19: {  	_ =	swait.ge [sflag:s2], $0x7D0  }
0x1a: {  	s3 =	rddreg [dreg:$0xd]  }
0x1b: {  	s24 =	rddreg [dreg:$0xc];
	s3 =	sadd.s32 $0x1, s3  }
0x1c: {  	p0 =	sne.s32 s3, s24  }
.Ltmp1:
0x1d: {  	_ = 	snop;
	(pc) =	sbr.rel @!p0 .LBB2_13-.Ltmp1, $3  }
0x1e: {  	_ =	sdelay $0x1  }
0x1f: {  	[sflag:s2] =	ssyncset.done $0x0  }
0x20: {  	[sflag:s2] =	ssyncadd.s32 $0xFFFFF830  }
.LBB2_1:
0x21: {  	[dreg:$0xd] =	wrdreg s3  }
0x22: {  	s1 =	simm.s32 $0x0;
	_ =	strace $0x80000048  }
.LBB2_2:
0x23: {  	s2 =	sadd.s32 s12, s1  }
0x24: {  	s20 =	smul.u32 $0x7D, s2;
	_ =	sdelay $0x1  }
0x25: {  	s17 =	simm.s32 $0x0;
	s3 =	simm.s32 $0x7530;
	s21 =	sadd.s32 s10, s20  }
0x26: {  	[tilespmem:s3], [sflag:$0x1] =	stream.linear.gather [hbm4b:s21+s17], $0x3E8, $0x200038;
	[tilespmem:$0x1CCF0] =	vst v63  }
0x27: {  	s23 =	simm.s32 $0x7918;
	s24 =	rddreg [dreg:$0x1];
	s22 =	sadd.s32 s11, s20  }
0x28: {  	[tilespmem:s23], [sflag:$0x1] =	stream.linear.gather [hbm4b:s22+s17], $0x3E8, $0x200038;
	[tilespmem:$0x1CCF0] =	vst v63  }
0x29: {  	s3 =	sadd.s32 s24, s20;
	s22 =	simm.s32 $0x7D00;
	s23 =	rddreg [dreg:$0x0]  }
0x2a: {  	[tilespmem:s22], [sflag:$0x1] =	stream.linear.gather [hbm4b:s3+s17], $0x3E8, $0x200038;
	[tilespmem:$0x1CCF0] =	vst v63  }
0x2b: {  	s24 =	simm.s32 $0x80E8;
	s20 =	sadd.s32 s23, s20  }
0x2c: {  	[tilespmem:s24], [sflag:$0x1] =	stream.linear.gather [hbm4b:s20+s17], $0x3E8, $0x200038;
	[tilespmem:$0x1CCF0] =	vst v63  }
0x2d: {  	_ =	swait.ge [sflag:s25], $0x3E8  }
0x2e: {  	[sflag:s25] =	ssyncset.done $0x0  }
0x2f: {  	[sflag:s25] =	ssyncadd.s32 $0xFFFFFC18  }
0x30: {  	_ =	swait.ge [sflag:s25], $0x3E8  }
0x31: {  	[sflag:s25] =	ssyncset.done $0x0  }
0x32: {  	[sflag:s25] =	ssyncadd.s32 $0xFFFFFC18  }
0x33: {  	_ =	swait.ge [sflag:s25], $0x3E8  }
0x34: {  	[sflag:s25] =	ssyncset.done $0x0  }
0x35: {  	[sflag:s25] =	ssyncadd.s32 $0xFFFFFC18  }
0x36: {  	_ =	swait.ge [sflag:s25], $0x3E8  }
0x37: {  	[sflag:s25] =	ssyncset.done $0x0  }
0x38: {  	s20 =	simm.s32 $0x8108;
	[sflag:s25] =	ssyncadd.s32 $0xFFFFFC18  }
0x39: {  	v10 =	vld [tilespmem:s20+$0xFFFFFFE0];
	_ =	sdelay $0x4  }
0x3a: {  	(erf) = vrcp.f32 v10;
	_ =	sdelay $0x3  }
0x3b: {  	s22 =	simm.s32 $0x7550  }
0x3c: {  	v11 =	vld [tilespmem:s22+$0xFFFFFFE0];
	v10 =	vmov s17  }
0x3d: {  	v10 =	vshll.u32 v10, $0x3  }
0x3e: {  	v10 =	vor.u32 v0, v10;
	_ =	sdelay $0x1  }
0x3f: {  	v12 =	vpop (erf)  }
0x40: {  	v11 =	vmul.f32 v12, v11;
	_ =	sdelay $0x1  }
0x41: {  	s23 =	simm.s32 $0x7938;
	[tilespmem:v10+s26+$0x0] =	vst.idx.msk $0xffff, v11  }
0x42: {  	v11 =	vld [tilespmem:s23+$0xFFFFFFE0];
	_ =	sdelay $0x1  }
0x43: {  	v13 =	vor.u32 $0x1, v10;
	_ =	sdelay $0x2  }
0x44: {  	v11 =	vmul.f32 v11, v12;
	_ =	sdelay $0x1  }
0x45: {  	s21 =	simm.s32 $0x7D20;
	[tilespmem:v13+s26+$0x0] =	vst.idx.msk $0xffff, v11  }
0x46: {  	v11 =	vld [tilespmem:s21+$0xFFFFFFE0];
	_ =	sdelay $0x1  }
0x47: {  	v10 =	vor.u32 $0x2, v10;
	_ =	sdelay $0x2  }
0x48: {  	v11 =	vmul.f32 v11, v12;
	_ =	sdelay $0x1  }
0x49: {  	[tilespmem:v10+s26+$0x0] =	vst.idx.msk $0xffff, v11  }
0x4a: {  	v10 =	vld [tilespmem:s20+$0xFFFFFFF0];
	_ =	sdelay $0x4  }
0x4b: {  	(erf) = vrcp.f32 v10;
	_ =	sdelay $0x3  }
0x4c: {  	s24 =	simm.s32 $0x10  }
0x4d: {  	v11 =	vld [tilespmem:s22+$0xFFFFFFF0];
	v10 =	vmov s24  }
0x4e: {  	v10 =	vshll.u32 v10, $0x3  }
0x4f: {  	v10 =	vor.u32 v0, v10;
	_ =	sdelay $0x1  }
0x50: {  	v58 =	vpop (erf)  }
0x51: {  	v11 =	vmul.f32 v58, v11;
	_ =	sdelay $0x1  }
0x52: {  	[tilespmem:v10+s26+$0x0] =	vst.idx.msk $0xffff, v11  }
0x53: {  	v11 =	vld [tilespmem:s23+$0xFFFFFFF0];
	_ =	sdelay $0x1  }
0x54: {  	v59 =	vor.u32 $0x1, v10;
	_ =	sdelay $0x2  }
0x55: {  	v11 =	vmul.f32 v11, v58;
	_ =	sdelay $0x1  }
0x56: {  	[tilespmem:v59+s26+$0x0] =	vst.idx.msk $0xffff, v11  }
0x57: {  	v11 =	vld [tilespmem:s21+$0xFFFFFFF0];
	_ =	sdelay $0x1  }
0x58: {  	v10 =	vor.u32 $0x2, v10;
	_ =	sdelay $0x2  }
0x59: {  	v11 =	vmul.f32 v11, v58;
	_ =	sdelay $0x1  }
0x5a: {  	[tilespmem:v10+s26+$0x0] =	vst.idx.msk $0xffff, v11  }
0x5b: {  	v10 =	vld [tilespmem:s20+$0x0];
	_ =	sdelay $0x4  }
0x5c: {  	(erf) = vrcp.f32 v10;
	_ =	sdelay $0x3  }
0x5d: {  	s3 =	simm.s32 $0x20  }
0x5e: {  	v11 =	vld [tilespmem:s22+$0x0];
	v10 =	vmov s3  }
0x5f: {  	v10 =	vshll.u32 v10, $0x3  }
0x60: {  	v10 =	vor.u32 v0, v10;
	_ =	sdelay $0x1  }
0x61: {  	v60 =	vpop (erf)  }
0x62: {  	v11 =	vmul.f32 v60, v11;
	_ =	sdelay $0x1  }
0x63: {  	[tilespmem:v10+s26+$0x0] =	vst.idx.msk $0xffff, v11  }
0x64: {  	v11 =	vld [tilespmem:s23+$0x0];
	_ =	sdelay $0x1  }
0x65: {  	v61 =	vor.u32 $0x1, v10;
	_ =	sdelay $0x2  }
0x66: {  	v11 =	vmul.f32 v11, v60;
	_ =	sdelay $0x1  }
0x67: {  	[tilespmem:v61+s26+$0x0] =	vst.idx.msk $0xffff, v11  }
0x68: {  	v11 =	vld [tilespmem:s21+$0x0];
	_ =	sdelay $0x1  }
0x69: {  	v10 =	vor.u32 $0x2, v10;
	_ =	sdelay $0x2  }
0x6a: {  	v11 =	vmul.f32 v11, v60;
	_ =	sdelay $0x1  }
0x6b: {  	[tilespmem:v10+s26+$0x0] =	vst.idx.msk $0xffff, v11  }
0x6c: {  	v10 =	vld [tilespmem:s20+$0x10];
	_ =	sdelay $0x4  }
0x6d: {  	(erf) = vrcp.f32 v10;
	_ =	sdelay $0x3  }
0x6e: {  	s24 =	simm.s32 $0x30  }
0x6f: {  	v11 =	vmov s24;
	v10 =	vld [tilespmem:s22+$0x10]  }
0x70: {  	v11 =	vshll.u32 v11, $0x3  }
0x71: {  	v11 =	vor.u32 v0, v11;
	_ =	sdelay $0x1  }
0x72: {  	v62 =	vpop (erf)  }
0x73: {  	v10 =	vmul.f32 v62, v10;
	_ =	sdelay $0x1  }
0x74: {  	[tilespmem:v11+s26+$0x0] =	vst.idx.msk $0xffff, v10  }
0x75: {  	v10 =	vld [tilespmem:s23+$0x10];
	_ =	sdelay $0x1  }
0x76: {  	v63 =	vor.u32 $0x1, v11;
	_ =	sdelay $0x2  }
0x77: {  	v10 =	vmul.f32 v10, v62;
	_ =	sdelay $0x1  }
0x78: {  	[tilespmem:v63+s26+$0x0] =	vst.idx.msk $0xffff, v10  }
0x79: {  	v13 =	vld [tilespmem:s21+$0x10];
	_ =	sdelay $0x1  }
0x7a: {  	v10 =	vor.u32 $0x2, v11;
	_ =	sdelay $0x2  }
0x7b: {  	s24 =	simm.s32 $0x7590;
	v11 =	vmul.f32 v13, v62  }
0x7c: {  	s20 =	simm.s32 $0x7978;
	s22 =	simm.s32 $0x0;
	s23 =	simm.s32 $0x8148  }
.LBB2_3:
0x7d: {  	s22 =	sadd.s32 $0x4, s22;
	[tilespmem:v10+s26+$0x0] =	vst.idx.msk $0xffff, v11;
	s17 =	sadd.s32 $0x40, s17;
	s21 =	sadd.s32 $0x40, s21  }
0x7e: {  	v10 =	vld [tilespmem:s23+$0xFFFFFFE0];
	p0 =	slt.u32 s22, $0x38;
	_ =	sdelay $0x4  }
0x7f: {  	(erf) = vrcp.f32 v10;
	_ =	sdelay $0x4  }
0x80: {  	v10 =	vmov s17;
	v11 =	vld [tilespmem:s24+$0xFFFFFFE0]  }
0x81: {  	v10 =	vshll.u32 v10, $0x3  }
0x82: {  	v10 =	vor.u32 v0, v10;
	_ =	sdelay $0x1  }
0x83: {  	v12 =	vpop (erf)  }
0x84: {  	v11 =	vmul.f32 v12, v11;
	_ =	sdelay $0x1  }
0x85: {  	[tilespmem:v10+s26+$0x0] =	vst.idx.msk $0xffff, v11  }
0x86: {  	v11 =	vld [tilespmem:s20+$0xFFFFFFE0];
	_ =	sdelay $0x1  }
0x87: {  	v13 =	vor.u32 $0x1, v10;
	_ =	sdelay $0x2  }
0x88: {  	v11 =	vmul.f32 v11, v12;
	_ =	sdelay $0x1  }
0x89: {  	[tilespmem:v13+s26+$0x0] =	vst.idx.msk $0xffff, v11  }
0x8a: {  	v11 =	vld [tilespmem:s21+$0xFFFFFFE0];
	_ =	sdelay $0x1  }
0x8b: {  	v10 =	vor.u32 $0x2, v10;
	_ =	sdelay $0x2  }
0x8c: {  	v11 =	vmul.f32 v11, v12;
	_ =	sdelay $0x1  }
0x8d: {  	[tilespmem:v10+s26+$0x0] =	vst.idx.msk $0xffff, v11  }
0x8e: {  	v10 =	vld [tilespmem:s23+$0xFFFFFFF0];
	_ =	sdelay $0x4  }
0x8f: {  	(erf) = vrcp.f32 v10;
	_ =	sdelay $0x3  }
0x90: {  	s3 =	sadd.s32 $0x10, s17  }
0x91: {  	v10 =	vmov s3;
	v11 =	vld [tilespmem:s24+$0xFFFFFFF0]  }
0x92: {  	v10 =	vshll.u32 v10, $0x3  }
0x93: {  	v10 =	vor.u32 v0, v10;
	_ =	sdelay $0x1  }
0x94: {  	v12 =	vpop (erf)  }
0x95: {  	v11 =	vmul.f32 v12, v11;
	_ =	sdelay $0x1  }
0x96: {  	[tilespmem:v10+s26+$0x0] =	vst.idx.msk $0xffff, v11  }
0x97: {  	v11 =	vld [tilespmem:s20+$0xFFFFFFF0];
	_ =	sdelay $0x1  }
0x98: {  	v13 =	vor.u32 $0x1, v10;
	_ =	sdelay $0x2  }
0x99: {  	v11 =	vmul.f32 v11, v12;
	_ =	sdelay $0x1  }
0x9a: {  	[tilespmem:v13+s26+$0x0] =	vst.idx.msk $0xffff, v11  }
0x9b: {  	v11 =	vld [tilespmem:s21+$0xFFFFFFF0];
	_ =	sdelay $0x1  }
0x9c: {  	v10 =	vor.u32 $0x2, v10;
	_ =	sdelay $0x2  }
0x9d: {  	v11 =	vmul.f32 v11, v12;
	_ =	sdelay $0x1  }
0x9e: {  	[tilespmem:v10+s26+$0x0] =	vst.idx.msk $0xffff, v11  }
0x9f: {  	v10 =	vld [tilespmem:s23+$0x0];
	_ =	sdelay $0x4  }
0xa0: {  	(erf) = vrcp.f32 v10;
	_ =	sdelay $0x3  }
0xa1: {  	s3 =	sadd.s32 $0x20, s17  }
0xa2: {  	v10 =	vmov s3;
	v11 =	vld [tilespmem:s24+$0x0]  }
0xa3: {  	v10 =	vshll.u32 v10, $0x3  }
0xa4: {  	v10 =	vor.u32 v0, v10;
	_ =	sdelay $0x1  }
0xa5: {  	v12 =	vpop (erf)  }
0xa6: {  	v11 =	vmul.f32 v12, v11;
	_ =	sdelay $0x1  }
0xa7: {  	[tilespmem:v10+s26+$0x0] =	vst.idx.msk $0xffff, v11  }
0xa8: {  	v11 =	vld [tilespmem:s20+$0x0];
	_ =	sdelay $0x1  }
0xa9: {  	v13 =	vor.u32 $0x1, v10;
	_ =	sdelay $0x2  }
0xaa: {  	v11 =	vmul.f32 v11, v12;
	_ =	sdelay $0x1  }
0xab: {  	[tilespmem:v13+s26+$0x0] =	vst.idx.msk $0xffff, v11  }
0xac: {  	v11 =	vld [tilespmem:s21+$0x0];
	_ =	sdelay $0x1  }
0xad: {  	v10 =	vor.u32 $0x2, v10;
	_ =	sdelay $0x2  }
0xae: {  	v11 =	vmul.f32 v11, v12;
	_ =	sdelay $0x1  }
0xaf: {  	[tilespmem:v10+s26+$0x0] =	vst.idx.msk $0xffff, v11  }
0xb0: {  	v10 =	vld [tilespmem:s23+$0x10]  }
0xb1: {  	v11 =	vld [tilespmem:s24+$0x10];
	_ =	sdelay $0x3  }
0xb2: {  	(erf) = vrcp.f32 v10;
	_ =	sdelay $0x3  }
0xb3: {  	s3 =	sadd.s32 $0x30, s17  }
0xb4: {  	v10 =	vmov s3  }
0xb5: {  	v10 =	vshll.u32 v10, $0x3  }
0xb6: {  	v10 =	vor.u32 v0, v10;
	_ =	sdelay $0x1  }
0xb7: {  	v12 =	vpop (erf)  }
0xb8: {  	v11 =	vmul.f32 v12, v11;
	_ =	sdelay $0x1  }
0xb9: {  	[tilespmem:v10+s26+$0x0] =	vst.idx.msk $0xffff, v11  }
0xba: {  	v11 =	vld [tilespmem:s20+$0x10];
	_ =	sdelay $0x1  }
0xbb: {  	v13 =	vor.u32 $0x1, v10;
	_ =	sdelay $0x2  }
0xbc: {  	v11 =	vmul.f32 v11, v12;
	_ =	sdelay $0x1  }
0xbd: {  	[tilespmem:v13+s26+$0x0] =	vst.idx.msk $0xffff, v11  }
0xbe: {  	v11 =	vld [tilespmem:s21+$0x10];
	_ =	sdelay $0x1  }
.Ltmp2:
0xbf: {  	v10 =	vor.u32 $0x2, v10;
	(pc) =	sbr.rel @p0 .LBB2_3-.Ltmp2, $3  }
0xc0: {  	_ =	sdelay $0x1  }
0xc1: {  	v11 =	vmul.f32 v11, v12  }
0xc2: {  	s23 =	sadd.s32 $0x40, s23;
	s24 =	sadd.s32 $0x40, s24;
	s20 =	sadd.s32 $0x40, s20  }
0xc3: {  	_ =	sdelay $0x3  }
0xc4: {  	[tilespmem:v10+s26+$0x0] =	vst.idx.msk $0xffff, v11  }
0xc5: {  	v10 =	vld [tilespmem:$0x84A8];
	_ =	sdelay $0x4  }
0xc6: {  	(erf) = vrcp.f32 v10;
	_ =	sdelay $0x4  }
0xc7: {  	v10 =	vld [tilespmem:$0x78F0];
	_ =	sdelay $0x3  }
0xc8: {  	v11 =	vpop (erf)  }
0xc9: {  	v10 =	vmul.f32 v11, v10;
	_ =	sdelay $0x1  }
0xca: {  	[tilespmem:v1+s26+$0x0] =	vst.idx.msk $0xffff, v10  }
0xcb: {  	v10 =	vld [tilespmem:$0x7CD8];
	_ =	sdelay $0x4  }
0xcc: {  	v10 =	vmul.f32 v10, v11;
	_ =	sdelay $0x1  }
0xcd: {  	[tilespmem:v2+s26+$0x0] =	vst.idx.msk $0xffff, v10  }
0xce: {  	v10 =	vld [tilespmem:$0x80C0];
	_ =	sdelay $0x4  }
0xcf: {  	v10 =	vmul.f32 v10, v11;
	_ =	sdelay $0x1  }
0xd0: {  	[tilespmem:v3+s26+$0x0] =	vst.idx.msk $0xffff, v10  }
0xd1: {  	v10 =	vld [tilespmem:$0x84B8];
	_ =	sdelay $0x4  }
0xd2: {  	(erf) = vrcp.f32 v10;
	_ =	sdelay $0x4  }
0xd3: {  	v10 =	vld [tilespmem:$0x7900];
	_ =	sdelay $0x3  }
0xd4: {  	v11 =	vpop (erf)  }
0xd5: {  	v10 =	vmul.f32 v11, v10;
	_ =	sdelay $0x1  }
0xd6: {  	[tilespmem:v4+s26+$0x0] =	vst.idx.msk $0xffff, v10  }
0xd7: {  	v10 =	vld [tilespmem:$0x7CE8];
	_ =	sdelay $0x4  }
0xd8: {  	v10 =	vmul.f32 v10, v11;
	_ =	sdelay $0x1  }
0xd9: {  	[tilespmem:v5+s26+$0x0] =	vst.idx.msk $0xffff, v10  }
0xda: {  	v10 =	vld [tilespmem:$0x80D0];
	_ =	sdelay $0x3  }
0xdb: {  	s2 =	smul.u32 $0x7D00, s2  }
0xdc: {  	s1 =	sadd.s32 $0x1, s1;
	v10 =	vmul.f32 v10, v11  }
0xdd: {  	p0 =	sne.s32 s1, $0xA;
	s2 =	sshra.s32 s2, $0x2  }
.Ltmp3:
0xde: {  	s2 =	sadd.s32 s2, s7;
	[tilespmem:v6+s26+$0x0] =	vst.idx.msk $0xffff, v10;
	(pc) =	sbr.rel @p0 .LBB2_2-.Ltmp3, $4  }
0xdf: {  	[spmem:s2] =	stream.linear.scatter [tilespmem:s26], [sflag:$0x5], $0x1F40, $0x200038;
	[tilespmem:$0x1CCF0] =	vst v63  }
0xe0: {  	_ =	swait.ge [sflag:s28], $0x1F40  }
0xe1: {  	[sflag:s28] =	ssyncset.done $0x0  }
0xe2: {  	[sflag:s28] =	ssyncadd.s32 $0xFFFFE0C0  }
0xe3: {  	[bflag:$0x0] =	sbarrier.arrive $0xFFFF  }
0xe4: {  	_ =	strace $0x90000048  }
0xe5: {  	_ =	strace $0x80000049  }
0xe6: {  	s1 =	simm.s32 $0x0;
	s3 =	simm.s32 $0xA410;
	s2 =	rddreg [dreg:$0x7]  }
0xe7: {  	[tilespmem:s3], [sflag:$0x1] =	stream.linear.gather [hbm4b:s2+s1], $0x7D0, $0x200038;
	[tilespmem:$0x1CCF0] =	vst v63  }
0xe8: {  	s17 =	simm.s32 $0xB3B0;
	s22 =	rddreg [dreg:$0x8]  }
0xe9: {  	[tilespmem:s17], [sflag:$0x1] =	stream.linear.gather [hbm4b:s22+s1], $0x7D0, $0x200038;
	[tilespmem:$0x1CCF0] =	vst v63  }
0xea: {  	_ =	swait.ge [sflag:s25], $0x7D0  }
0xeb: {  	[sflag:s25] =	ssyncset.done $0x0  }
0xec: {  	[sflag:s25] =	ssyncadd.s32 $0xFFFFF830  }
0xed: {  	_ =	swait.ge [sflag:s25], $0x7D0  }
0xee: {  	[sflag:s25] =	ssyncset.done $0x0  }
0xef: {  	[sflag:s25] =	ssyncadd.s32 $0xFFFFF830  }
0xf0: {  	[tilespmem:s0], [sflag:$0x1] =	stream.indirect.gather [spmem:s7], $0x3, s3, s31, $0x2000b8;
	[tilespmem:$0x1CCF0] =	vst v63  }
0xf1: {  	_ = 	snop  }
0xf2: {  	[tilespmem:s5], [sflag:$0x1] =	stream.indirect.gather [spmem:s7], $0x3, s17, s31, $0x2000b8;
	[tilespmem:$0x1CCF0] =	vst v63  }
0xf3: {  	s23 =	rddreg [dreg:$0x9]  }
0xf4: {  	[tilespmem:s29], [sflag:$0x2] =	stream.linear.gather [hbm4b:s23+s1], $0x7D0, $0x200038;
	[tilespmem:$0x1CCF0] =	vst v63  }
0xf5: {  	s24 =	rddreg [dreg:$0xa]  }
0xf6: {  	[tilespmem:s30], [sflag:$0x2] =	stream.linear.gather [hbm4b:s24+s1], $0x7D0, $0x200038;
	[tilespmem:$0x1CCF0] =	vst v63  }
0xf7: {  	_ =	swait.ge [sflag:s14], $0x7D0  }
0xf8: {  	[sflag:s14] =	ssyncset.done $0x0  }
0xf9: {  	[sflag:s14] =	ssyncadd.s32 $0xFFFFF830  }
0xfa: {  	_ =	swait.ge [sflag:s14], $0x7D0  }
0xfb: {  	[sflag:s14] =	ssyncset.done $0x0  }
0xfc: {  	[sflag:s14] =	ssyncadd.s32 $0xFFFFF830  }
0xfd: {  	[tilespmem:s15], [sflag:$0x2] =	stream.indirect.gather [spmem:s7], $0x3, s29, s31, $0x2000b8;
	[tilespmem:$0x1CCF0] =	vst v63  }
0xfe: {  	_ = 	snop  }
0xff: {  	[tilespmem:s16], [sflag:$0x2] =	stream.indirect.gather [spmem:s7], $0x3, s30, s31, $0x2000b8;
	[tilespmem:$0x1CCF0] =	vst v63  }
0x100: {  	s2 =	simm.s32 $0x0;
	_ =	strace $0x90000049  }
.LBB2_6:
0x101: {  	_ =	swait.ge [sflag:s25], $0x1770  }
0x102: {  	[sflag:s25] =	ssyncset.done $0x0  }
0x103: {  	v10 =	vmov s1;
	[sflag:s25] =	ssyncadd.s32 $0xFFFFE890  }
0x104: {  	v10 =	vshll.u32 v10, $0x3;
	_ =	swait.ge [sflag:s25], $0x1770  }
0x105: {  	p0 =	seq.s32 s2, $0x0;
	v10 =	vor.u32 v0, v10;
	[sflag:s25] =	ssyncset.done $0x0  }
0x106: {  	s3 =	simm.s32 @!p0 $0x3;
	[sflag:s25] =	ssyncadd.s32 $0xFFFFE890  }
0x107: {  	v11 =	vor.u32 $0x1, v10;
	_ =	swait.ge @!p0 [sflag:s3], $0x7D0  }
0x108: {  	[sflag:s3] =	ssyncset.done @!p0 $0x0  }
0x109: {  	v12 =	vor.u32 $0x2, v10;
	[sflag:s3] =	ssyncadd.s32 @!p0 $0xFFFFF830  }
0x10a: {  	v13 =	vld.idx.msk [tilespmem:v10+s0+$0x0], $0xffff  }
0x10b: {  	v10 =	vld.idx.msk [tilespmem:v10+s5+$0x0], $0xffff  }
0x10c: {  	v14 =	vld.idx.msk [tilespmem:v11+s0+$0x0], $0xffff  }
0x10d: {  	v11 =	vld.idx.msk [tilespmem:v11+s5+$0x0], $0xffff  }
0x10e: {  	v15 =	vld.idx.msk [tilespmem:v12+s5+$0x0], $0xffff  }
0x10f: {  	v12 =	vld.idx.msk [tilespmem:v12+s0+$0x0], $0xffff;
	_ =	sdelay $0x2  }
0x110: {  	v10 =	vmul.f32 v10, v13;
	v11 =	vmul.f32 v11, v14;
	_ =	sdelay $0x1  }
0x111: {  	v10 =	vadd.f32 v11, v10;
	v11 =	vmul.f32 v15, v12;
	_ =	sdelay $0x1  }
0x112: {  	v10 =	vadd.f32 v11, v10;
	_ =	sdelay $0x1  }
0x113: {  	v10 =	vmul.f32 $9.499999880e-01, v10;
	_ =	sdelay $0x1  }
0x114: {  	v11 =	vand.u32 $0x7FFFFFFF, v10  }
0x115: {  	v12 =	vsub.f32 $1.000000000e+00, v11;
	_ =	sdelay $0x1  }
0x116: {  	v13 =	vshra.s32 v12, $0x1;
	v14 =	vmul.f32 $5.000000000e-01, v12  }
0x117: {  	v13 =	vsub.s32 $0x5F3759DF, v13  }
0x118: {  	v15 =	vmul.f32 v13, v14;
	_ =	sdelay $0x1  }
0x119: {  	v15 =	vmul.f32 v13, v15;
	_ =	sdelay $0x1  }
0x11a: {  	v15 =	vsub.f32 $1.500000000e+00, v15;
	_ =	sdelay $0x1  }
0x11b: {  	v16 =	vmul.f32 $1.872929930e-02, v11;
	v13 =	vmul.f32 v13, v15;
	_ =	sdelay $0x1  }
0x11c: {  	v15 =	vsub.f32 $7.426100220e-02, v16;
	v14 =	vmul.f32 v13, v14;
	_ =	sdelay $0x1  }
0x11d: {  	v15 =	vmul.f32 v15, v11;
	v14 =	vmul.f32 v14, v13;
	_ =	sdelay $0x1  }
0x11e: {  	v15 =	vadd.f32 $-2.121143940e-01, v15;
	v14 =	vsub.f32 $1.500000000e+00, v14;
	_ =	sdelay $0x1  }
0x11f: {  	v11 =	vmul.f32 v15, v11;
	v13 =	vmul.f32 v14, v13  }
0x120: {  	s22 =	simm.s32 $0x10  }
0x121: {  	v11 =	vadd.f32 $1.570728780e+00, v11;
	v12 =	vmul.f32 v13, v12;
	v13 =	vmov s22  }
0x122: {  	v13 =	vshll.u32 v13, $0x3  }
0x123: {  	v11 =	vmul.f32 v12, v11;
	v12 =	vor.u32 v0, v13  }
0x124: {  	v13 =	vor.u32 $0x1, v12  }
0x125: {  	v14 =	vsub.f32 $3.141592740e+00, v11  }
0x126: {  	vm0 =	vge.f32 v10, $0.0e+00  }
0x127: {  	s21 =	simm.s32 $0x1BD70;
	v10 =	vsel vm0, v11, v14  }
0x128: {  	[tilespmem:s21+$0xFFFFFFE0] =	vst v10;
	v10 =	vor.u32 $0x2, v12  }
0x129: {  	v11 =	vld.idx.msk [tilespmem:v13+s5+$0x0], $0xffff  }
0x12a: {  	v14 =	vld.idx.msk [tilespmem:v12+s5+$0x0], $0xffff  }
0x12b: {  	v12 =	vld.idx.msk [tilespmem:v12+s0+$0x0], $0xffff  }
0x12c: {  	v13 =	vld.idx.msk [tilespmem:v13+s0+$0x0], $0xffff  }
0x12d: {  	v15 =	vld.idx.msk [tilespmem:v10+s5+$0x0], $0xffff  }
0x12e: {  	v10 =	vld.idx.msk [tilespmem:v10+s0+$0x0], $0xffff;
	_ =	sdelay $0x2  }
0x12f: {  	v12 =	vmul.f32 v14, v12;
	v11 =	vmul.f32 v11, v13;
	_ =	sdelay $0x1  }
0x130: {  	v11 =	vadd.f32 v11, v12;
	v10 =	vmul.f32 v15, v10;
	_ =	sdelay $0x1  }
0x131: {  	v10 =	vadd.f32 v10, v11;
	_ =	sdelay $0x1  }
0x132: {  	v10 =	vmul.f32 $9.499999880e-01, v10;
	_ =	sdelay $0x1  }
0x133: {  	v11 =	vand.u32 $0x7FFFFFFF, v10  }
0x134: {  	v12 =	vsub.f32 $1.000000000e+00, v11;
	_ =	sdelay $0x1  }
0x135: {  	v13 =	vshra.s32 v12, $0x1;
	v14 =	vmul.f32 $5.000000000e-01, v12  }
0x136: {  	v13 =	vsub.s32 $0x5F3759DF, v13  }
0x137: {  	v15 =	vmul.f32 v13, v14;
	_ =	sdelay $0x1  }
0x138: {  	v15 =	vmul.f32 v13, v15;
	_ =	sdelay $0x1  }
0x139: {  	v15 =	vsub.f32 $1.500000000e+00, v15;
	_ =	sdelay $0x1  }
0x13a: {  	v61 =	vmul.f32 $1.872929930e-02, v11;
	v13 =	vmul.f32 v13, v15;
	_ =	sdelay $0x1  }
0x13b: {  	v15 =	vsub.f32 $7.426100220e-02, v61;
	v14 =	vmul.f32 v13, v14;
	_ =	sdelay $0x1  }
0x13c: {  	v15 =	vmul.f32 v15, v11;
	v14 =	vmul.f32 v14, v13;
	_ =	sdelay $0x1  }
0x13d: {  	v15 =	vadd.f32 $-2.121143940e-01, v15;
	v14 =	vsub.f32 $1.500000000e+00, v14;
	_ =	sdelay $0x1  }
0x13e: {  	v11 =	vmul.f32 v15, v11;
	v13 =	vmul.f32 v14, v13  }
0x13f: {  	s23 =	simm.s32 $0x20  }
0x140: {  	v11 =	vadd.f32 $1.570728780e+00, v11;
	v12 =	vmul.f32 v13, v12;
	v13 =	vmov s23  }
0x141: {  	v13 =	vshll.u32 v13, $0x3  }
0x142: {  	v11 =	vmul.f32 v12, v11;
	v12 =	vor.u32 v0, v13  }
0x143: {  	v13 =	vor.u32 $0x1, v12  }
0x144: {  	v14 =	vsub.f32 $3.141592740e+00, v11  }
0x145: {  	vm14 =	vge.f32 v10, $0.0e+00  }
0x146: {  	v10 =	vsel vm14, v11, v14  }
0x147: {  	[tilespmem:s21+$0xFFFFFFF0] =	vst v10;
	v10 =	vor.u32 $0x2, v12  }
0x148: {  	v11 =	vld.idx.msk [tilespmem:v13+s5+$0x0], $0xffff  }
0x149: {  	v14 =	vld.idx.msk [tilespmem:v12+s0+$0x0], $0xffff  }
0x14a: {  	v13 =	vld.idx.msk [tilespmem:v13+s0+$0x0], $0xffff  }
0x14b: {  	v12 =	vld.idx.msk [tilespmem:v12+s5+$0x0], $0xffff  }
0x14c: {  	v15 =	vld.idx.msk [tilespmem:v10+s5+$0x0], $0xffff  }
0x14d: {  	v10 =	vld.idx.msk [tilespmem:v10+s0+$0x0], $0xffff;
	_ =	sdelay $0x2  }
0x14e: {  	v11 =	vmul.f32 v11, v13;
	v12 =	vmul.f32 v12, v14;
	_ =	sdelay $0x1  }
0x14f: {  	v11 =	vadd.f32 v11, v12;
	v10 =	vmul.f32 v15, v10;
	_ =	sdelay $0x1  }
0x150: {  	v10 =	vadd.f32 v10, v11;
	_ =	sdelay $0x1  }
0x151: {  	v10 =	vmul.f32 $9.499999880e-01, v10;
	_ =	sdelay $0x1  }
0x152: {  	v11 =	vand.u32 $0x7FFFFFFF, v10  }
0x153: {  	v12 =	vsub.f32 $1.000000000e+00, v11;
	_ =	sdelay $0x1  }
0x154: {  	v13 =	vshra.s32 v12, $0x1;
	v14 =	vmul.f32 $5.000000000e-01, v12  }
0x155: {  	v13 =	vsub.s32 $0x5F3759DF, v13  }
0x156: {  	v15 =	vmul.f32 v13, v14;
	_ =	sdelay $0x1  }
0x157: {  	v15 =	vmul.f32 v13, v15;
	_ =	sdelay $0x1  }
0x158: {  	v15 =	vsub.f32 $1.500000000e+00, v15;
	_ =	sdelay $0x1  }
0x159: {  	v62 =	vmul.f32 $1.872929930e-02, v11;
	v13 =	vmul.f32 v13, v15;
	_ =	sdelay $0x1  }
0x15a: {  	v15 =	vsub.f32 $7.426100220e-02, v62;
	v14 =	vmul.f32 v13, v14;
	_ =	sdelay $0x1  }
0x15b: {  	v15 =	vmul.f32 v15, v11;
	v14 =	vmul.f32 v14, v13;
	_ =	sdelay $0x1  }
0x15c: {  	v15 =	vadd.f32 $-2.121143940e-01, v15;
	v14 =	vsub.f32 $1.500000000e+00, v14;
	_ =	sdelay $0x1  }
0x15d: {  	v11 =	vmul.f32 v15, v11;
	v13 =	vmul.f32 v14, v13;
	_ =	sdelay $0x1  }
0x15e: {  	s24 =	simm.s32 $0x30;
	v11 =	vadd.f32 $1.570728780e+00, v11;
	v12 =	vmul.f32 v13, v12  }
0x15f: {  	v13 =	vmov s24  }
0x160: {  	v13 =	vshll.u32 v13, $0x3;
	v11 =	vmul.f32 v12, v11  }
0x161: {  	v12 =	vor.u32 v0, v13  }
0x162: {  	v14 =	vor.u32 $0x1, v12;
	v13 =	vsub.f32 $3.141592740e+00, v11  }
0x163: {  	vm15 =	vge.f32 v10, $0.0e+00  }
0x164: {  	v10 =	vsel vm15, v11, v13  }
0x165: {  	v11 =	vor.u32 $0x2, v12;
	[tilespmem:s21+$0x0] =	vst v10  }
0x166: {  	v10 =	vld.idx.msk [tilespmem:v12+s0+$0x0], $0xffff  }
0x167: {  	v13 =	vld.idx.msk [tilespmem:v14+s5+$0x0], $0xffff  }
0x168: {  	v14 =	vld.idx.msk [tilespmem:v14+s0+$0x0], $0xffff  }
0x169: {  	v12 =	vld.idx.msk [tilespmem:v12+s5+$0x0], $0xffff  }
0x16a: {  	v15 =	vld.idx.msk [tilespmem:v11+s0+$0x0], $0xffff  }
0x16b: {  	v11 =	vld.idx.msk [tilespmem:v11+s5+$0x0], $0xffff;
	_ =	sdelay $0x2  }
0x16c: {  	v13 =	vmul.f32 v13, v14;
	v10 =	vmul.f32 v12, v10;
	_ =	sdelay $0x1  }
0x16d: {  	v10 =	vadd.f32 v13, v10;
	v11 =	vmul.f32 v11, v15;
	_ =	sdelay $0x1  }
0x16e: {  	v10 =	vadd.f32 v11, v10;
	_ =	sdelay $0x1  }
0x16f: {  	v10 =	vmul.f32 $9.499999880e-01, v10;
	_ =	sdelay $0x1  }
0x170: {  	v12 =	vand.u32 $0x7FFFFFFF, v10  }
0x171: {  	v11 =	vsub.f32 $1.000000000e+00, v12;
	_ =	sdelay $0x1  }
0x172: {  	v13 =	vshra.s32 v11, $0x1;
	v14 =	vmul.f32 $5.000000000e-01, v11  }
0x173: {  	v13 =	vsub.s32 $0x5F3759DF, v13  }
0x174: {  	v15 =	vmul.f32 $1.872929930e-02, v12;
	v63 =	vmul.f32 v13, v14;
	_ =	sdelay $0x1  }
0x175: {  	v15 =	vsub.f32 $7.426100220e-02, v15;
	v16 =	vmul.f32 v13, v63;
	_ =	sdelay $0x1  }
0x176: {  	v15 =	vmul.f32 v15, v12;
	v16 =	vsub.f32 $1.500000000e+00, v16;
	_ =	sdelay $0x1  }
0x177: {  	v15 =	vadd.f32 $-2.121143940e-01, v15;
	v13 =	vmul.f32 v13, v16;
	_ =	sdelay $0x1  }
0x178: {  	s17 =	simm.s32 $0x0;
	s22 =	simm.s32 $0x1BD70;
	s23 =	simm.s32 $0x0;
	v12 =	vmul.f32 v15, v12;
	v14 =	vmul.f32 v13, v14  }
.LBB2_7:
0x179: {  	_ = 	snop  }
0x17a: {  	s23 =	sadd.s32 $0x4, s23;
	s17 =	sadd.s32 $0x40, s17;
	s21 =	sadd.s32 $0x40, s21;
	v14 =	vmul.f32 v14, v13  }
0x17b: {  	p1 =	slt.u32 s23, $0x78  }
0x17c: {  	v14 =	vsub.f32 $1.500000000e+00, v14;
	_ =	sdelay $0x1  }
0x17d: {  	v13 =	vmul.f32 v14, v13  }
0x17e: {  	v12 =	vadd.f32 $1.570728780e+00, v12  }
0x17f: {  	v11 =	vmul.f32 v13, v11  }
0x180: {  	v13 =	vmov s17  }
0x181: {  	v13 =	vshll.u32 v13, $0x3;
	v11 =	vmul.f32 v11, v12  }
0x182: {  	vm0 =	vge.f32 v10, $0.0e+00;
	v12 =	vor.u32 v0, v13  }
0x183: {  	v10 =	vor.u32 $0x1, v12;
	v13 =	vor.u32 $0x2, v12;
	v14 =	vsub.f32 $3.141592740e+00, v11;
	_ =	sdelay $0x1  }
0x184: {  	v11 =	vsel vm0, v11, v14  }
0x185: {  	[tilespmem:s22+$0x10] =	vst v11;
	s22 =	smov.u32 s21  }
0x186: {  	v11 =	vld.idx.msk [tilespmem:v12+s0+$0x0], $0xffff  }
0x187: {  	v12 =	vld.idx.msk [tilespmem:v12+s5+$0x0], $0xffff  }
0x188: {  	v14 =	vld.idx.msk [tilespmem:v10+s0+$0x0], $0xffff  }
0x189: {  	v10 =	vld.idx.msk [tilespmem:v10+s5+$0x0], $0xffff  }
0x18a: {  	v15 =	vld.idx.msk [tilespmem:v13+s5+$0x0], $0xffff  }
0x18b: {  	v13 =	vld.idx.msk [tilespmem:v13+s0+$0x0], $0xffff;
	_ =	sdelay $0x1  }
0x18c: {  	v11 =	vmul.f32 v12, v11;
	_ =	sdelay $0x1  }
0x18d: {  	v10 =	vmul.f32 v10, v14;
	_ =	sdelay $0x1  }
0x18e: {  	v10 =	vadd.f32 v10, v11;
	v11 =	vmul.f32 v15, v13;
	_ =	sdelay $0x1  }
0x18f: {  	v10 =	vadd.f32 v11, v10;
	_ =	sdelay $0x1  }
0x190: {  	v10 =	vmul.f32 $9.499999880e-01, v10;
	_ =	sdelay $0x1  }
0x191: {  	v11 =	vand.u32 $0x7FFFFFFF, v10  }
0x192: {  	v12 =	vsub.f32 $1.000000000e+00, v11;
	v13 =	vmul.f32 $1.872929930e-02, v11;
	_ =	sdelay $0x1  }
0x193: {  	v14 =	vshra.s32 v12, $0x1;
	v15 =	vmul.f32 $5.000000000e-01, v12;
	v13 =	vsub.f32 $7.426100220e-02, v13  }
0x194: {  	v14 =	vsub.s32 $0x5F3759DF, v14  }
0x195: {  	v16 =	vmul.f32 v14, v15;
	v13 =	vmul.f32 v13, v11;
	_ =	sdelay $0x1  }
0x196: {  	v16 =	vmul.f32 v14, v16;
	v13 =	vadd.f32 $-2.121143940e-01, v13;
	_ =	sdelay $0x1  }
0x197: {  	v16 =	vsub.f32 $1.500000000e+00, v16;
	v11 =	vmul.f32 v13, v11;
	_ =	sdelay $0x1  }
0x198: {  	v13 =	vmul.f32 v14, v16;
	_ =	sdelay $0x1  }
0x199: {  	v14 =	vmul.f32 v13, v15;
	_ =	sdelay $0x1  }
0x19a: {  	v14 =	vmul.f32 v14, v13;
	_ =	sdelay $0x1  }
0x19b: {  	v14 =	vsub.f32 $1.500000000e+00, v14;
	_ =	sdelay $0x1  }
0x19c: {  	v13 =	vmul.f32 v14, v13  }
0x19d: {  	s3 =	sadd.s32 $0x10, s17  }
0x19e: {  	v11 =	vadd.f32 $1.570728780e+00, v11;
	v12 =	vmul.f32 v13, v12;
	v13 =	vmov s3  }
0x19f: {  	v13 =	vshll.u32 v13, $0x3  }
0x1a0: {  	v11 =	vmul.f32 v12, v11;
	v12 =	vor.u32 v0, v13  }
0x1a1: {  	v13 =	vor.u32 $0x1, v12  }
0x1a2: {  	v14 =	vsub.f32 $3.141592740e+00, v11  }
0x1a3: {  	vm0 =	vge.f32 v10, $0.0e+00  }
0x1a4: {  	v10 =	vsel vm0, v11, v14  }
0x1a5: {  	[tilespmem:s21+$0xFFFFFFE0] =	vst v10;
	v10 =	vor.u32 $0x2, v12  }
0x1a6: {  	v11 =	vld.idx.msk [tilespmem:v13+s5+$0x0], $0xffff  }
0x1a7: {  	v14 =	vld.idx.msk [tilespmem:v12+s5+$0x0], $0xffff  }
0x1a8: {  	v12 =	vld.idx.msk [tilespmem:v12+s0+$0x0], $0xffff  }
0x1a9: {  	v13 =	vld.idx.msk [tilespmem:v13+s0+$0x0], $0xffff  }
0x1aa: {  	v15 =	vld.idx.msk [tilespmem:v10+s5+$0x0], $0xffff  }
0x1ab: {  	v10 =	vld.idx.msk [tilespmem:v10+s0+$0x0], $0xffff;
	_ =	sdelay $0x2  }
0x1ac: {  	v12 =	vmul.f32 v14, v12  }
0x1ad: {  	v11 =	vmul.f32 v11, v13;
	_ =	sdelay $0x1  }
0x1ae: {  	v11 =	vadd.f32 v11, v12;
	v10 =	vmul.f32 v15, v10;
	_ =	sdelay $0x1  }
0x1af: {  	v10 =	vadd.f32 v10, v11;
	_ =	sdelay $0x1  }
0x1b0: {  	v10 =	vmul.f32 $9.499999880e-01, v10;
	_ =	sdelay $0x1  }
0x1b1: {  	v11 =	vand.u32 $0x7FFFFFFF, v10  }
0x1b2: {  	v12 =	vsub.f32 $1.000000000e+00, v11;
	v13 =	vmul.f32 $1.872929930e-02, v11;
	_ =	sdelay $0x1  }
0x1b3: {  	v14 =	vshra.s32 v12, $0x1;
	v15 =	vmul.f32 $5.000000000e-01, v12;
	v13 =	vsub.f32 $7.426100220e-02, v13  }
0x1b4: {  	v14 =	vsub.s32 $0x5F3759DF, v14  }
0x1b5: {  	v16 =	vmul.f32 v14, v15;
	v13 =	vmul.f32 v13, v11;
	_ =	sdelay $0x1  }
0x1b6: {  	v16 =	vmul.f32 v14, v16;
	v13 =	vadd.f32 $-2.121143940e-01, v13;
	_ =	sdelay $0x1  }
0x1b7: {  	v16 =	vsub.f32 $1.500000000e+00, v16;
	v11 =	vmul.f32 v13, v11;
	_ =	sdelay $0x1  }
0x1b8: {  	v13 =	vmul.f32 v14, v16;
	_ =	sdelay $0x1  }
0x1b9: {  	v14 =	vmul.f32 v13, v15;
	_ =	sdelay $0x1  }
0x1ba: {  	v14 =	vmul.f32 v14, v13;
	_ =	sdelay $0x1  }
0x1bb: {  	v14 =	vsub.f32 $1.500000000e+00, v14;
	_ =	sdelay $0x1  }
0x1bc: {  	v13 =	vmul.f32 v14, v13  }
0x1bd: {  	s3 =	sadd.s32 $0x20, s17  }
0x1be: {  	v11 =	vadd.f32 $1.570728780e+00, v11;
	v12 =	vmul.f32 v13, v12;
	v13 =	vmov s3  }
0x1bf: {  	v13 =	vshll.u32 v13, $0x3  }
0x1c0: {  	v11 =	vmul.f32 v12, v11;
	v12 =	vor.u32 v0, v13  }
0x1c1: {  	v13 =	vor.u32 $0x1, v12  }
0x1c2: {  	v14 =	vsub.f32 $3.141592740e+00, v11  }
0x1c3: {  	vm0 =	vge.f32 v10, $0.0e+00  }
0x1c4: {  	v10 =	vsel vm0, v11, v14  }
0x1c5: {  	[tilespmem:s21+$0xFFFFFFF0] =	vst v10;
	v10 =	vor.u32 $0x2, v12  }
0x1c6: {  	v11 =	vld.idx.msk [tilespmem:v13+s5+$0x0], $0xffff  }
0x1c7: {  	v14 =	vld.idx.msk [tilespmem:v12+s0+$0x0], $0xffff  }
0x1c8: {  	v13 =	vld.idx.msk [tilespmem:v13+s0+$0x0], $0xffff  }
0x1c9: {  	v12 =	vld.idx.msk [tilespmem:v12+s5+$0x0], $0xffff  }
0x1ca: {  	v15 =	vld.idx.msk [tilespmem:v10+s5+$0x0], $0xffff  }
0x1cb: {  	v10 =	vld.idx.msk [tilespmem:v10+s0+$0x0], $0xffff;
	_ =	sdelay $0x2  }
0x1cc: {  	v11 =	vmul.f32 v11, v13  }
0x1cd: {  	v12 =	vmul.f32 v12, v14;
	_ =	sdelay $0x1  }
0x1ce: {  	v11 =	vadd.f32 v11, v12;
	v10 =	vmul.f32 v15, v10;
	_ =	sdelay $0x1  }
0x1cf: {  	v10 =	vadd.f32 v10, v11;
	_ =	sdelay $0x1  }
0x1d0: {  	v10 =	vmul.f32 $9.499999880e-01, v10;
	_ =	sdelay $0x1  }
0x1d1: {  	v11 =	vand.u32 $0x7FFFFFFF, v10  }
0x1d2: {  	v12 =	vsub.f32 $1.000000000e+00, v11;
	v13 =	vmul.f32 $1.872929930e-02, v11;
	_ =	sdelay $0x1  }
0x1d3: {  	v14 =	vshra.s32 v12, $0x1;
	v15 =	vmul.f32 $5.000000000e-01, v12;
	v13 =	vsub.f32 $7.426100220e-02, v13  }
0x1d4: {  	v14 =	vsub.s32 $0x5F3759DF, v14  }
0x1d5: {  	v16 =	vmul.f32 v14, v15;
	v13 =	vmul.f32 v13, v11;
	_ =	sdelay $0x1  }
0x1d6: {  	v16 =	vmul.f32 v14, v16;
	v13 =	vadd.f32 $-2.121143940e-01, v13;
	_ =	sdelay $0x1  }
0x1d7: {  	v16 =	vsub.f32 $1.500000000e+00, v16;
	v11 =	vmul.f32 v13, v11;
	_ =	sdelay $0x1  }
0x1d8: {  	v13 =	vmul.f32 v14, v16;
	_ =	sdelay $0x1  }
0x1d9: {  	v14 =	vmul.f32 v13, v15;
	_ =	sdelay $0x1  }
0x1da: {  	v14 =	vmul.f32 v14, v13;
	_ =	sdelay $0x1  }
0x1db: {  	v14 =	vsub.f32 $1.500000000e+00, v14;
	_ =	sdelay $0x1  }
0x1dc: {  	v13 =	vmul.f32 v14, v13  }
0x1dd: {  	s3 =	sadd.s32 $0x30, s17  }
0x1de: {  	v11 =	vadd.f32 $1.570728780e+00, v11;
	v12 =	vmul.f32 v13, v12;
	v13 =	vmov s3  }
0x1df: {  	v13 =	vshll.u32 v13, $0x3  }
0x1e0: {  	v11 =	vmul.f32 v12, v11;
	v12 =	vor.u32 v0, v13  }
0x1e1: {  	v13 =	vor.u32 $0x2, v12  }
0x1e2: {  	v14 =	vsub.f32 $3.141592740e+00, v11  }
0x1e3: {  	vm0 =	vge.f32 v10, $0.0e+00  }
0x1e4: {  	v10 =	vsel vm0, v11, v14;
	v11 =	vor.u32 $0x1, v12  }
0x1e5: {  	[tilespmem:s21+$0x0] =	vst v10  }
0x1e6: {  	v10 =	vld.idx.msk [tilespmem:v13+s0+$0x0], $0xffff  }
0x1e7: {  	v14 =	vld.idx.msk [tilespmem:v12+s0+$0x0], $0xffff  }
0x1e8: {  	v13 =	vld.idx.msk [tilespmem:v13+s5+$0x0], $0xffff  }
0x1e9: {  	v15 =	vld.idx.msk [tilespmem:v11+s5+$0x0], $0xffff  }
0x1ea: {  	v11 =	vld.idx.msk [tilespmem:v11+s0+$0x0], $0xffff  }
0x1eb: {  	v12 =	vld.idx.msk [tilespmem:v12+s5+$0x0], $0xffff;
	_ =	sdelay $0x4  }
0x1ec: {  	v10 =	vmul.f32 v13, v10;
	v11 =	vmul.f32 v15, v11  }
0x1ed: {  	v12 =	vmul.f32 v12, v14;
	_ =	sdelay $0x1  }
0x1ee: {  	v11 =	vadd.f32 v11, v12;
	_ =	sdelay $0x1  }
0x1ef: {  	v10 =	vadd.f32 v10, v11;
	_ =	sdelay $0x1  }
0x1f0: {  	v10 =	vmul.f32 $9.499999880e-01, v10;
	_ =	sdelay $0x1  }
0x1f1: {  	v12 =	vand.u32 $0x7FFFFFFF, v10  }
0x1f2: {  	v11 =	vsub.f32 $1.000000000e+00, v12;
	v13 =	vmul.f32 $1.872929930e-02, v12;
	_ =	sdelay $0x1  }
0x1f3: {  	v14 =	vshra.s32 v11, $0x1;
	v15 =	vmul.f32 $5.000000000e-01, v11;
	v13 =	vsub.f32 $7.426100220e-02, v13  }
0x1f4: {  	v14 =	vsub.s32 $0x5F3759DF, v14  }
0x1f5: {  	v16 =	vmul.f32 v14, v15;
	v13 =	vmul.f32 v13, v12;
	_ =	sdelay $0x1  }
0x1f6: {  	v16 =	vmul.f32 v14, v16;
	v13 =	vadd.f32 $-2.121143940e-01, v13;
	_ =	sdelay $0x1  }
.Ltmp4:
0x1f7: {  	v16 =	vsub.f32 $1.500000000e+00, v16;
	v12 =	vmul.f32 v13, v12;
	(pc) =	sbr.rel @p1 .LBB2_7-.Ltmp4, $3  }
0x1f8: {  	_ = 	snop  }
0x1f9: {  	v13 =	vmul.f32 v14, v16;
	_ =	sdelay $0x1  }
0x1fa: {  	v14 =	vmul.f32 v13, v15  }
0x1fb: {  	_ = 	snop  }
0x1fc: {  	v14 =	vmul.f32 v14, v13;
	_ =	sdelay $0x1  }
0x1fd: {  	v14 =	vsub.f32 $1.500000000e+00, v14;
	_ =	sdelay $0x1  }
0x1fe: {  	v13 =	vmul.f32 v14, v13;
	_ =	sdelay $0x1  }
0x1ff: {  	v12 =	vadd.f32 $1.570728780e+00, v12;
	v11 =	vmul.f32 v13, v11;
	_ =	sdelay $0x1  }
0x200: {  	v11 =	vmul.f32 v11, v12;
	_ =	sdelay $0x1  }
0x201: {  	v12 =	vsub.f32 $3.141592740e+00, v11  }
0x202: {  	vm0 =	vge.f32 v10, $0.0e+00  }
0x203: {  	v10 =	vsel vm0, v11, v12  }
0x204: {  	[tilespmem:s22+$0x10] =	vst v10  }
0x205: {  	v10 =	vld.idx.msk [tilespmem:v7+s0+$0x0], $0xffff  }
0x206: {  	v11 =	vld.idx.msk [tilespmem:v8+s0+$0x0], $0xffff  }
0x207: {  	v12 =	vld.idx.msk [tilespmem:v7+s5+$0x0], $0xffff  }
0x208: {  	v13 =	vld.idx.msk [tilespmem:v8+s5+$0x0], $0xffff  }
0x209: {  	v14 =	vld.idx.msk [tilespmem:v9+s0+$0x0], $0xffff  }
0x20a: {  	v15 =	vld.idx.msk [tilespmem:v9+s5+$0x0], $0xffff;
	_ =	sdelay $0x2  }
0x20b: {  	v10 =	vmul.f32 v12, v10;
	v11 =	vmul.f32 v13, v11;
	_ =	sdelay $0x1  }
0x20c: {  	v10 =	vadd.f32 v11, v10;
	v11 =	vmul.f32 v15, v14;
	_ =	sdelay $0x1  }
0x20d: {  	v10 =	vadd.f32 v11, v10;
	_ =	sdelay $0x1  }
0x20e: {  	v10 =	vmul.f32 $9.499999880e-01, v10;
	_ =	sdelay $0x1  }
0x20f: {  	v11 =	vand.u32 $0x7FFFFFFF, v10  }
0x210: {  	v12 =	vsub.f32 $1.000000000e+00, v11;
	_ =	sdelay $0x1  }
0x211: {  	v13 =	vshra.s32 v12, $0x1;
	v14 =	vmul.f32 $5.000000000e-01, v12  }
0x212: {  	v13 =	vsub.s32 $0x5F3759DF, v13  }
0x213: {  	v15 =	vmul.f32 v13, v14;
	_ =	sdelay $0x1  }
0x214: {  	v15 =	vmul.f32 v13, v15;
	_ =	sdelay $0x1  }
0x215: {  	v15 =	vsub.f32 $1.500000000e+00, v15;
	_ =	sdelay $0x1  }
0x216: {  	v13 =	vmul.f32 v13, v15;
	v15 =	vmul.f32 $-1.872929930e-02, v11;
	_ =	sdelay $0x1  }
0x217: {  	v14 =	vmul.f32 v13, v14;
	v15 =	vadd.f32 $7.426100220e-02, v15;
	_ =	sdelay $0x1  }
0x218: {  	v14 =	vmul.f32 v14, v13;
	v15 =	vmul.f32 v15, v11;
	_ =	sdelay $0x1  }
0x219: {  	v14 =	vsub.f32 $1.500000000e+00, v14;
	v15 =	vadd.f32 $-2.121143940e-01, v15;
	_ =	sdelay $0x1  }
0x21a: {  	v13 =	vmul.f32 v14, v13;
	v11 =	vmul.f32 v15, v11;
	_ =	sdelay $0x1  }
0x21b: {  	v12 =	vmul.f32 v13, v12;
	v11 =	vadd.f32 $1.570728780e+00, v11;
	_ =	sdelay $0x1  }
0x21c: {  	v11 =	vmul.f32 v12, v11  }
0x21d: {  	s21 =	smul.u32 $0xFA0, s2  }
0x21e: {  	v12 =	vsub.f32 $3.141592740e+00, v11  }
0x21f: {  	s3 =	sadd.s32 s9, s21;
	vm12 =	vge.f32 v10, $0.0e+00  }
0x220: {  	s3 =	sshrl.u32 s3, $0x3;
	v10 =	vsel vm12, v11, v12  }
0x221: {  	s17 =	simm.s32 $0x1BD50;
	p1 =	seq.s32 s2, $0x13;
	s3 =	sadd.s32 s6, s3;
	[tilespmem:$0x1C510] =	vst v10  }
0x222: {  	[hbm4b:s3+s8] =	stream.linear.scatter [tilespmem:s17], [sflag:$0x3], $0x7D0, $0x38;
	[tilespmem:$0x1CCF0] =	vst v63  }
0x223: {  	s3 =	sadd.s32 @!p1 s21, s18  }
0x224: {  	s3 =	sshrl.u32 @!p1 s3, $0x3  }
0x225: {  	s20 =	simm.s32 @!p1 $0x0;
	s22 =	simm.s32 @!p1 $0xA410;
	s17 =	sadd.s32 @!p1 s19, s3  }
0x226: {  	[tilespmem:s22], [sflag:$0x1] =	stream.linear.gather @!p1 [hbm4b:s17+s20], $0x7D0, $0x38;
	[tilespmem:$0x1CCF0] =	vst v63  }
0x227: {  	s3 =	sadd.s32 @!p1 s4, s3;
	s17 =	simm.s32 @!p1 $0xB3B0  }
0x228: {  	[tilespmem:s17], [sflag:$0x1] =	stream.linear.gather @!p1 [hbm4b:s3+s20], $0x7D0, $0x38;
	[tilespmem:$0x1CCF0] =	vst v63  }
0x229: {  	s3 =	simm.s32 @!p1 $0x1  }
0x22a: {  	_ =	swait.ge @!p1 [sflag:s3], $0x7D0  }
0x22b: {  	[sflag:s3] =	ssyncset.done @!p1 $0x0  }
0x22c: {  	[sflag:s3] =	ssyncadd.s32 @!p1 $0xFFFFF830  }
0x22d: {  	_ =	swait.ge @!p1 [sflag:s3], $0x7D0  }
0x22e: {  	[sflag:s3] =	ssyncset.done @!p1 $0x0  }
0x22f: {  	s20 =	simm.s32 @!p1 $0xC350;
	[sflag:s3] =	ssyncadd.s32 @!p1 $0xFFFFF830;
	s3 =	simm.s32 @!p1 $0x7D0  }
0x230: {  	[tilespmem:s20], [sflag:$0x1] =	stream.indirect.gather @!p1 [spmem:s7], $0x3, s22, s3, $0xb8;
	[tilespmem:$0x1CCF0] =	vst v63  }
0x231: {  	s20 =	simm.s32 @!p1 $0x14050  }
0x232: {  	[tilespmem:s20], [sflag:$0x1] =	stream.indirect.gather @!p1 [spmem:s7], $0x3, s17, s3, $0xb8;
	[tilespmem:$0x1CCF0] =	vst v63  }
0x233: {  	_ =	swait.ge [sflag:s14], $0x1770  }
0x234: {  	s22 =	simm.s32 $0x0;
	[sflag:s14] =	ssyncset.done $0x0  }
0x235: {  	v10 =	vmov s22;
	[sflag:s14] =	ssyncadd.s32 $0xFFFFE890  }
0x236: {  	v10 =	vshll.u32 v10, $0x3;
	_ =	swait.ge [sflag:s14], $0x1770  }
0x237: {  	v10 =	vor.u32 v0, v10;
	[sflag:s14] =	ssyncset.done $0x0  }
0x238: {  	s3 =	simm.s32 @!p0 $0x4;
	[sflag:s14] =	ssyncadd.s32 $0xFFFFE890  }
0x239: {  	v11 =	vor.u32 $0x1, v10;
	_ =	swait.ge @!p0 [sflag:s3], $0x7D0  }
0x23a: {  	[sflag:s3] =	ssyncset.done @!p0 $0x0  }
0x23b: {  	v12 =	vor.u32 $0x2, v10;
	[sflag:s3] =	ssyncadd.s32 @!p0 $0xFFFFF830  }
0x23c: {  	v13 =	vld.idx.msk [tilespmem:v10+s15+$0x0], $0xffff  }
0x23d: {  	v10 =	vld.idx.msk [tilespmem:v10+s16+$0x0], $0xffff  }
0x23e: {  	v14 =	vld.idx.msk [tilespmem:v11+s15+$0x0], $0xffff  }
0x23f: {  	v11 =	vld.idx.msk [tilespmem:v11+s16+$0x0], $0xffff  }
0x240: {  	v15 =	vld.idx.msk [tilespmem:v12+s16+$0x0], $0xffff  }
0x241: {  	v12 =	vld.idx.msk [tilespmem:v12+s15+$0x0], $0xffff;
	_ =	sdelay $0x2  }
0x242: {  	v10 =	vmul.f32 v10, v13;
	v11 =	vmul.f32 v11, v14;
	_ =	sdelay $0x1  }
0x243: {  	v10 =	vadd.f32 v11, v10;
	v11 =	vmul.f32 v15, v12;
	_ =	sdelay $0x1  }
0x244: {  	v10 =	vadd.f32 v11, v10;
	_ =	sdelay $0x1  }
0x245: {  	v10 =	vmul.f32 $9.499999880e-01, v10;
	_ =	sdelay $0x1  }
0x246: {  	v11 =	vand.u32 $0x7FFFFFFF, v10  }
0x247: {  	v12 =	vsub.f32 $1.000000000e+00, v11;
	_ =	sdelay $0x1  }
0x248: {  	v13 =	vshra.s32 v12, $0x1;
	v14 =	vmul.f32 $5.000000000e-01, v12  }
0x249: {  	v13 =	vsub.s32 $0x5F3759DF, v13  }
0x24a: {  	v15 =	vmul.f32 v13, v14;
	_ =	sdelay $0x1  }
0x24b: {  	v15 =	vmul.f32 v13, v15;
	_ =	sdelay $0x1  }
0x24c: {  	v15 =	vsub.f32 $1.500000000e+00, v15;
	_ =	sdelay $0x1  }
0x24d: {  	v16 =	vmul.f32 $1.872929930e-02, v11;
	v13 =	vmul.f32 v13, v15;
	_ =	sdelay $0x1  }
0x24e: {  	v15 =	vsub.f32 $7.426100220e-02, v16;
	v14 =	vmul.f32 v13, v14;
	_ =	sdelay $0x1  }
0x24f: {  	v15 =	vmul.f32 v15, v11;
	v14 =	vmul.f32 v14, v13;
	_ =	sdelay $0x1  }
0x250: {  	v15 =	vadd.f32 $-2.121143940e-01, v15;
	v14 =	vsub.f32 $1.500000000e+00, v14;
	_ =	sdelay $0x1  }
0x251: {  	v11 =	vmul.f32 v15, v11;
	v13 =	vmul.f32 v14, v13  }
0x252: {  	s17 =	simm.s32 $0x10  }
0x253: {  	v11 =	vadd.f32 $1.570728780e+00, v11;
	v12 =	vmul.f32 v13, v12;
	v13 =	vmov s17  }
0x254: {  	v13 =	vshll.u32 v13, $0x3  }
0x255: {  	v11 =	vmul.f32 v12, v11;
	v12 =	vor.u32 v0, v13  }
0x256: {  	v13 =	vor.u32 $0x1, v12  }
0x257: {  	v14 =	vsub.f32 $3.141592740e+00, v11  }
0x258: {  	vm13 =	vge.f32 v10, $0.0e+00  }
0x259: {  	s23 =	simm.s32 $0x1C550;
	v10 =	vsel vm13, v11, v14  }
0x25a: {  	[tilespmem:s23+$0xFFFFFFD0] =	vst v10;
	v10 =	vor.u32 $0x2, v12  }
0x25b: {  	v11 =	vld.idx.msk [tilespmem:v13+s16+$0x0], $0xffff  }
0x25c: {  	v14 =	vld.idx.msk [tilespmem:v12+s16+$0x0], $0xffff  }
0x25d: {  	v12 =	vld.idx.msk [tilespmem:v12+s15+$0x0], $0xffff  }
0x25e: {  	v13 =	vld.idx.msk [tilespmem:v13+s15+$0x0], $0xffff  }
0x25f: {  	v15 =	vld.idx.msk [tilespmem:v10+s16+$0x0], $0xffff  }
0x260: {  	v10 =	vld.idx.msk [tilespmem:v10+s15+$0x0], $0xffff;
	_ =	sdelay $0x2  }
0x261: {  	v12 =	vmul.f32 v14, v12;
	v11 =	vmul.f32 v11, v13;
	_ =	sdelay $0x1  }
0x262: {  	v11 =	vadd.f32 v11, v12;
	v10 =	vmul.f32 v15, v10;
	_ =	sdelay $0x1  }
0x263: {  	v10 =	vadd.f32 v10, v11;
	_ =	sdelay $0x1  }
0x264: {  	v10 =	vmul.f32 $9.499999880e-01, v10;
	_ =	sdelay $0x1  }
0x265: {  	v11 =	vand.u32 $0x7FFFFFFF, v10  }
0x266: {  	v12 =	vsub.f32 $1.000000000e+00, v11;
	_ =	sdelay $0x1  }
0x267: {  	v13 =	vshra.s32 v12, $0x1;
	v14 =	vmul.f32 $5.000000000e-01, v12  }
0x268: {  	v13 =	vsub.s32 $0x5F3759DF, v13  }
0x269: {  	v15 =	vmul.f32 v13, v14;
	_ =	sdelay $0x1  }
0x26a: {  	v15 =	vmul.f32 v13, v15;
	_ =	sdelay $0x1  }
0x26b: {  	v15 =	vsub.f32 $1.500000000e+00, v15;
	_ =	sdelay $0x1  }
0x26c: {  	v61 =	vmul.f32 $1.872929930e-02, v11;
	v13 =	vmul.f32 v13, v15;
	_ =	sdelay $0x1  }
0x26d: {  	v15 =	vsub.f32 $7.426100220e-02, v61;
	v14 =	vmul.f32 v13, v14;
	_ =	sdelay $0x1  }
0x26e: {  	v15 =	vmul.f32 v15, v11;
	v14 =	vmul.f32 v14, v13;
	_ =	sdelay $0x1  }
0x26f: {  	v15 =	vadd.f32 $-2.121143940e-01, v15;
	v14 =	vsub.f32 $1.500000000e+00, v14;
	_ =	sdelay $0x1  }
0x270: {  	v11 =	vmul.f32 v15, v11;
	v13 =	vmul.f32 v14, v13  }
0x271: {  	s20 =	simm.s32 $0x20  }
0x272: {  	v11 =	vadd.f32 $1.570728780e+00, v11;
	v12 =	vmul.f32 v13, v12;
	v13 =	vmov s20  }
0x273: {  	v13 =	vshll.u32 v13, $0x3  }
0x274: {  	v11 =	vmul.f32 v12, v11;
	v12 =	vor.u32 v0, v13  }
0x275: {  	v13 =	vor.u32 $0x1, v12  }
0x276: {  	v14 =	vsub.f32 $3.141592740e+00, v11  }
0x277: {  	vm14 =	vge.f32 v10, $0.0e+00  }
0x278: {  	v10 =	vsel vm14, v11, v14  }
0x279: {  	[tilespmem:s23+$0xFFFFFFE0] =	vst v10;
	v10 =	vor.u32 $0x2, v12  }
0x27a: {  	v11 =	vld.idx.msk [tilespmem:v13+s16+$0x0], $0xffff  }
0x27b: {  	v14 =	vld.idx.msk [tilespmem:v12+s15+$0x0], $0xffff  }
0x27c: {  	v13 =	vld.idx.msk [tilespmem:v13+s15+$0x0], $0xffff  }
0x27d: {  	v12 =	vld.idx.msk [tilespmem:v12+s16+$0x0], $0xffff  }
0x27e: {  	v15 =	vld.idx.msk [tilespmem:v10+s16+$0x0], $0xffff  }
0x27f: {  	v10 =	vld.idx.msk [tilespmem:v10+s15+$0x0], $0xffff;
	_ =	sdelay $0x2  }
0x280: {  	v11 =	vmul.f32 v11, v13;
	v12 =	vmul.f32 v12, v14;
	_ =	sdelay $0x1  }
0x281: {  	v11 =	vadd.f32 v11, v12;
	v10 =	vmul.f32 v15, v10;
	_ =	sdelay $0x1  }
0x282: {  	v10 =	vadd.f32 v10, v11;
	_ =	sdelay $0x1  }
0x283: {  	v10 =	vmul.f32 $9.499999880e-01, v10;
	_ =	sdelay $0x1  }
0x284: {  	v11 =	vand.u32 $0x7FFFFFFF, v10  }
0x285: {  	v12 =	vsub.f32 $1.000000000e+00, v11;
	_ =	sdelay $0x1  }
0x286: {  	v13 =	vshra.s32 v12, $0x1;
	v14 =	vmul.f32 $5.000000000e-01, v12  }
0x287: {  	v13 =	vsub.s32 $0x5F3759DF, v13  }
0x288: {  	v15 =	vmul.f32 v13, v14;
	_ =	sdelay $0x1  }
0x289: {  	v15 =	vmul.f32 v13, v15;
	_ =	sdelay $0x1  }
0x28a: {  	v15 =	vsub.f32 $1.500000000e+00, v15;
	_ =	sdelay $0x1  }
0x28b: {  	v62 =	vmul.f32 $1.872929930e-02, v11;
	v13 =	vmul.f32 v13, v15;
	_ =	sdelay $0x1  }
0x28c: {  	v15 =	vsub.f32 $7.426100220e-02, v62;
	v14 =	vmul.f32 v13, v14;
	_ =	sdelay $0x1  }
0x28d: {  	v15 =	vmul.f32 v15, v11;
	v14 =	vmul.f32 v14, v13;
	_ =	sdelay $0x1  }
0x28e: {  	v15 =	vadd.f32 $-2.121143940e-01, v15;
	v14 =	vsub.f32 $1.500000000e+00, v14;
	_ =	sdelay $0x1  }
0x28f: {  	v11 =	vmul.f32 v15, v11;
	v13 =	vmul.f32 v14, v13;
	_ =	sdelay $0x1  }
0x290: {  	s24 =	simm.s32 $0x30;
	v11 =	vadd.f32 $1.570728780e+00, v11;
	v12 =	vmul.f32 v13, v12  }
0x291: {  	v13 =	vmov s24  }
0x292: {  	v13 =	vshll.u32 v13, $0x3;
	v11 =	vmul.f32 v12, v11  }
0x293: {  	v12 =	vor.u32 v0, v13  }
0x294: {  	v14 =	vor.u32 $0x1, v12;
	v13 =	vsub.f32 $3.141592740e+00, v11  }
0x295: {  	vm15 =	vge.f32 v10, $0.0e+00  }
0x296: {  	v10 =	vsel vm15, v11, v13  }
0x297: {  	v11 =	vor.u32 $0x2, v12;
	[tilespmem:s23+$0xFFFFFFF0] =	vst v10  }
0x298: {  	v10 =	vld.idx.msk [tilespmem:v12+s15+$0x0], $0xffff  }
0x299: {  	v13 =	vld.idx.msk [tilespmem:v14+s16+$0x0], $0xffff  }
0x29a: {  	v14 =	vld.idx.msk [tilespmem:v14+s15+$0x0], $0xffff  }
0x29b: {  	v12 =	vld.idx.msk [tilespmem:v12+s16+$0x0], $0xffff  }
0x29c: {  	v15 =	vld.idx.msk [tilespmem:v11+s15+$0x0], $0xffff  }
0x29d: {  	v11 =	vld.idx.msk [tilespmem:v11+s16+$0x0], $0xffff;
	_ =	sdelay $0x2  }
0x29e: {  	v13 =	vmul.f32 v13, v14;
	v10 =	vmul.f32 v12, v10;
	_ =	sdelay $0x1  }
0x29f: {  	v10 =	vadd.f32 v13, v10;
	v11 =	vmul.f32 v11, v15;
	_ =	sdelay $0x1  }
0x2a0: {  	v10 =	vadd.f32 v11, v10;
	_ =	sdelay $0x1  }
0x2a1: {  	v10 =	vmul.f32 $9.499999880e-01, v10;
	_ =	sdelay $0x1  }
0x2a2: {  	v12 =	vand.u32 $0x7FFFFFFF, v10  }
0x2a3: {  	v11 =	vsub.f32 $1.000000000e+00, v12;
	_ =	sdelay $0x1  }
0x2a4: {  	v13 =	vshra.s32 v11, $0x1;
	v14 =	vmul.f32 $5.000000000e-01, v11  }
0x2a5: {  	v13 =	vsub.s32 $0x5F3759DF, v13  }
0x2a6: {  	v15 =	vmul.f32 $1.872929930e-02, v12;
	v63 =	vmul.f32 v13, v14;
	_ =	sdelay $0x1  }
0x2a7: {  	v15 =	vsub.f32 $7.426100220e-02, v15;
	v16 =	vmul.f32 v13, v63;
	_ =	sdelay $0x1  }
0x2a8: {  	v15 =	vmul.f32 v15, v12;
	v16 =	vsub.f32 $1.500000000e+00, v16;
	_ =	sdelay $0x1  }
0x2a9: {  	v15 =	vadd.f32 $-2.121143940e-01, v15;
	v13 =	vmul.f32 v13, v16;
	_ =	sdelay $0x1  }
0x2aa: {  	s17 =	simm.s32 $0x0;
	s24 =	simm.s32 $0x1C550;
	v12 =	vmul.f32 v15, v12;
	v14 =	vmul.f32 v13, v14  }
.LBB2_9:
0x2ab: {  	_ = 	snop  }
0x2ac: {  	s17 =	sadd.s32 $0x4, s17;
	s22 =	sadd.s32 $0x40, s22;
	s23 =	sadd.s32 $0x40, s23;
	v14 =	vmul.f32 v14, v13  }
0x2ad: {  	p0 =	slt.u32 s17, $0x78  }
0x2ae: {  	v14 =	vsub.f32 $1.500000000e+00, v14;
	_ =	sdelay $0x1  }
0x2af: {  	v13 =	vmul.f32 v14, v13  }
0x2b0: {  	v12 =	vadd.f32 $1.570728780e+00, v12  }
0x2b1: {  	v11 =	vmul.f32 v13, v11  }
0x2b2: {  	v13 =	vmov s22  }
0x2b3: {  	v13 =	vshll.u32 v13, $0x3;
	v11 =	vmul.f32 v11, v12  }
0x2b4: {  	vm0 =	vge.f32 v10, $0.0e+00;
	v12 =	vor.u32 v0, v13  }
0x2b5: {  	v10 =	vor.u32 $0x1, v12;
	v13 =	vor.u32 $0x2, v12;
	v14 =	vsub.f32 $3.141592740e+00, v11;
	_ =	sdelay $0x1  }
0x2b6: {  	v11 =	vsel vm0, v11, v14  }
0x2b7: {  	[tilespmem:s24+$0x0] =	vst v11;
	s24 =	smov.u32 s23  }
0x2b8: {  	v11 =	vld.idx.msk [tilespmem:v12+s15+$0x0], $0xffff  }
0x2b9: {  	v12 =	vld.idx.msk [tilespmem:v12+s16+$0x0], $0xffff  }
0x2ba: {  	v14 =	vld.idx.msk [tilespmem:v10+s15+$0x0], $0xffff  }
0x2bb: {  	v10 =	vld.idx.msk [tilespmem:v10+s16+$0x0], $0xffff  }
0x2bc: {  	v15 =	vld.idx.msk [tilespmem:v13+s16+$0x0], $0xffff  }
0x2bd: {  	v13 =	vld.idx.msk [tilespmem:v13+s15+$0x0], $0xffff;
	_ =	sdelay $0x1  }
0x2be: {  	v11 =	vmul.f32 v12, v11;
	_ =	sdelay $0x1  }
0x2bf: {  	v10 =	vmul.f32 v10, v14;
	_ =	sdelay $0x1  }
0x2c0: {  	v10 =	vadd.f32 v10, v11;
	v11 =	vmul.f32 v15, v13;
	_ =	sdelay $0x1  }
0x2c1: {  	v10 =	vadd.f32 v11, v10;
	_ =	sdelay $0x1  }
0x2c2: {  	v10 =	vmul.f32 $9.499999880e-01, v10;
	_ =	sdelay $0x1  }
0x2c3: {  	v11 =	vand.u32 $0x7FFFFFFF, v10  }
0x2c4: {  	v12 =	vsub.f32 $1.000000000e+00, v11;
	v13 =	vmul.f32 $1.872929930e-02, v11;
	_ =	sdelay $0x1  }
0x2c5: {  	v14 =	vshra.s32 v12, $0x1;
	v15 =	vmul.f32 $5.000000000e-01, v12;
	v13 =	vsub.f32 $7.426100220e-02, v13  }
0x2c6: {  	v14 =	vsub.s32 $0x5F3759DF, v14  }
0x2c7: {  	v16 =	vmul.f32 v14, v15;
	v13 =	vmul.f32 v13, v11;
	_ =	sdelay $0x1  }
0x2c8: {  	v16 =	vmul.f32 v14, v16;
	v13 =	vadd.f32 $-2.121143940e-01, v13;
	_ =	sdelay $0x1  }
0x2c9: {  	v16 =	vsub.f32 $1.500000000e+00, v16;
	v11 =	vmul.f32 v13, v11;
	_ =	sdelay $0x1  }
0x2ca: {  	v13 =	vmul.f32 v14, v16;
	_ =	sdelay $0x1  }
0x2cb: {  	v14 =	vmul.f32 v13, v15;
	_ =	sdelay $0x1  }
0x2cc: {  	v14 =	vmul.f32 v14, v13;
	_ =	sdelay $0x1  }
0x2cd: {  	v14 =	vsub.f32 $1.500000000e+00, v14;
	_ =	sdelay $0x1  }
0x2ce: {  	v13 =	vmul.f32 v14, v13  }
0x2cf: {  	s3 =	sadd.s32 $0x10, s22  }
0x2d0: {  	v11 =	vadd.f32 $1.570728780e+00, v11;
	v12 =	vmul.f32 v13, v12;
	v13 =	vmov s3  }
0x2d1: {  	v13 =	vshll.u32 v13, $0x3  }
0x2d2: {  	v11 =	vmul.f32 v12, v11;
	v12 =	vor.u32 v0, v13  }
0x2d3: {  	v13 =	vor.u32 $0x1, v12  }
0x2d4: {  	v14 =	vsub.f32 $3.141592740e+00, v11  }
0x2d5: {  	vm0 =	vge.f32 v10, $0.0e+00  }
0x2d6: {  	v10 =	vsel vm0, v11, v14  }
0x2d7: {  	[tilespmem:s23+$0xFFFFFFD0] =	vst v10;
	v10 =	vor.u32 $0x2, v12  }
0x2d8: {  	v11 =	vld.idx.msk [tilespmem:v13+s16+$0x0], $0xffff  }
0x2d9: {  	v14 =	vld.idx.msk [tilespmem:v12+s16+$0x0], $0xffff  }
0x2da: {  	v12 =	vld.idx.msk [tilespmem:v12+s15+$0x0], $0xffff  }
0x2db: {  	v13 =	vld.idx.msk [tilespmem:v13+s15+$0x0], $0xffff  }
0x2dc: {  	v15 =	vld.idx.msk [tilespmem:v10+s16+$0x0], $0xffff  }
0x2dd: {  	v10 =	vld.idx.msk [tilespmem:v10+s15+$0x0], $0xffff;
	_ =	sdelay $0x2  }
0x2de: {  	v12 =	vmul.f32 v14, v12  }
0x2df: {  	v11 =	vmul.f32 v11, v13;
	_ =	sdelay $0x1  }
0x2e0: {  	v11 =	vadd.f32 v11, v12;
	v10 =	vmul.f32 v15, v10;
	_ =	sdelay $0x1  }
0x2e1: {  	v10 =	vadd.f32 v10, v11;
	_ =	sdelay $0x1  }
0x2e2: {  	v10 =	vmul.f32 $9.499999880e-01, v10;
	_ =	sdelay $0x1  }
0x2e3: {  	v11 =	vand.u32 $0x7FFFFFFF, v10  }
0x2e4: {  	v12 =	vsub.f32 $1.000000000e+00, v11;
	v13 =	vmul.f32 $1.872929930e-02, v11;
	_ =	sdelay $0x1  }
0x2e5: {  	v14 =	vshra.s32 v12, $0x1;
	v15 =	vmul.f32 $5.000000000e-01, v12;
	v13 =	vsub.f32 $7.426100220e-02, v13  }
0x2e6: {  	v14 =	vsub.s32 $0x5F3759DF, v14  }
0x2e7: {  	v16 =	vmul.f32 v14, v15;
	v13 =	vmul.f32 v13, v11;
	_ =	sdelay $0x1  }
0x2e8: {  	v16 =	vmul.f32 v14, v16;
	v13 =	vadd.f32 $-2.121143940e-01, v13;
	_ =	sdelay $0x1  }
0x2e9: {  	v16 =	vsub.f32 $1.500000000e+00, v16;
	v11 =	vmul.f32 v13, v11;
	_ =	sdelay $0x1  }
0x2ea: {  	v13 =	vmul.f32 v14, v16;
	_ =	sdelay $0x1  }
0x2eb: {  	v14 =	vmul.f32 v13, v15;
	_ =	sdelay $0x1  }
0x2ec: {  	v14 =	vmul.f32 v14, v13;
	_ =	sdelay $0x1  }
0x2ed: {  	v14 =	vsub.f32 $1.500000000e+00, v14;
	_ =	sdelay $0x1  }
0x2ee: {  	v13 =	vmul.f32 v14, v13  }
0x2ef: {  	s3 =	sadd.s32 $0x20, s22  }
0x2f0: {  	v11 =	vadd.f32 $1.570728780e+00, v11;
	v12 =	vmul.f32 v13, v12;
	v13 =	vmov s3  }
0x2f1: {  	v13 =	vshll.u32 v13, $0x3  }
0x2f2: {  	v11 =	vmul.f32 v12, v11;
	v12 =	vor.u32 v0, v13  }
0x2f3: {  	v13 =	vor.u32 $0x1, v12  }
0x2f4: {  	v14 =	vsub.f32 $3.141592740e+00, v11  }
0x2f5: {  	vm0 =	vge.f32 v10, $0.0e+00  }
0x2f6: {  	v10 =	vsel vm0, v11, v14  }
0x2f7: {  	[tilespmem:s23+$0xFFFFFFE0] =	vst v10;
	v10 =	vor.u32 $0x2, v12  }
0x2f8: {  	v11 =	vld.idx.msk [tilespmem:v13+s16+$0x0], $0xffff  }
0x2f9: {  	v14 =	vld.idx.msk [tilespmem:v12+s15+$0x0], $0xffff  }
0x2fa: {  	v13 =	vld.idx.msk [tilespmem:v13+s15+$0x0], $0xffff  }
0x2fb: {  	v12 =	vld.idx.msk [tilespmem:v12+s16+$0x0], $0xffff  }
0x2fc: {  	v15 =	vld.idx.msk [tilespmem:v10+s16+$0x0], $0xffff  }
0x2fd: {  	v10 =	vld.idx.msk [tilespmem:v10+s15+$0x0], $0xffff;
	_ =	sdelay $0x2  }
0x2fe: {  	v11 =	vmul.f32 v11, v13  }
0x2ff: {  	v12 =	vmul.f32 v12, v14;
	_ =	sdelay $0x1  }
0x300: {  	v11 =	vadd.f32 v11, v12;
	v10 =	vmul.f32 v15, v10;
	_ =	sdelay $0x1  }
0x301: {  	v10 =	vadd.f32 v10, v11;
	_ =	sdelay $0x1  }
0x302: {  	v10 =	vmul.f32 $9.499999880e-01, v10;
	_ =	sdelay $0x1  }
0x303: {  	v11 =	vand.u32 $0x7FFFFFFF, v10  }
0x304: {  	v12 =	vsub.f32 $1.000000000e+00, v11;
	v13 =	vmul.f32 $1.872929930e-02, v11;
	_ =	sdelay $0x1  }
0x305: {  	v14 =	vshra.s32 v12, $0x1;
	v15 =	vmul.f32 $5.000000000e-01, v12;
	v13 =	vsub.f32 $7.426100220e-02, v13  }
0x306: {  	v14 =	vsub.s32 $0x5F3759DF, v14  }
0x307: {  	v16 =	vmul.f32 v14, v15;
	v13 =	vmul.f32 v13, v11;
	_ =	sdelay $0x1  }
0x308: {  	v16 =	vmul.f32 v14, v16;
	v13 =	vadd.f32 $-2.121143940e-01, v13;
	_ =	sdelay $0x1  }
0x309: {  	v16 =	vsub.f32 $1.500000000e+00, v16;
	v11 =	vmul.f32 v13, v11;
	_ =	sdelay $0x1  }
0x30a: {  	v13 =	vmul.f32 v14, v16;
	_ =	sdelay $0x1  }
0x30b: {  	v14 =	vmul.f32 v13, v15;
	_ =	sdelay $0x1  }
0x30c: {  	v14 =	vmul.f32 v14, v13;
	_ =	sdelay $0x1  }
0x30d: {  	v14 =	vsub.f32 $1.500000000e+00, v14;
	_ =	sdelay $0x1  }
0x30e: {  	v13 =	vmul.f32 v14, v13  }
0x30f: {  	s3 =	sadd.s32 $0x30, s22  }
0x310: {  	v11 =	vadd.f32 $1.570728780e+00, v11;
	v12 =	vmul.f32 v13, v12;
	v13 =	vmov s3  }
0x311: {  	v13 =	vshll.u32 v13, $0x3  }
0x312: {  	v11 =	vmul.f32 v12, v11;
	v12 =	vor.u32 v0, v13  }
0x313: {  	v13 =	vor.u32 $0x2, v12  }
0x314: {  	v14 =	vsub.f32 $3.141592740e+00, v11  }
0x315: {  	vm0 =	vge.f32 v10, $0.0e+00  }
0x316: {  	v10 =	vsel vm0, v11, v14;
	v11 =	vor.u32 $0x1, v12  }
0x317: {  	[tilespmem:s23+$0xFFFFFFF0] =	vst v10  }
0x318: {  	v10 =	vld.idx.msk [tilespmem:v13+s15+$0x0], $0xffff  }
0x319: {  	v14 =	vld.idx.msk [tilespmem:v12+s15+$0x0], $0xffff  }
0x31a: {  	v13 =	vld.idx.msk [tilespmem:v13+s16+$0x0], $0xffff  }
0x31b: {  	v15 =	vld.idx.msk [tilespmem:v11+s16+$0x0], $0xffff  }
0x31c: {  	v11 =	vld.idx.msk [tilespmem:v11+s15+$0x0], $0xffff  }
0x31d: {  	v12 =	vld.idx.msk [tilespmem:v12+s16+$0x0], $0xffff;
	_ =	sdelay $0x4  }
0x31e: {  	v10 =	vmul.f32 v13, v10;
	v11 =	vmul.f32 v15, v11  }
0x31f: {  	v12 =	vmul.f32 v12, v14;
	_ =	sdelay $0x1  }
0x320: {  	v11 =	vadd.f32 v11, v12;
	_ =	sdelay $0x1  }
0x321: {  	v10 =	vadd.f32 v10, v11;
	_ =	sdelay $0x1  }
0x322: {  	v10 =	vmul.f32 $9.499999880e-01, v10;
	_ =	sdelay $0x1  }
0x323: {  	v12 =	vand.u32 $0x7FFFFFFF, v10  }
0x324: {  	v11 =	vsub.f32 $1.000000000e+00, v12;
	v13 =	vmul.f32 $1.872929930e-02, v12;
	_ =	sdelay $0x1  }
0x325: {  	v14 =	vshra.s32 v11, $0x1;
	v15 =	vmul.f32 $5.000000000e-01, v11;
	v13 =	vsub.f32 $7.426100220e-02, v13  }
0x326: {  	v14 =	vsub.s32 $0x5F3759DF, v14  }
0x327: {  	v16 =	vmul.f32 v14, v15;
	v13 =	vmul.f32 v13, v12;
	_ =	sdelay $0x1  }
0x328: {  	v16 =	vmul.f32 v14, v16;
	v13 =	vadd.f32 $-2.121143940e-01, v13;
	_ =	sdelay $0x1  }
.Ltmp5:
0x329: {  	v16 =	vsub.f32 $1.500000000e+00, v16;
	v12 =	vmul.f32 v13, v12;
	(pc) =	sbr.rel @p0 .LBB2_9-.Ltmp5, $3  }
0x32a: {  	_ = 	snop  }
0x32b: {  	v13 =	vmul.f32 v14, v16;
	_ =	sdelay $0x1  }
0x32c: {  	v14 =	vmul.f32 v13, v15  }
0x32d: {  	_ = 	snop  }
0x32e: {  	v14 =	vmul.f32 v14, v13;
	_ =	sdelay $0x1  }
0x32f: {  	v14 =	vsub.f32 $1.500000000e+00, v14;
	_ =	sdelay $0x1  }
0x330: {  	v55 =	vmul.f32 v14, v13;
	_ =	sdelay $0x1  }
0x331: {  	v12 =	vadd.f32 $1.570728780e+00, v12;
	v11 =	vmul.f32 v55, v11;
	_ =	sdelay $0x1  }
0x332: {  	v11 =	vmul.f32 v11, v12;
	_ =	sdelay $0x1  }
0x333: {  	v12 =	vsub.f32 $3.141592740e+00, v11  }
0x334: {  	vm0 =	vge.f32 v10, $0.0e+00  }
0x335: {  	v10 =	vsel vm0, v11, v12  }
0x336: {  	[tilespmem:s24+$0x0] =	vst v10  }
0x337: {  	v10 =	vld.idx.msk [tilespmem:v7+s15+$0x0], $0xffff  }
0x338: {  	v11 =	vld.idx.msk [tilespmem:v8+s15+$0x0], $0xffff  }
0x339: {  	v56 =	vld.idx.msk [tilespmem:v7+s16+$0x0], $0xffff  }
0x33a: {  	v57 =	vld.idx.msk [tilespmem:v8+s16+$0x0], $0xffff  }
0x33b: {  	v58 =	vld.idx.msk [tilespmem:v9+s15+$0x0], $0xffff  }
0x33c: {  	v15 =	vld.idx.msk [tilespmem:v9+s16+$0x0], $0xffff;
	_ =	sdelay $0x2  }
0x33d: {  	v10 =	vmul.f32 v56, v10;
	v11 =	vmul.f32 v57, v11;
	_ =	sdelay $0x1  }
0x33e: {  	v10 =	vadd.f32 v11, v10;
	v11 =	vmul.f32 v15, v58;
	_ =	sdelay $0x1  }
0x33f: {  	v10 =	vadd.f32 v11, v10;
	_ =	sdelay $0x1  }
0x340: {  	v10 =	vmul.f32 $9.499999880e-01, v10;
	_ =	sdelay $0x1  }
0x341: {  	v11 =	vand.u32 $0x7FFFFFFF, v10  }
0x342: {  	v59 =	vsub.f32 $1.000000000e+00, v11;
	_ =	sdelay $0x1  }
0x343: {  	v60 =	vshra.s32 v59, $0x1;
	v61 =	vmul.f32 $5.000000000e-01, v59  }
0x344: {  	v13 =	vsub.s32 $0x5F3759DF, v60  }
0x345: {  	v62 =	vmul.f32 v13, v61;
	_ =	sdelay $0x1  }
0x346: {  	v15 =	vmul.f32 v13, v62;
	_ =	sdelay $0x1  }
0x347: {  	v15 =	vsub.f32 $1.500000000e+00, v15;
	_ =	sdelay $0x1  }
0x348: {  	v63 =	vmul.f32 $-1.872929930e-02, v11;
	v13 =	vmul.f32 v13, v15;
	_ =	sdelay $0x1  }
0x349: {  	v15 =	vadd.f32 $7.426100220e-02, v63;
	v14 =	vmul.f32 v13, v61;
	_ =	sdelay $0x1  }
0x34a: {  	v15 =	vmul.f32 v15, v11;
	v14 =	vmul.f32 v14, v13;
	_ =	sdelay $0x1  }
0x34b: {  	v15 =	vadd.f32 $-2.121143940e-01, v15;
	v14 =	vsub.f32 $1.500000000e+00, v14;
	_ =	sdelay $0x1  }
0x34c: {  	v11 =	vmul.f32 v15, v11;
	v13 =	vmul.f32 v14, v13;
	_ =	sdelay $0x1  }
0x34d: {  	v11 =	vadd.f32 $1.570728780e+00, v11;
	v12 =	vmul.f32 v13, v59;
	_ =	sdelay $0x1  }
0x34e: {  	v11 =	vmul.f32 v12, v11;
	_ =	sdelay $0x1  }
.Ltmp6:
0x34f: {  	v12 =	vsub.f32 $3.141592740e+00, v11;
	(pc) =	sbr.rel @p1 .LBB2_12-.Ltmp6, $4  }
0x350: {  	s3 =	sadd.s32 s21, s13;
	vm15 =	vge.f32 v10, $0.0e+00  }
0x351: {  	s3 =	sshrl.u32 s3, $0x3;
	v10 =	vsel vm15, v11, v12  }
0x352: {  	s17 =	simm.s32 $0x1C520;
	s3 =	sadd.s32 s6, s3;
	[tilespmem:$0x1CCE0] =	vst v10  }
0x353: {  	[hbm4b:s3+s8] =	stream.linear.scatter [tilespmem:s17], [sflag:$0x4], $0x7D0, $0x38;
	[tilespmem:$0x1CCF0] =	vst v63  }
0x354: {  	s3 =	rddreg [dreg:$0xb]  }
0x355: {  	s3 =	sadd.s32 s21, s3  }
0x356: {  	s3 =	sshrl.u32 s3, $0x3  }
0x357: {  	s17 =	sadd.s32 s19, s3  }
0x358: {  	[tilespmem:s29], [sflag:$0x2] =	stream.linear.gather [hbm4b:s17+s8], $0x7D0, $0x38;
	[tilespmem:$0x1CCF0] =	vst v63  }
0x359: {  	s3 =	sadd.s32 s4, s3  }
0x35a: {  	[tilespmem:s30], [sflag:$0x2] =	stream.linear.gather [hbm4b:s3+s8], $0x7D0, $0x38;
	[tilespmem:$0x1CCF0] =	vst v63  }
0x35b: {  	_ =	swait.ge [sflag:s14], $0x7D0  }
0x35c: {  	[sflag:s14] =	ssyncset.done $0x0  }
0x35d: {  	[sflag:s14] =	ssyncadd.s32 $0xFFFFF830  }
0x35e: {  	_ =	swait.ge [sflag:s14], $0x7D0  }
.Ltmp7:
0x35f: {  	[sflag:s14] =	ssyncset.done $0x0;
	(pc) =	sbr.rel .LBB2_6-.Ltmp7, $4  }
0x360: {  	[sflag:s14] =	ssyncadd.s32 $0xFFFFF830  }
0x361: {  	[tilespmem:s15], [sflag:$0x2] =	stream.indirect.gather [spmem:s7], $0x3, s29, s31, $0xb8;
	[tilespmem:$0x1CCF0] =	vst v63  }
0x362: {  	s2 =	sadd.s32 $0x1, s2  }
0x363: {  	[tilespmem:s16], [sflag:$0x2] =	stream.indirect.gather [spmem:s7], $0x3, s30, s31, $0xb8;
	[tilespmem:$0x1CCF0] =	vst v63  }
.LBB2_13:
0x364: {  	_ =	sfence.sel $0x180000  }
0x365: {  	[bflag:$0x0] =	sbarrier.arrive $0xFFFF  }
0x366: {  	_ =	strace $0x90000047  }
0x367: {  	s0 =	stileid.u32;
	[bflag:$0x2] =	sbarrier.arrive $0xFFFF  }
0x368: {  	p0 =	sne.s32 s0, $0x0;
	s0 =	rddreg [dreg:$0x6]  }
0x369: {  	s0 =	sadd.s32 @!p0 $0x100000, s0  }
0x36a: {  	[sflag:s0] =	ssyncadd.tile.s32 @!p0 $0x1;
	_ =	shalt  }
.Lfunc_end2:
_tile_overlayer_lowered:
.L_overlay_start_2:
0x36b: {  	(tag) =	ssettag $0x2  }
0x36c: {  	s0 =	rddreg [dreg:$0x0];
	s2 =	stileid.u32  }
0x36d: {  	s1 =	rddreg [dreg:$0x1];
	p0 =	sne.s32 s2, $0x0  }
0x36e: {  	s3 =	rddreg [dreg:$0x2];
	[bflag:$0x3] =	sbarrier.arrive $0xFFFF;
	s2 =	simm.s32 @!p0 $0x1C05  }
0x36f: {  	[timem:s3], [sflag:s2] =	dma.local @!p0 [hbm:s0], s1  }
0x370: {  	s0 =	simm.s32 @!p0 $0x5  }
0x371: {  	_ =	swait.ge @!p0 [sflag:s0], s1  }
0x372: {  	s1 =	ssub.s32 @!p0 $0x0, s1;
	[sflag:s0] =	ssyncset.done @!p0 $0x0  }
0x373: {  	[sflag:s0] =	ssyncadd.s32 @!p0 s1  }
0x374: {  	[bflag:$0x3] =	sbarrier.arrive $0xFFFF  }
0x375: {  	_ =	shalt  }

</sc_bundles>
